<compile_context>
chip_gen: v7x
topology: tpu7x:2x2x1
jax: 0.10.2.dev20260603
libtpu: 0.0.44.dev20260713+nightly
codegen_flags: <defaults>
</compile_context>

<pallas_src>
import dataclasses
import functools

import jax
import jax.numpy as jnp
from jax import lax
from jax.experimental import pallas as pl
from jax.experimental.pallas import tpu as pltpu
from jax.experimental.pallas import tpu_sc as plsc

N_NODES = 10000
D = 128
DH = 64
NC = 2
NS = 16
NW = NC * NS
L = 16
CHUNK = 128
C0_CHUNKS_P1, C1_CHUNKS_P1 = 124, 34
C0_CHUNKS_P2, C1_CHUNKS_P2 = 120, 38
PAD_CHUNKS = max(
    NS * C0_CHUNKS_P1 + (NS - 1) * C1_CHUNKS_P1 + C0_CHUNKS_P1,
    NS * C0_CHUNKS_P2 + (NS - 1) * C1_CHUNKS_P2 + C0_CHUNKS_P2)
NPAD = 10112
ROWS_PER_TILE = NPAD // NS


def _sc_scatter_pass(feat_l, feat_r, src2d, dst2d, with_counts, c0, c1):
  mesh = plsc.VectorSubcoreMesh(core_axis_name="c", subcore_axis_name="s")
  out_types = [jax.ShapeDtypeStruct((NC, NPAD, D), jnp.float32)]
  scratch = [
      pltpu.VMEM((c0, CHUNK), jnp.int32),
      pltpu.VMEM((c0, CHUNK), jnp.int32),
      pltpu.VMEM((CHUNK, DH), jnp.float32),
      pltpu.VMEM((CHUNK, DH), jnp.float32),
      pltpu.VMEM((CHUNK, DH), jnp.float32),
      pltpu.VMEM_SHARED((NPAD, DH), jnp.float32),
      pltpu.SemaphoreType.DMA,
      pltpu.SemaphoreType.DMA,
  ]
  if with_counts:
    out_types.append(jax.ShapeDtypeStruct((NW, NPAD), jnp.float32))
    scratch.append(pltpu.VMEM((NPAD,), jnp.float32))

  cp = pltpu.CompilerParams()
  if "needs_layout_passes" in pltpu.CompilerParams.__dataclass_fields__:
    cp = dataclasses.replace(cp, needs_layout_passes=False)
  if "use_tc_tiling_on_sc" in pltpu.CompilerParams.__dataclass_fields__:
    cp = dataclasses.replace(cp, use_tc_tiling_on_sc=False)

  @functools.partial(
      pl.kernel, out_type=tuple(out_types), mesh=mesh, scratch_types=scratch,
      compiler_params=cp)
  def k(fl_hbm, fr_hbm, src_hbm, dst_hbm, out_hbm, *rest):
    if with_counts:
      cnt_hbm, srcv, dstv, buf_a, buf_b, zbuf, acc, sem_a, sem_b, cntv = rest
    else:
      srcv, dstv, buf_a, buf_b, zbuf, acc, sem_a, sem_b = rest
    c = lax.axis_index("c")
    s = lax.axis_index("s")
    wid = c * NS + s
    rows = pl.ds(s * ROWS_PER_TILE, ROWS_PER_TILE)
    off = jnp.where(c == 0, s * c0, NS * c0 + s * c1)
    nck = jnp.where(c == 0, c0, c1)

    pltpu.sync_copy(src_hbm.at[pl.ds(off, c0)], srcv)
    pltpu.sync_copy(dst_hbm.at[pl.ds(off, c0)], dstv)

    zero16 = jnp.zeros((L,), jnp.float32)

    @pl.loop(0, CHUNK)
    def _(r):
      for q in range(DH // L):
        zbuf[r, pl.ds(q * L, L)] = zero16

    if with_counts:
      @pl.loop(0, NPAD // L)
      def _(i):
        cntv[pl.ds(i * L, L)] = zero16

    ones16 = jnp.ones((L,), jnp.float32)

    for half, feat_hbm in enumerate((fl_hbm, fr_hbm)):
      base = s * ROWS_PER_TILE
      for kk in range(ROWS_PER_TILE // CHUNK):
        pltpu.sync_copy(zbuf, acc.at[pl.ds(base + kk * CHUNK, CHUNK)])
      rem = ROWS_PER_TILE % CHUNK
      if rem:
        pltpu.sync_copy(
            zbuf.at[pl.ds(0, rem)],
            acc.at[pl.ds(base + ROWS_PER_TILE - rem, rem)])
      plsc.subcore_barrier()

      pltpu.async_copy(feat_hbm.at[srcv.at[0]], buf_a, sem_a)

      do_counts = with_counts and half == 0

      @pl.loop(0, nck, step=2)
      def _(j):
        pltpu.async_copy(feat_hbm.at[srcv.at[j + 1]], buf_b, sem_b)
        if do_counts:
          for jo in (0, 1):
            for q in range(CHUNK // L):
              idx = dstv[j + jo, pl.ds(q * L, L)]
              plsc.addupdate_scatter(cntv, [idx], ones16)
        pltpu.make_async_copy(feat_hbm.at[srcv.at[j]], buf_a, sem_a).wait()
        pltpu.sync_copy(buf_a, acc.at[dstv.at[j]], add=True)

        @pl.when(j + 2 < nck)
        def _():
          pltpu.async_copy(feat_hbm.at[srcv.at[j + 2]], buf_a, sem_a)

        pltpu.make_async_copy(feat_hbm.at[srcv.at[j + 1]], buf_b, sem_b).wait()
        pltpu.sync_copy(buf_b, acc.at[dstv.at[j + 1]], add=True)

      if do_counts:
        pltpu.sync_copy(cntv, cnt_hbm.at[wid])
      plsc.subcore_barrier()

      pltpu.sync_copy(acc.at[rows],
                      out_hbm.at[c].at[rows, pl.ds(half * DH, DH)])
      plsc.subcore_barrier()

  return k(feat_l, feat_r, src2d, dst2d)


def _dot_t(a, w):
  return lax.dot_general(a, w, (((1,), (1,)), ((), ())),
                         preferred_element_type=jnp.float32)


def _combine(p_ref, c_ref):
  agg = (p_ref[0] + p_ref[1])[:N_NODES]
  cnt = jnp.sum(c_ref[...], axis=0)[:N_NODES]
  return agg / jnp.maximum(cnt, 1.0)[:, None]


def _tc_layer(parts, cnts, h_in, wl, bl, wr):

  def body(p_ref, c_ref, x_ref, wl_ref, bl_ref, wr_ref, o_ref):
    agg = _combine(p_ref, c_ref)
    h = (_dot_t(agg, wl_ref[...]) + bl_ref[...][None, :]
         + _dot_t(x_ref[...], wr_ref[...]))
    o_ref[...] = jnp.maximum(h, 0.0)

  return pl.pallas_call(
      body,
      out_shape=jax.ShapeDtypeStruct((N_NODES, D), jnp.float32),
  )(parts, cnts, h_in, wl, bl, wr)


def _tc_head(parts, cnts, h1, w2l, b2l, w2r, wlin1, blin1, wout, bout):

  def body(p_ref, c_ref, h1_ref, w2l_ref, b2l_ref, w2r_ref, wlin1_ref,
           blin1_ref, wout_ref, bout_ref, o_ref):
    agg = _combine(p_ref, c_ref)
    h2 = (_dot_t(agg, w2l_ref[...]) + b2l_ref[...][None, :]
          + _dot_t(h1_ref[...], w2r_ref[...]))
    h2 = jnp.maximum(h2, 0.0)
    g = jnp.mean(h2, axis=0, keepdims=True)
    z = _dot_t(g, wlin1_ref[...]) + blin1_ref[...][None, :]
    z = jnp.maximum(z, 0.0)
    ssum = jnp.sum(z * wout_ref[...]) + bout_ref[0]
    sv = jax.nn.sigmoid(ssum)
    o_ref[...] = jnp.full((N_NODES, 1), sv, jnp.float32)

  return pl.pallas_call(
      body,
      out_shape=jax.ShapeDtypeStruct((N_NODES, 1), jnp.float32),
  )(parts, cnts, h1, w2l, b2l, w2r, wlin1, blin1, wout, bout)


@jax.jit
def kernel(x, edge_index, W1l, b1l, W1r, W2l, b2l, W2r, Wlin1, blin1, Wout,
           bout):
  e = edge_index.astype(jnp.int32)
  src, dst = e[0], e[1]
  epad = PAD_CHUNKS * CHUNK
  n_extra = epad - src.shape[0]
  pad_dst = N_NODES + jnp.arange(n_extra, dtype=jnp.int32) % (NPAD - N_NODES)
  src2d = jnp.concatenate(
      [src, jnp.zeros((n_extra,), jnp.int32)]).reshape(PAD_CHUNKS, CHUNK)
  dst2d = jnp.concatenate([dst, pad_dst]).reshape(PAD_CHUNKS, CHUNK)

  parts1, cnts = _sc_scatter_pass(
      x[:, :DH], x[:, DH:], src2d, dst2d, with_counts=True,
      c0=C0_CHUNKS_P1, c1=C1_CHUNKS_P1)
  h1 = _tc_layer(parts1, cnts, x, W1l, b1l, W1r)
  (parts2,) = _sc_scatter_pass(
      h1[:, :DH], h1[:, DH:], src2d, dst2d, with_counts=False,
      c0=C0_CHUNKS_P2, c1=C1_CHUNKS_P2)
  return _tc_head(parts2, cnts, h1, W2l, b2l, W2r, Wlin1, blin1, Wout, bout)

# --- scband reference (transcript-rebuilt; emitter-appended) ---
"""Pipeline reference for scband-graph-sagemodel-23364622090888 (READ-ONLY COPY).

The authoritative reference and input builder live on the scoring server;
editing this copy changes nothing except your own understanding.
"""

import jax, jax.numpy as jnp
import numpy as np

N_NODES = 10000
N_EDGES = 320000
D_IN = 128
HID = 128


def setup_inputs(seed: int = 0) -> dict:
    key = jax.random.key(seed)
    ks = jax.random.split(key, 16)
    x = jax.random.normal(ks[0], (N_NODES, D_IN), dtype=jnp.float32)
    edge_index = jax.random.randint(ks[1], (2, N_EDGES), 0, N_NODES, dtype=jnp.int64)
    s_in = 1.0 / np.sqrt(D_IN)
    s_h = 1.0 / np.sqrt(HID)
    s_64 = 1.0 / np.sqrt(64)
    W1l = jax.random.normal(ks[2], (HID, D_IN), dtype=jnp.float32) * s_in
    b1l = jax.random.normal(ks[3], (HID,), dtype=jnp.float32) * s_in
    W1r = jax.random.normal(ks[4], (HID, D_IN), dtype=jnp.float32) * s_in
    W2l = jax.random.normal(ks[5], (HID, HID), dtype=jnp.float32) * s_h
    b2l = jax.random.normal(ks[6], (HID,), dtype=jnp.float32) * s_h
    W2r = jax.random.normal(ks[7], (HID, HID), dtype=jnp.float32) * s_h
    Wlin1 = jax.random.normal(ks[8], (64, HID), dtype=jnp.float32) * s_h
    blin1 = jax.random.normal(ks[9], (64,), dtype=jnp.float32) * s_h
    Wout = jax.random.normal(ks[10], (1, 64), dtype=jnp.float32) * s_64
    bout = jax.random.normal(ks[11], (1,), dtype=jnp.float32) * s_64
    return {"x": x, "edge_index": edge_index, "W1l": W1l, "b1l": b1l, "W1r": W1r,
            "W2l": W2l, "b2l": b2l, "W2r": W2r, "Wlin1": Wlin1, "blin1": blin1,
            "Wout": Wout, "bout": bout}


def _sage_conv(x, src, dst, Wl, bl, Wr, n_nodes):
    # PyG SAGEConv (mean aggr): out = lin_l(mean_{j in N(i)} x_j) + lin_r(x_i)
    msgs = jnp.take(x, src, axis=0)
    agg = jax.ops.segment_sum(msgs, dst, num_segments=n_nodes)
    cnt = jax.ops.segment_sum(jnp.ones((src.shape[0],), dtype=x.dtype), dst, num_segments=n_nodes)
    agg = agg / jnp.maximum(cnt, 1.0)[:, None]
    return agg @ Wl.T + bl + x @ Wr.T


def reference(x, edge_index, W1l, b1l, W1r, W2l, b2l, W2r, Wlin1, blin1, Wout, bout):
    src = edge_index[0]
    dst = edge_index[1]
    n = x.shape[0]
    h = jax.nn.relu(_sage_conv(x, src, dst, W1l, b1l, W1r, n))
    h = jax.nn.relu(_sage_conv(h, src, dst, W2l, b2l, W2r, n))
    # batch is None -> mean over all nodes, repeated back to N rows
    g = jnp.mean(h, axis=0, keepdims=True)
    g = jnp.repeat(g, n, axis=0)
    g = jax.nn.relu(g @ Wlin1.T + blin1)  # dropout is identity in eval
    out = jax.nn.sigmoid(g @ Wout.T + bout)
    return out

if __name__ == "__main__":
    import jax
    _d = setup_inputs()
    print(jax.jit(kernel)(*tuple(_d.values())))

</pallas_src>

<mosaic_0001>
#map = affine_map<(d0, d1) -> (0, 0)>
#map1 = affine_map<(d0, d1) -> (0, 0, 0)>
module attributes {stable_mosaic.version = 14 : i64} {
  func.func @k(%arg0: i32, %arg1: i32, %arg2: memref<10000x64xf32, #tpu.memory_space<hbm>>, %arg3: memref<10000x64xf32, #tpu.memory_space<hbm>>, %arg4: memref<2618x128xi32, #tpu.memory_space<hbm>>, %arg5: memref<2618x128xi32, #tpu.memory_space<hbm>>, %arg6: memref<2x10112x128xf32, #tpu.memory_space<hbm>>, %arg7: memref<32x10112xf32, #tpu.memory_space<hbm>>, %arg8: memref<124x128xi32, #tpu.memory_space<vmem>>, %arg9: memref<124x128xi32, #tpu.memory_space<vmem>>, %arg10: memref<128x64xf32, #tpu.memory_space<vmem>>, %arg11: memref<128x64xf32, #tpu.memory_space<vmem>>, %arg12: memref<128x64xf32, #tpu.memory_space<vmem>>, %arg13: memref<10112x64xf32, #tpu.memory_space<vmem_shared>>, %arg14: memref<!tpu.dma_semaphore, #tpu.memory_space<semaphore_mem>>, %arg15: memref<!tpu.dma_semaphore, #tpu.memory_space<semaphore_mem>>, %arg16: memref<10112xf32, #tpu.memory_space<vmem>>) attributes {dimension_semantics = [#tpu.dimension_semantics<core_parallel>, #tpu.dimension_semantics<subcore_parallel>], iteration_bounds = array<i64: 2, 16>, scalar_prefetch = 0 : i64, scratch_operands = 9 : i64, tpu.core_type = #tpu.core_type<sc_vector_subcore>, window_params = [{transform_indices = #map}, {transform_indices = #map}, {transform_indices = #map}, {transform_indices = #map}, {transform_indices = #map1}, {transform_indices = #map}]} {
    %mul3A = arith.constant 16 : i32
    %mul3A_0 = arith.muli %arg0, %mul3A : i32
    %add3A = arith.addi %mul3A_0, %arg1 : i32
    %mul3A_1 = arith.constant 632 : i32
    %mul3A_2 = arith.muli %arg1, %mul3A_1 : i32
    %eq3A = arith.constant 0 : i32
    %eq3A_3 = arith.cmpi eq, %arg0, %eq3A : i32
    %mul3A_4 = arith.constant 124 : i32
    %mul3A_5 = arith.muli %arg1, %mul3A_4 : i32
    %mul3A_6 = arith.constant 34 : i32
    %mul3A_7 = arith.muli %arg1, %mul3A_6 : i32
    %add3A_8 = arith.constant 1984 : i32
    %add3A_9 = arith.addi %add3A_8, %mul3A_7 : i32
    %select_n3A = arith.select %eq3A_3, %mul3A_5, %add3A_9 : i32
    %eq3A_10 = arith.constant 0 : i32
    %eq3A_11 = arith.cmpi eq, %arg0, %eq3A_10 : i32
    %jit3A = arith.constant 124 : i32
    %jit3A_12 = arith.constant 34 : i32
    %select_n3A_13 = arith.select %eq3A_11, %jit3A, %jit3A_12 : i32
    "tpu.region"() ({
      %run_scoped3A = tpu.sem_alloc : memref<!tpu.dma_semaphore, #tpu.memory_space<semaphore_mem>>
      %dma_start3A_107 = arith.constant 0 : i32
      %dma_start3A_108 = tpu.memref_slice %arg4[%select_n3A, %dma_start3A_107] : memref<2618x128xi32, #tpu.memory_space<hbm>> -> memref<124x128xi32, #tpu.memory_space<hbm>>
      %dma_start3A_109 = arith.constant 0 : i32
      %dma_start3A_110 = tpu.memref_slice %arg4[%select_n3A, %dma_start3A_109] : memref<2618x128xi32, #tpu.memory_space<hbm>> -> memref<124x128xi32, #tpu.memory_space<hbm>>
      tpu.enqueue_dma source(%dma_start3A_110 : memref<124x128xi32, #tpu.memory_space<hbm>>) target(%arg8 : memref<124x128xi32, #tpu.memory_space<vmem>>) target_semaphore(%run_scoped3A : memref<!tpu.dma_semaphore, #tpu.memory_space<semaphore_mem>>)
      %dma_wait3A = arith.constant 0 : i32
      %dma_wait3A_111 = tpu.memref_slice %arg4[%select_n3A, %dma_wait3A] : memref<2618x128xi32, #tpu.memory_space<hbm>> -> memref<124x128xi32, #tpu.memory_space<hbm>>
      %dma_wait3A_112 = arith.constant 0 : i32
      %dma_wait3A_113 = tpu.memref_slice %arg4[%select_n3A, %dma_wait3A_112] : memref<2618x128xi32, #tpu.memory_space<hbm>> -> memref<124x128xi32, #tpu.memory_space<hbm>>
      tpu.wait_dma2 semaphore(%run_scoped3A : memref<!tpu.dma_semaphore, #tpu.memory_space<semaphore_mem>>) src(%dma_wait3A_113 : memref<124x128xi32, #tpu.memory_space<hbm>>) dst(%arg8 : memref<124x128xi32, #tpu.memory_space<vmem>>)
      tpu.yield
    }) : () -> ()
    "tpu.region"() ({
      %run_scoped3A = tpu.sem_alloc : memref<!tpu.dma_semaphore, #tpu.memory_space<semaphore_mem>>
      %dma_start3A_107 = arith.constant 0 : i32
      %dma_start3A_108 = tpu.memref_slice %arg5[%select_n3A, %dma_start3A_107] : memref<2618x128xi32, #tpu.memory_space<hbm>> -> memref<124x128xi32, #tpu.memory_space<hbm>>
      %dma_start3A_109 = arith.constant 0 : i32
      %dma_start3A_110 = tpu.memref_slice %arg5[%select_n3A, %dma_start3A_109] : memref<2618x128xi32, #tpu.memory_space<hbm>> -> memref<124x128xi32, #tpu.memory_space<hbm>>
      tpu.enqueue_dma source(%dma_start3A_110 : memref<124x128xi32, #tpu.memory_space<hbm>>) target(%arg9 : memref<124x128xi32, #tpu.memory_space<vmem>>) target_semaphore(%run_scoped3A : memref<!tpu.dma_semaphore, #tpu.memory_space<semaphore_mem>>)
      %dma_wait3A = arith.constant 0 : i32
      %dma_wait3A_111 = tpu.memref_slice %arg5[%select_n3A, %dma_wait3A] : memref<2618x128xi32, #tpu.memory_space<hbm>> -> memref<124x128xi32, #tpu.memory_space<hbm>>
      %dma_wait3A_112 = arith.constant 0 : i32
      %dma_wait3A_113 = tpu.memref_slice %arg5[%select_n3A, %dma_wait3A_112] : memref<2618x128xi32, #tpu.memory_space<hbm>> -> memref<124x128xi32, #tpu.memory_space<hbm>>
      tpu.wait_dma2 semaphore(%run_scoped3A : memref<!tpu.dma_semaphore, #tpu.memory_space<semaphore_mem>>) src(%dma_wait3A_113 : memref<124x128xi32, #tpu.memory_space<hbm>>) dst(%arg9 : memref<124x128xi32, #tpu.memory_space<vmem>>)
      tpu.yield
    }) : () -> ()
    %broadcast_in_dim3A = arith.constant 0.000000e+00 : f32
    %broadcast_in_dim3A_14 = vector.broadcast %broadcast_in_dim3A : f32 to vector<16xf32>
    %scan3A = arith.constant 0 : i32
    %scan3A_15 = arith.constant 128 : i32
    %scan3A_16 = arith.addi %scan3A, %scan3A_15 : i32
    %scan3A_17 = arith.constant 1 : i32
    scf.for %scan3A_107 = %scan3A to %scan3A_16 step %scan3A_17  : i32 {
      %mul3A_108 = arith.constant 1 : i32
      %mul3A_109 = arith.muli %scan3A_107, %mul3A_108 : i32
      %add3A_110 = arith.constant 0 : i32
      %add3A_111 = arith.addi %add3A_110, %mul3A_109 : i32
      %swap3A = arith.index_cast %add3A_111 : i32 to index
      %swap3A_112 = arith.constant 0 : index
      %swap3A_113 = tpu.vector_load %arg12[%swap3A, %swap3A_112] {strides = array<i32>} : memref<128x64xf32, #tpu.memory_space<vmem>>, vector<16xf32>,
      tpu.vector_store %arg12[%swap3A, %swap3A_112], %broadcast_in_dim3A_14 {strides = array<i32>} : memref<128x64xf32, #tpu.memory_space<vmem>>, vector<16xf32>,
      %swap3A_114 = arith.index_cast %add3A_111 : i32 to index
      %swap3A_115 = arith.constant 16 : index
      %swap3A_116 = tpu.vector_load %arg12[%swap3A_114, %swap3A_115] {strides = array<i32>} : memref<128x64xf32, #tpu.memory_space<vmem>>, vector<16xf32>,
      tpu.vector_store %arg12[%swap3A_114, %swap3A_115], %broadcast_in_dim3A_14 {strides = array<i32>} : memref<128x64xf32, #tpu.memory_space<vmem>>, vector<16xf32>,
      %swap3A_117 = arith.index_cast %add3A_111 : i32 to index
      %swap3A_118 = arith.constant 32 : index
      %swap3A_119 = tpu.vector_load %arg12[%swap3A_117, %swap3A_118] {strides = array<i32>} : memref<128x64xf32, #tpu.memory_space<vmem>>, vector<16xf32>,
      tpu.vector_store %arg12[%swap3A_117, %swap3A_118], %broadcast_in_dim3A_14 {strides = array<i32>} : memref<128x64xf32, #tpu.memory_space<vmem>>, vector<16xf32>,
      %swap3A_120 = arith.index_cast %add3A_111 : i32 to index
      %swap3A_121 = arith.constant 48 : index
      %swap3A_122 = tpu.vector_load %arg12[%swap3A_120, %swap3A_121] {strides = array<i32>} : memref<128x64xf32, #tpu.memory_space<vmem>>, vector<16xf32>,
      tpu.vector_store %arg12[%swap3A_120, %swap3A_121], %broadcast_in_dim3A_14 {strides = array<i32>} : memref<128x64xf32, #tpu.memory_space<vmem>>, vector<16xf32>,
    }
    %scan3A_18 = arith.constant 128 : i32
    %scan3A_19 = arith.constant 0 : i32
    %scan3A_20 = arith.constant 632 : i32
    %scan3A_21 = arith.addi %scan3A_19, %scan3A_20 : i32
    %scan3A_22 = arith.constant 1 : i32
    scf.for %scan3A_107 = %scan3A_19 to %scan3A_21 step %scan3A_22  : i32 {
      %mul3A_108 = arith.constant 1 : i32
      %mul3A_109 = arith.muli %scan3A_107, %mul3A_108 : i32
      %add3A_110 = arith.constant 0 : i32
      %add3A_111 = arith.addi %add3A_110, %mul3A_109 : i32
      %mul3A_112 = arith.constant 16 : i32
      %mul3A_113 = arith.muli %add3A_111, %mul3A_112 : i32
      %swap3A = arith.index_cast %mul3A_113 : i32 to index
      %swap3A_114 = tpu.vector_load %arg16[%swap3A] {strides = array<i32>} : memref<10112xf32, #tpu.memory_space<vmem>>, vector<16xf32>,
      tpu.vector_store %arg16[%swap3A], %broadcast_in_dim3A_14 {strides = array<i32>} : memref<10112xf32, #tpu.memory_space<vmem>>, vector<16xf32>,
    }
    %scan3A_23 = arith.constant 632 : i32
    %broadcast_in_dim3A_24 = arith.constant 1.000000e+00 : f32
    %broadcast_in_dim3A_25 = vector.broadcast %broadcast_in_dim3A_24 : f32 to vector<16xf32>
    %mul3A_26 = arith.constant 632 : i32
    %mul3A_27 = arith.muli %arg1, %mul3A_26 : i32
    %add3A_28 = arith.constant 0 : i32
    %add3A_29 = arith.addi %mul3A_27, %add3A_28 : i32
    "tpu.region"() ({
      %run_scoped3A = tpu.sem_alloc : memref<!tpu.dma_semaphore, #tpu.memory_space<semaphore_mem>>
      %dma_start3A_107 = arith.constant 0 : i32
      %dma_start3A_108 = tpu.memref_slice %arg13[%add3A_29, %dma_start3A_107] : memref<10112x64xf32, #tpu.memory_space<vmem_shared>> -> memref<128x64xf32, #tpu.memory_space<vmem_shared>>
      %dma_start3A_109 = arith.constant 0 : i32
      %dma_start3A_110 = tpu.memref_slice %arg13[%add3A_29, %dma_start3A_109] : memref<10112x64xf32, #tpu.memory_space<vmem_shared>> -> memref<128x64xf32, #tpu.memory_space<vmem_shared>>
      tpu.enqueue_dma source(%arg12 : memref<128x64xf32, #tpu.memory_space<vmem>>) target(%dma_start3A_110 : memref<128x64xf32, #tpu.memory_space<vmem_shared>>) target_semaphore(%run_scoped3A : memref<!tpu.dma_semaphore, #tpu.memory_space<semaphore_mem>>)
      %dma_wait3A = arith.constant 0 : i32
      %dma_wait3A_111 = tpu.memref_slice %arg13[%add3A_29, %dma_wait3A] : memref<10112x64xf32, #tpu.memory_space<vmem_shared>> -> memref<128x64xf32, #tpu.memory_space<vmem_shared>>
      %dma_wait3A_112 = arith.constant 0 : i32
      %dma_wait3A_113 = tpu.memref_slice %arg13[%add3A_29, %dma_wait3A_112] : memref<10112x64xf32, #tpu.memory_space<vmem_shared>> -> memref<128x64xf32, #tpu.memory_space<vmem_shared>>
      tpu.wait_dma2 semaphore(%run_scoped3A : memref<!tpu.dma_semaphore, #tpu.memory_space<semaphore_mem>>) src(%arg12 : memref<128x64xf32, #tpu.memory_space<vmem>>) dst(%dma_wait3A_113 : memref<128x64xf32, #tpu.memory_space<vmem_shared>>)
      tpu.yield
    }) : () -> ()
    %add3A_30 = arith.constant 128 : i32
    %add3A_31 = arith.addi %mul3A_27, %add3A_30 : i32
    "tpu.region"() ({
      %run_scoped3A = tpu.sem_alloc : memref<!tpu.dma_semaphore, #tpu.memory_space<semaphore_mem>>
      %dma_start3A_107 = arith.constant 0 : i32
      %dma_start3A_108 = tpu.memref_slice %arg13[%add3A_31, %dma_start3A_107] : memref<10112x64xf32, #tpu.memory_space<vmem_shared>> -> memref<128x64xf32, #tpu.memory_space<vmem_shared>>
      %dma_start3A_109 = arith.constant 0 : i32
      %dma_start3A_110 = tpu.memref_slice %arg13[%add3A_31, %dma_start3A_109] : memref<10112x64xf32, #tpu.memory_space<vmem_shared>> -> memref<128x64xf32, #tpu.memory_space<vmem_shared>>
      tpu.enqueue_dma source(%arg12 : memref<128x64xf32, #tpu.memory_space<vmem>>) target(%dma_start3A_110 : memref<128x64xf32, #tpu.memory_space<vmem_shared>>) target_semaphore(%run_scoped3A : memref<!tpu.dma_semaphore, #tpu.memory_space<semaphore_mem>>)
      %dma_wait3A = arith.constant 0 : i32
      %dma_wait3A_111 = tpu.memref_slice %arg13[%add3A_31, %dma_wait3A] : memref<10112x64xf32, #tpu.memory_space<vmem_shared>> -> memref<128x64xf32, #tpu.memory_space<vmem_shared>>
      %dma_wait3A_112 = arith.constant 0 : i32
      %dma_wait3A_113 = tpu.memref_slice %arg13[%add3A_31, %dma_wait3A_112] : memref<10112x64xf32, #tpu.memory_space<vmem_shared>> -> memref<128x64xf32, #tpu.memory_space<vmem_shared>>
      tpu.wait_dma2 semaphore(%run_scoped3A : memref<!tpu.dma_semaphore, #tpu.memory_space<semaphore_mem>>) src(%arg12 : memref<128x64xf32, #tpu.memory_space<vmem>>) dst(%dma_wait3A_113 : memref<128x64xf32, #tpu.memory_space<vmem_shared>>)
      tpu.yield
    }) : () -> ()
    %add3A_32 = arith.constant 256 : i32
    %add3A_33 = arith.addi %mul3A_27, %add3A_32 : i32
    "tpu.region"() ({
      %run_scoped3A = tpu.sem_alloc : memref<!tpu.dma_semaphore, #tpu.memory_space<semaphore_mem>>
      %dma_start3A_107 = arith.constant 0 : i32
      %dma_start3A_108 = tpu.memref_slice %arg13[%add3A_33, %dma_start3A_107] : memref<10112x64xf32, #tpu.memory_space<vmem_shared>> -> memref<128x64xf32, #tpu.memory_space<vmem_shared>>
      %dma_start3A_109 = arith.constant 0 : i32
      %dma_start3A_110 = tpu.memref_slice %arg13[%add3A_33, %dma_start3A_109] : memref<10112x64xf32, #tpu.memory_space<vmem_shared>> -> memref<128x64xf32, #tpu.memory_space<vmem_shared>>
      tpu.enqueue_dma source(%arg12 : memref<128x64xf32, #tpu.memory_space<vmem>>) target(%dma_start3A_110 : memref<128x64xf32, #tpu.memory_space<vmem_shared>>) target_semaphore(%run_scoped3A : memref<!tpu.dma_semaphore, #tpu.memory_space<semaphore_mem>>)
      %dma_wait3A = arith.constant 0 : i32
      %dma_wait3A_111 = tpu.memref_slice %arg13[%add3A_33, %dma_wait3A] : memref<10112x64xf32, #tpu.memory_space<vmem_shared>> -> memref<128x64xf32, #tpu.memory_space<vmem_shared>>
      %dma_wait3A_112 = arith.constant 0 : i32
      %dma_wait3A_113 = tpu.memref_slice %arg13[%add3A_33, %dma_wait3A_112] : memref<10112x64xf32, #tpu.memory_space<vmem_shared>> -> memref<128x64xf32, #tpu.memory_space<vmem_shared>>
      tpu.wait_dma2 semaphore(%run_scoped3A : memref<!tpu.dma_semaphore, #tpu.memory_space<semaphore_mem>>) src(%arg12 : memref<128x64xf32, #tpu.memory_space<vmem>>) dst(%dma_wait3A_113 : memref<128x64xf32, #tpu.memory_space<vmem_shared>>)
      tpu.yield
    }) : () -> ()
    %add3A_34 = arith.constant 384 : i32
    %add3A_35 = arith.addi %mul3A_27, %add3A_34 : i32
    "tpu.region"() ({
      %run_scoped3A = tpu.sem_alloc : memref<!tpu.dma_semaphore, #tpu.memory_space<semaphore_mem>>
      %dma_start3A_107 = arith.constant 0 : i32
      %dma_start3A_108 = tpu.memref_slice %arg13[%add3A_35, %dma_start3A_107] : memref<10112x64xf32, #tpu.memory_space<vmem_shared>> -> memref<128x64xf32, #tpu.memory_space<vmem_shared>>
      %dma_start3A_109 = arith.constant 0 : i32
      %dma_start3A_110 = tpu.memref_slice %arg13[%add3A_35, %dma_start3A_109] : memref<10112x64xf32, #tpu.memory_space<vmem_shared>> -> memref<128x64xf32, #tpu.memory_space<vmem_shared>>
      tpu.enqueue_dma source(%arg12 : memref<128x64xf32, #tpu.memory_space<vmem>>) target(%dma_start3A_110 : memref<128x64xf32, #tpu.memory_space<vmem_shared>>) target_semaphore(%run_scoped3A : memref<!tpu.dma_semaphore, #tpu.memory_space<semaphore_mem>>)
      %dma_wait3A = arith.constant 0 : i32
      %dma_wait3A_111 = tpu.memref_slice %arg13[%add3A_35, %dma_wait3A] : memref<10112x64xf32, #tpu.memory_space<vmem_shared>> -> memref<128x64xf32, #tpu.memory_space<vmem_shared>>
      %dma_wait3A_112 = arith.constant 0 : i32
      %dma_wait3A_113 = tpu.memref_slice %arg13[%add3A_35, %dma_wait3A_112] : memref<10112x64xf32, #tpu.memory_space<vmem_shared>> -> memref<128x64xf32, #tpu.memory_space<vmem_shared>>
      tpu.wait_dma2 semaphore(%run_scoped3A : memref<!tpu.dma_semaphore, #tpu.memory_space<semaphore_mem>>) src(%arg12 : memref<128x64xf32, #tpu.memory_space<vmem>>) dst(%dma_wait3A_113 : memref<128x64xf32, #tpu.memory_space<vmem_shared>>)
      tpu.yield
    }) : () -> ()
    %add3A_36 = arith.constant 632 : i32
    %add3A_37 = arith.addi %mul3A_27, %add3A_36 : i32
    %sub3A = arith.constant 120 : i32
    %sub3A_38 = arith.subi %add3A_37, %sub3A : i32
    "tpu.region"() ({
      %run_scoped3A = tpu.sem_alloc : memref<!tpu.dma_semaphore, #tpu.memory_space<semaphore_mem>>
      %dma_start3A_107 = arith.constant 0 : i32
      %dma_start3A_108 = arith.constant 0 : i32
      %dma_start3A_109 = tpu.memref_slice %arg12[%dma_start3A_107, %dma_start3A_108] : memref<128x64xf32, #tpu.memory_space<vmem>> -> memref<120x64xf32, #tpu.memory_space<vmem>>
      %dma_start3A_110 = arith.constant 0 : i32
      %dma_start3A_111 = tpu.memref_slice %arg13[%sub3A_38, %dma_start3A_110] : memref<10112x64xf32, #tpu.memory_space<vmem_shared>> -> memref<120x64xf32, #tpu.memory_space<vmem_shared>>
      %dma_start3A_112 = arith.constant 0 : i32
      %dma_start3A_113 = tpu.memref_slice %arg13[%sub3A_38, %dma_start3A_112] : memref<10112x64xf32, #tpu.memory_space<vmem_shared>> -> memref<120x64xf32, #tpu.memory_space<vmem_shared>>
      %dma_start3A_114 = arith.constant 0 : i32
      %dma_start3A_115 = arith.constant 0 : i32
      %dma_start3A_116 = tpu.memref_slice %arg12[%dma_start3A_114, %dma_start3A_115] : memref<128x64xf32, #tpu.memory_space<vmem>> -> memref<120x64xf32, #tpu.memory_space<vmem>>
      tpu.enqueue_dma source(%dma_start3A_116 : memref<120x64xf32, #tpu.memory_space<vmem>>) target(%dma_start3A_113 : memref<120x64xf32, #tpu.memory_space<vmem_shared>>) target_semaphore(%run_scoped3A : memref<!tpu.dma_semaphore, #tpu.memory_space<semaphore_mem>>)
      %dma_wait3A = arith.constant 0 : i32
      %dma_wait3A_117 = arith.constant 0 : i32
      %dma_wait3A_118 = tpu.memref_slice %arg12[%dma_wait3A, %dma_wait3A_117] : memref<128x64xf32, #tpu.memory_space<vmem>> -> memref<120x64xf32, #tpu.memory_space<vmem>>
      %dma_wait3A_119 = arith.constant 0 : i32
      %dma_wait3A_120 = tpu.memref_slice %arg13[%sub3A_38, %dma_wait3A_119] : memref<10112x64xf32, #tpu.memory_space<vmem_shared>> -> memref<120x64xf32, #tpu.memory_space<vmem_shared>>
      %dma_wait3A_121 = arith.constant 0 : i32
      %dma_wait3A_122 = tpu.memref_slice %arg13[%sub3A_38, %dma_wait3A_121] : memref<10112x64xf32, #tpu.memory_space<vmem_shared>> -> memref<120x64xf32, #tpu.memory_space<vmem_shared>>
      %dma_wait3A_123 = arith.constant 0 : i32
      %dma_wait3A_124 = arith.constant 0 : i32
      %dma_wait3A_125 = tpu.memref_slice %arg12[%dma_wait3A_123, %dma_wait3A_124] : memref<128x64xf32, #tpu.memory_space<vmem>> -> memref<120x64xf32, #tpu.memory_space<vmem>>
      tpu.wait_dma2 semaphore(%run_scoped3A : memref<!tpu.dma_semaphore, #tpu.memory_space<semaphore_mem>>) src(%dma_wait3A_125 : memref<120x64xf32, #tpu.memory_space<vmem>>) dst(%dma_wait3A_122 : memref<120x64xf32, #tpu.memory_space<vmem_shared>>)
      tpu.yield
    }) : () -> ()
    %barrier3A = arith.constant 0 : index
    tpu.barrier barrier_id(%barrier3A)
    %dma_start3A = arith.constant 0 : i32
    %dma_start3A_39 = arith.constant 0 : i32
    %dma_start3A_40 = tpu.memref_slice %arg8[%dma_start3A, %dma_start3A_39] : memref<124x128xi32, #tpu.memory_space<vmem>> -> memref<1x128xi32, #tpu.memory_space<vmem>>
    %dma_start3A_41 = tpu.memref_squeeze %dma_start3A_40 : memref<1x128xi32, #tpu.memory_space<vmem>> -> memref<128xi32, #tpu.memory_space<vmem>>
    %dma_start3A_42 = arith.constant 0 : i32
    %dma_start3A_43 = arith.constant 0 : i32
    %dma_start3A_44 = tpu.memref_slice %arg2[%dma_start3A_42, %dma_start3A_43] : memref<10000x64xf32, #tpu.memory_space<hbm>> -> memref<10000x64xf32, #tpu.memory_space<hbm>>
    tpu.enqueue_indirect_dma source(%dma_start3A_44 : memref<10000x64xf32, #tpu.memory_space<hbm>>) target(%arg10 : memref<128x64xf32, #tpu.memory_space<vmem>>) offsets(%dma_start3A_41 : memref<128xi32, #tpu.memory_space<vmem>>) semaphore(%arg14 : memref<!tpu.dma_semaphore, #tpu.memory_space<semaphore_mem>>)
    %sub3A_45 = arith.constant 0 : i32
    %sub3A_46 = arith.subi %select_n3A_13, %sub3A_45 : i32
    %sub3A_47 = arith.constant 2 : i32
    %sub3A_48 = arith.constant 1 : i32
    %sub3A_49 = arith.subi %sub3A_47, %sub3A_48 : i32
    %add3A_50 = arith.addi %sub3A_46, %sub3A_49 : i32
    %div3A = arith.constant 2 : i32
    %div3A_51 = arith.divsi %add3A_50, %div3A : i32
    %while3A = arith.constant 2 : i32
    %while3A_52 = arith.constant 0 : i32
    %while3A_53 = arith.constant 0 : i32
    %while3A_54 = arith.subi %div3A_51, %while3A_53 : i32
    %while3A_55 = arith.addi %while3A_53, %while3A_54 : i32
    %while3A_56 = arith.constant 1 : i32
    %while3A_57 = arith.divsi %while3A_54, %while3A_56 : i32
    %while3A_58 = arith.muli %while3A_57, %while3A_56 : i32
    %while3A_59 = arith.addi %while3A_53, %while3A_58 : i32
    %while3A_60 = arith.constant 1 : i32
    scf.for %while3A_107 = %while3A_53 to %while3A_59 step %while3A_60  : i32 {
      %mul3A_108 = arith.muli %while3A_107, %while3A : i32
      %add3A_109 = arith.addi %while3A_52, %mul3A_108 : i32
      %add3A_110 = arith.constant 1 : i32
      %add3A_111 = arith.addi %add3A_109, %add3A_110 : i32
      %dma_start3A_112 = arith.constant 0 : i32
      %dma_start3A_113 = tpu.memref_slice %arg8[%add3A_111, %dma_start3A_112] : memref<124x128xi32, #tpu.memory_space<vmem>> -> memref<1x128xi32, #tpu.memory_space<vmem>>
      %dma_start3A_114 = tpu.memref_squeeze %dma_start3A_113 : memref<1x128xi32, #tpu.memory_space<vmem>> -> memref<128xi32, #tpu.memory_space<vmem>>
      %dma_start3A_115 = arith.constant 0 : i32
      %dma_start3A_116 = arith.constant 0 : i32
      %dma_start3A_117 = tpu.memref_slice %arg2[%dma_start3A_115, %dma_start3A_116] : memref<10000x64xf32, #tpu.memory_space<hbm>> -> memref<10000x64xf32, #tpu.memory_space<hbm>>
      tpu.enqueue_indirect_dma source(%dma_start3A_117 : memref<10000x64xf32, #tpu.memory_space<hbm>>) target(%arg11 : memref<128x64xf32, #tpu.memory_space<vmem>>) offsets(%dma_start3A_114 : memref<128xi32, #tpu.memory_space<vmem>>) semaphore(%arg15 : memref<!tpu.dma_semaphore, #tpu.memory_space<semaphore_mem>>)
      %add3A_118 = arith.constant 0 : i32
      %add3A_119 = arith.addi %add3A_109, %add3A_118 : i32
      %get3A = arith.index_cast %add3A_119 : i32 to index
      %get3A_120 = arith.constant 0 : index
      %get3A_121 = tpu.vector_load %arg9[%get3A, %get3A_120] {strides = array<i32>} : memref<124x128xi32, #tpu.memory_space<vmem>>, vector<16xi32>,
      tpu.vector_store_idx %arg16[%get3A_121], %broadcast_in_dim3A_25 {add = true} : memref<10112xf32, #tpu.memory_space<vmem>>[vector<16xi32>], vector<16xf32>,
      %add3A_122 = arith.constant 0 : i32
      %add3A_123 = arith.addi %add3A_109, %add3A_122 : i32
      %get3A_124 = arith.index_cast %add3A_123 : i32 to index
      %get3A_125 = arith.constant 16 : index
      %get3A_126 = tpu.vector_load %arg9[%get3A_124, %get3A_125] {strides = array<i32>} : memref<124x128xi32, #tpu.memory_space<vmem>>, vector<16xi32>,
      tpu.vector_store_idx %arg16[%get3A_126], %broadcast_in_dim3A_25 {add = true} : memref<10112xf32, #tpu.memory_space<vmem>>[vector<16xi32>], vector<16xf32>,
      %add3A_127 = arith.constant 0 : i32
      %add3A_128 = arith.addi %add3A_109, %add3A_127 : i32
      %get3A_129 = arith.index_cast %add3A_128 : i32 to index
      %get3A_130 = arith.constant 32 : index
      %get3A_131 = tpu.vector_load %arg9[%get3A_129, %get3A_130] {strides = array<i32>} : memref<124x128xi32, #tpu.memory_space<vmem>>, vector<16xi32>,
      tpu.vector_store_idx %arg16[%get3A_131], %broadcast_in_dim3A_25 {add = true} : memref<10112xf32, #tpu.memory_space<vmem>>[vector<16xi32>], vector<16xf32>,
      %add3A_132 = arith.constant 0 : i32
      %add3A_133 = arith.addi %add3A_109, %add3A_132 : i32
      %get3A_134 = arith.index_cast %add3A_133 : i32 to index
      %get3A_135 = arith.constant 48 : index
      %get3A_136 = tpu.vector_load %arg9[%get3A_134, %get3A_135] {strides = array<i32>} : memref<124x128xi32, #tpu.memory_space<vmem>>, vector<16xi32>,
      tpu.vector_store_idx %arg16[%get3A_136], %broadcast_in_dim3A_25 {add = true} : memref<10112xf32, #tpu.memory_space<vmem>>[vector<16xi32>], vector<16xf32>,
      %add3A_137 = arith.constant 0 : i32
      %add3A_138 = arith.addi %add3A_109, %add3A_137 : i32
      %get3A_139 = arith.index_cast %add3A_138 : i32 to index
      %get3A_140 = arith.constant 64 : index
      %get3A_141 = tpu.vector_load %arg9[%get3A_139, %get3A_140] {strides = array<i32>} : memref<124x128xi32, #tpu.memory_space<vmem>>, vector<16xi32>,
      tpu.vector_store_idx %arg16[%get3A_141], %broadcast_in_dim3A_25 {add = true} : memref<10112xf32, #tpu.memory_space<vmem>>[vector<16xi32>], vector<16xf32>,
      %add3A_142 = arith.constant 0 : i32
      %add3A_143 = arith.addi %add3A_109, %add3A_142 : i32
      %get3A_144 = arith.index_cast %add3A_143 : i32 to index
      %get3A_145 = arith.constant 80 : index
      %get3A_146 = tpu.vector_load %arg9[%get3A_144, %get3A_145] {strides = array<i32>} : memref<124x128xi32, #tpu.memory_space<vmem>>, vector<16xi32>,
      tpu.vector_store_idx %arg16[%get3A_146], %broadcast_in_dim3A_25 {add = true} : memref<10112xf32, #tpu.memory_space<vmem>>[vector<16xi32>], vector<16xf32>,
      %add3A_147 = arith.constant 0 : i32
      %add3A_148 = arith.addi %add3A_109, %add3A_147 : i32
      %get3A_149 = arith.index_cast %add3A_148 : i32 to index
      %get3A_150 = arith.constant 96 : index
      %get3A_151 = tpu.vector_load %arg9[%get3A_149, %get3A_150] {strides = array<i32>} : memref<124x128xi32, #tpu.memory_space<vmem>>, vector<16xi32>,
      tpu.vector_store_idx %arg16[%get3A_151], %broadcast_in_dim3A_25 {add = true} : memref<10112xf32, #tpu.memory_space<vmem>>[vector<16xi32>], vector<16xf32>,
      %add3A_152 = arith.constant 0 : i32
      %add3A_153 = arith.addi %add3A_109, %add3A_152 : i32
      %get3A_154 = arith.index_cast %add3A_153 : i32 to index
      %get3A_155 = arith.constant 112 : index
      %get3A_156 = tpu.vector_load %arg9[%get3A_154, %get3A_155] {strides = array<i32>} : memref<124x128xi32, #tpu.memory_space<vmem>>, vector<16xi32>,
      tpu.vector_store_idx %arg16[%get3A_156], %broadcast_in_dim3A_25 {add = true} : memref<10112xf32, #tpu.memory_space<vmem>>[vector<16xi32>], vector<16xf32>,
      %add3A_157 = arith.constant 1 : i32
      %add3A_158 = arith.addi %add3A_109, %add3A_157 : i32
      %get3A_159 = arith.index_cast %add3A_158 : i32 to index
      %get3A_160 = arith.constant 0 : index
      %get3A_161 = tpu.vector_load %arg9[%get3A_159, %get3A_160] {strides = array<i32>} : memref<124x128xi32, #tpu.memory_space<vmem>>, vector<16xi32>,
      tpu.vector_store_idx %arg16[%get3A_161], %broadcast_in_dim3A_25 {add = true} : memref<10112xf32, #tpu.memory_space<vmem>>[vector<16xi32>], vector<16xf32>,
      %add3A_162 = arith.constant 1 : i32
      %add3A_163 = arith.addi %add3A_109, %add3A_162 : i32
      %get3A_164 = arith.index_cast %add3A_163 : i32 to index
      %get3A_165 = arith.constant 16 : index
      %get3A_166 = tpu.vector_load %arg9[%get3A_164, %get3A_165] {strides = array<i32>} : memref<124x128xi32, #tpu.memory_space<vmem>>, vector<16xi32>,
      tpu.vector_store_idx %arg16[%get3A_166], %broadcast_in_dim3A_25 {add = true} : memref<10112xf32, #tpu.memory_space<vmem>>[vector<16xi32>], vector<16xf32>,
      %add3A_167 = arith.constant 1 : i32
      %add3A_168 = arith.addi %add3A_109, %add3A_167 : i32
      %get3A_169 = arith.index_cast %add3A_168 : i32 to index
      %get3A_170 = arith.constant 32 : index
      %get3A_171 = tpu.vector_load %arg9[%get3A_169, %get3A_170] {strides = array<i32>} : memref<124x128xi32, #tpu.memory_space<vmem>>, vector<16xi32>,
      tpu.vector_store_idx %arg16[%get3A_171], %broadcast_in_dim3A_25 {add = true} : memref<10112xf32, #tpu.memory_space<vmem>>[vector<16xi32>], vector<16xf32>,
      %add3A_172 = arith.constant 1 : i32
      %add3A_173 = arith.addi %add3A_109, %add3A_172 : i32
      %get3A_174 = arith.index_cast %add3A_173 : i32 to index
      %get3A_175 = arith.constant 48 : index
      %get3A_176 = tpu.vector_load %arg9[%get3A_174, %get3A_175] {strides = array<i32>} : memref<124x128xi32, #tpu.memory_space<vmem>>, vector<16xi32>,
      tpu.vector_store_idx %arg16[%get3A_176], %broadcast_in_dim3A_25 {add = true} : memref<10112xf32, #tpu.memory_space<vmem>>[vector<16xi32>], vector<16xf32>,
      %add3A_177 = arith.constant 1 : i32
      %add3A_178 = arith.addi %add3A_109, %add3A_177 : i32
      %get3A_179 = arith.index_cast %add3A_178 : i32 to index
      %get3A_180 = arith.constant 64 : index
      %get3A_181 = tpu.vector_load %arg9[%get3A_179, %get3A_180] {strides = array<i32>} : memref<124x128xi32, #tpu.memory_space<vmem>>, vector<16xi32>,
      tpu.vector_store_idx %arg16[%get3A_181], %broadcast_in_dim3A_25 {add = true} : memref<10112xf32, #tpu.memory_space<vmem>>[vector<16xi32>], vector<16xf32>,
      %add3A_182 = arith.constant 1 : i32
      %add3A_183 = arith.addi %add3A_109, %add3A_182 : i32
      %get3A_184 = arith.index_cast %add3A_183 : i32 to index
      %get3A_185 = arith.constant 80 : index
      %get3A_186 = tpu.vector_load %arg9[%get3A_184, %get3A_185] {strides = array<i32>} : memref<124x128xi32, #tpu.memory_space<vmem>>, vector<16xi32>,
      tpu.vector_store_idx %arg16[%get3A_186], %broadcast_in_dim3A_25 {add = true} : memref<10112xf32, #tpu.memory_space<vmem>>[vector<16xi32>], vector<16xf32>,
      %add3A_187 = arith.constant 1 : i32
      %add3A_188 = arith.addi %add3A_109, %add3A_187 : i32
      %get3A_189 = arith.index_cast %add3A_188 : i32 to index
      %get3A_190 = arith.constant 96 : index
      %get3A_191 = tpu.vector_load %arg9[%get3A_189, %get3A_190] {strides = array<i32>} : memref<124x128xi32, #tpu.memory_space<vmem>>, vector<16xi32>,
      tpu.vector_store_idx %arg16[%get3A_191], %broadcast_in_dim3A_25 {add = true} : memref<10112xf32, #tpu.memory_space<vmem>>[vector<16xi32>], vector<16xf32>,
      %add3A_192 = arith.constant 1 : i32
      %add3A_193 = arith.addi %add3A_109, %add3A_192 : i32
      %get3A_194 = arith.index_cast %add3A_193 : i32 to index
      %get3A_195 = arith.constant 112 : index
      %get3A_196 = tpu.vector_load %arg9[%get3A_194, %get3A_195] {strides = array<i32>} : memref<124x128xi32, #tpu.memory_space<vmem>>, vector<16xi32>,
      tpu.vector_store_idx %arg16[%get3A_196], %broadcast_in_dim3A_25 {add = true} : memref<10112xf32, #tpu.memory_space<vmem>>[vector<16xi32>], vector<16xf32>,
      %dma_wait3A = arith.constant 0 : i32
      %dma_wait3A_197 = tpu.memref_slice %arg8[%add3A_109, %dma_wait3A] : memref<124x128xi32, #tpu.memory_space<vmem>> -> memref<1x128xi32, #tpu.memory_space<vmem>>
      %dma_wait3A_198 = tpu.memref_squeeze %dma_wait3A_197 : memref<1x128xi32, #tpu.memory_space<vmem>> -> memref<128xi32, #tpu.memory_space<vmem>>
      %dma_wait3A_199 = arith.constant 0 : i32
      %dma_wait3A_200 = arith.constant 0 : i32
      %dma_wait3A_201 = tpu.memref_slice %arg2[%dma_wait3A_199, %dma_wait3A_200] : memref<10000x64xf32, #tpu.memory_space<hbm>> -> memref<10000x64xf32, #tpu.memory_space<hbm>>
      tpu.wait_indirect_dma semaphore(%arg14 : memref<!tpu.dma_semaphore, #tpu.memory_space<semaphore_mem>>) src(%dma_wait3A_201 : memref<10000x64xf32, #tpu.memory_space<hbm>>) dst(%arg10 : memref<128x64xf32, #tpu.memory_space<vmem>>)
      "tpu.region"() ({
        %run_scoped3A = tpu.sem_alloc : memref<!tpu.dma_semaphore, #tpu.memory_space<semaphore_mem>>
        %dma_start3A_215 = arith.constant 0 : i32
        %dma_start3A_216 = tpu.memref_slice %arg9[%add3A_109, %dma_start3A_215] : memref<124x128xi32, #tpu.memory_space<vmem>> -> memref<1x128xi32, #tpu.memory_space<vmem>>
        %dma_start3A_217 = tpu.memref_squeeze %dma_start3A_216 : memref<1x128xi32, #tpu.memory_space<vmem>> -> memref<128xi32, #tpu.memory_space<vmem>>
        %dma_start3A_218 = arith.constant 0 : i32
        %dma_start3A_219 = arith.constant 0 : i32
        %dma_start3A_220 = tpu.memref_slice %arg13[%dma_start3A_218, %dma_start3A_219] : memref<10112x64xf32, #tpu.memory_space<vmem_shared>> -> memref<10112x64xf32, #tpu.memory_space<vmem_shared>>
        tpu.enqueue_indirect_dma source(%arg10 : memref<128x64xf32, #tpu.memory_space<vmem>>) target(%dma_start3A_220 : memref<10112x64xf32, #tpu.memory_space<vmem_shared>>) offsets(%dma_start3A_217 : memref<128xi32, #tpu.memory_space<vmem>>) semaphore(%run_scoped3A : memref<!tpu.dma_semaphore, #tpu.memory_space<semaphore_mem>>) {add = true}
        %dma_wait3A_221 = arith.constant 0 : i32
        %dma_wait3A_222 = tpu.memref_slice %arg9[%add3A_109, %dma_wait3A_221] : memref<124x128xi32, #tpu.memory_space<vmem>> -> memref<1x128xi32, #tpu.memory_space<vmem>>
        %dma_wait3A_223 = tpu.memref_squeeze %dma_wait3A_222 : memref<1x128xi32, #tpu.memory_space<vmem>> -> memref<128xi32, #tpu.memory_space<vmem>>
        %dma_wait3A_224 = arith.constant 0 : i32
        %dma_wait3A_225 = arith.constant 0 : i32
        %dma_wait3A_226 = tpu.memref_slice %arg13[%dma_wait3A_224, %dma_wait3A_225] : memref<10112x64xf32, #tpu.memory_space<vmem_shared>> -> memref<10112x64xf32, #tpu.memory_space<vmem_shared>>
        tpu.wait_indirect_dma semaphore(%run_scoped3A : memref<!tpu.dma_semaphore, #tpu.memory_space<semaphore_mem>>) src(%arg10 : memref<128x64xf32, #tpu.memory_space<vmem>>) dst(%dma_wait3A_226 : memref<10112x64xf32, #tpu.memory_space<vmem_shared>>)
        tpu.yield
      }) : () -> ()
      %add3A_202 = arith.constant 2 : i32
      %add3A_203 = arith.addi %add3A_109, %add3A_202 : i32
      %lt3A = arith.cmpi slt, %add3A_203, %select_n3A_13 : i32
      %convert_element_type3A = arith.extui %lt3A : i1 to i32
      %cond3A = arith.constant 0 : i32
      %cond3A_204 = arith.cmpi ne, %convert_element_type3A, %cond3A : i32
      scf.if %cond3A_204 {
        %add3A_215 = arith.constant 2 : i32
        %add3A_216 = arith.addi %add3A_109, %add3A_215 : i32
        %dma_start3A_217 = arith.constant 0 : i32
        %dma_start3A_218 = tpu.memref_slice %arg8[%add3A_216, %dma_start3A_217] : memref<124x128xi32, #tpu.memory_space<vmem>> -> memref<1x128xi32, #tpu.memory_space<vmem>>
        %dma_start3A_219 = tpu.memref_squeeze %dma_start3A_218 : memref<1x128xi32, #tpu.memory_space<vmem>> -> memref<128xi32, #tpu.memory_space<vmem>>
        %dma_start3A_220 = arith.constant 0 : i32
        %dma_start3A_221 = arith.constant 0 : i32
        %dma_start3A_222 = tpu.memref_slice %arg2[%dma_start3A_220, %dma_start3A_221] : memref<10000x64xf32, #tpu.memory_space<hbm>> -> memref<10000x64xf32, #tpu.memory_space<hbm>>
        tpu.enqueue_indirect_dma source(%dma_start3A_222 : memref<10000x64xf32, #tpu.memory_space<hbm>>) target(%arg10 : memref<128x64xf32, #tpu.memory_space<vmem>>) offsets(%dma_start3A_219 : memref<128xi32, #tpu.memory_space<vmem>>) semaphore(%arg14 : memref<!tpu.dma_semaphore, #tpu.memory_space<semaphore_mem>>)
      } else {
      }
      %add3A_205 = arith.constant 1 : i32
      %add3A_206 = arith.addi %add3A_109, %add3A_205 : i32
      %dma_wait3A_207 = arith.constant 0 : i32
      %dma_wait3A_208 = tpu.memref_slice %arg8[%add3A_206, %dma_wait3A_207] : memref<124x128xi32, #tpu.memory_space<vmem>> -> memref<1x128xi32, #tpu.memory_space<vmem>>
      %dma_wait3A_209 = tpu.memref_squeeze %dma_wait3A_208 : memref<1x128xi32, #tpu.memory_space<vmem>> -> memref<128xi32, #tpu.memory_space<vmem>>
      %dma_wait3A_210 = arith.constant 0 : i32
      %dma_wait3A_211 = arith.constant 0 : i32
      %dma_wait3A_212 = tpu.memref_slice %arg2[%dma_wait3A_210, %dma_wait3A_211] : memref<10000x64xf32, #tpu.memory_space<hbm>> -> memref<10000x64xf32, #tpu.memory_space<hbm>>
      tpu.wait_indirect_dma semaphore(%arg15 : memref<!tpu.dma_semaphore, #tpu.memory_space<semaphore_mem>>) src(%dma_wait3A_212 : memref<10000x64xf32, #tpu.memory_space<hbm>>) dst(%arg11 : memref<128x64xf32, #tpu.memory_space<vmem>>)
      %add3A_213 = arith.constant 1 : i32
      %add3A_214 = arith.addi %add3A_109, %add3A_213 : i32
      "tpu.region"() ({
        %run_scoped3A = tpu.sem_alloc : memref<!tpu.dma_semaphore, #tpu.memory_space<semaphore_mem>>
        %dma_start3A_215 = arith.constant 0 : i32
        %dma_start3A_216 = tpu.memref_slice %arg9[%add3A_214, %dma_start3A_215] : memref<124x128xi32, #tpu.memory_space<vmem>> -> memref<1x128xi32, #tpu.memory_space<vmem>>
        %dma_start3A_217 = tpu.memref_squeeze %dma_start3A_216 : memref<1x128xi32, #tpu.memory_space<vmem>> -> memref<128xi32, #tpu.memory_space<vmem>>
        %dma_start3A_218 = arith.constant 0 : i32
        %dma_start3A_219 = arith.constant 0 : i32
        %dma_start3A_220 = tpu.memref_slice %arg13[%dma_start3A_218, %dma_start3A_219] : memref<10112x64xf32, #tpu.memory_space<vmem_shared>> -> memref<10112x64xf32, #tpu.memory_space<vmem_shared>>
        tpu.enqueue_indirect_dma source(%arg11 : memref<128x64xf32, #tpu.memory_space<vmem>>) target(%dma_start3A_220 : memref<10112x64xf32, #tpu.memory_space<vmem_shared>>) offsets(%dma_start3A_217 : memref<128xi32, #tpu.memory_space<vmem>>) semaphore(%run_scoped3A : memref<!tpu.dma_semaphore, #tpu.memory_space<semaphore_mem>>) {add = true}
        %dma_wait3A_221 = arith.constant 0 : i32
        %dma_wait3A_222 = tpu.memref_slice %arg9[%add3A_214, %dma_wait3A_221] : memref<124x128xi32, #tpu.memory_space<vmem>> -> memref<1x128xi32, #tpu.memory_space<vmem>>
        %dma_wait3A_223 = tpu.memref_squeeze %dma_wait3A_222 : memref<1x128xi32, #tpu.memory_space<vmem>> -> memref<128xi32, #tpu.memory_space<vmem>>
        %dma_wait3A_224 = arith.constant 0 : i32
        %dma_wait3A_225 = arith.constant 0 : i32
        %dma_wait3A_226 = tpu.memref_slice %arg13[%dma_wait3A_224, %dma_wait3A_225] : memref<10112x64xf32, #tpu.memory_space<vmem_shared>> -> memref<10112x64xf32, #tpu.memory_space<vmem_shared>>
        tpu.wait_indirect_dma semaphore(%run_scoped3A : memref<!tpu.dma_semaphore, #tpu.memory_space<semaphore_mem>>) src(%arg11 : memref<128x64xf32, #tpu.memory_space<vmem>>) dst(%dma_wait3A_226 : memref<10112x64xf32, #tpu.memory_space<vmem_shared>>)
        tpu.yield
      }) : () -> ()
    }
    %while3A_61 = arith.constant 1 : i32
    scf.for %while3A_107 = %while3A_59 to %while3A_55 step %while3A_61  : i32 {
      %mul3A_108 = arith.muli %while3A_107, %while3A : i32
      %add3A_109 = arith.addi %while3A_52, %mul3A_108 : i32
      %add3A_110 = arith.constant 1 : i32
      %add3A_111 = arith.addi %add3A_109, %add3A_110 : i32
      %dma_start3A_112 = arith.constant 0 : i32
      %dma_start3A_113 = tpu.memref_slice %arg8[%add3A_111, %dma_start3A_112] : memref<124x128xi32, #tpu.memory_space<vmem>> -> memref<1x128xi32, #tpu.memory_space<vmem>>
      %dma_start3A_114 = tpu.memref_squeeze %dma_start3A_113 : memref<1x128xi32, #tpu.memory_space<vmem>> -> memref<128xi32, #tpu.memory_space<vmem>>
      %dma_start3A_115 = arith.constant 0 : i32
      %dma_start3A_116 = arith.constant 0 : i32
      %dma_start3A_117 = tpu.memref_slice %arg2[%dma_start3A_115, %dma_start3A_116] : memref<10000x64xf32, #tpu.memory_space<hbm>> -> memref<10000x64xf32, #tpu.memory_space<hbm>>
      tpu.enqueue_indirect_dma source(%dma_start3A_117 : memref<10000x64xf32, #tpu.memory_space<hbm>>) target(%arg11 : memref<128x64xf32, #tpu.memory_space<vmem>>) offsets(%dma_start3A_114 : memref<128xi32, #tpu.memory_space<vmem>>) semaphore(%arg15 : memref<!tpu.dma_semaphore, #tpu.memory_space<semaphore_mem>>)
      %add3A_118 = arith.constant 0 : i32
      %add3A_119 = arith.addi %add3A_109, %add3A_118 : i32
      %get3A = arith.index_cast %add3A_119 : i32 to index
      %get3A_120 = arith.constant 0 : index
      %get3A_121 = tpu.vector_load %arg9[%get3A, %get3A_120] {strides = array<i32>} : memref<124x128xi32, #tpu.memory_space<vmem>>, vector<16xi32>,
      tpu.vector_store_idx %arg16[%get3A_121], %broadcast_in_dim3A_25 {add = true} : memref<10112xf32, #tpu.memory_space<vmem>>[vector<16xi32>], vector<16xf32>,
      %add3A_122 = arith.constant 0 : i32
      %add3A_123 = arith.addi %add3A_109, %add3A_122 : i32
      %get3A_124 = arith.index_cast %add3A_123 : i32 to index
      %get3A_125 = arith.constant 16 : index
      %get3A_126 = tpu.vector_load %arg9[%get3A_124, %get3A_125] {strides = array<i32>} : memref<124x128xi32, #tpu.memory_space<vmem>>, vector<16xi32>,
      tpu.vector_store_idx %arg16[%get3A_126], %broadcast_in_dim3A_25 {add = true} : memref<10112xf32, #tpu.memory_space<vmem>>[vector<16xi32>], vector<16xf32>,
      %add3A_127 = arith.constant 0 : i32
      %add3A_128 = arith.addi %add3A_109, %add3A_127 : i32
      %get3A_129 = arith.index_cast %add3A_128 : i32 to index
      %get3A_130 = arith.constant 32 : index
      %get3A_131 = tpu.vector_load %arg9[%get3A_129, %get3A_130] {strides = array<i32>} : memref<124x128xi32, #tpu.memory_space<vmem>>, vector<16xi32>,
      tpu.vector_store_idx %arg16[%get3A_131], %broadcast_in_dim3A_25 {add = true} : memref<10112xf32, #tpu.memory_space<vmem>>[vector<16xi32>], vector<16xf32>,
      %add3A_132 = arith.constant 0 : i32
      %add3A_133 = arith.addi %add3A_109, %add3A_132 : i32
      %get3A_134 = arith.index_cast %add3A_133 : i32 to index
      %get3A_135 = arith.constant 48 : index
      %get3A_136 = tpu.vector_load %arg9[%get3A_134, %get3A_135] {strides = array<i32>} : memref<124x128xi32, #tpu.memory_space<vmem>>, vector<16xi32>,
      tpu.vector_store_idx %arg16[%get3A_136], %broadcast_in_dim3A_25 {add = true} : memref<10112xf32, #tpu.memory_space<vmem>>[vector<16xi32>], vector<16xf32>,
      %add3A_137 = arith.constant 0 : i32
      %add3A_138 = arith.addi %add3A_109, %add3A_137 : i32
      %get3A_139 = arith.index_cast %add3A_138 : i32 to index
      %get3A_140 = arith.constant 64 : index
      %get3A_141 = tpu.vector_load %arg9[%get3A_139, %get3A_140] {strides = array<i32>} : memref<124x128xi32, #tpu.memory_space<vmem>>, vector<16xi32>,
      tpu.vector_store_idx %arg16[%get3A_141], %broadcast_in_dim3A_25 {add = true} : memref<10112xf32, #tpu.memory_space<vmem>>[vector<16xi32>], vector<16xf32>,
      %add3A_142 = arith.constant 0 : i32
      %add3A_143 = arith.addi %add3A_109, %add3A_142 : i32
      %get3A_144 = arith.index_cast %add3A_143 : i32 to index
      %get3A_145 = arith.constant 80 : index
      %get3A_146 = tpu.vector_load %arg9[%get3A_144, %get3A_145] {strides = array<i32>} : memref<124x128xi32, #tpu.memory_space<vmem>>, vector<16xi32>,
      tpu.vector_store_idx %arg16[%get3A_146], %broadcast_in_dim3A_25 {add = true} : memref<10112xf32, #tpu.memory_space<vmem>>[vector<16xi32>], vector<16xf32>,
      %add3A_147 = arith.constant 0 : i32
      %add3A_148 = arith.addi %add3A_109, %add3A_147 : i32
      %get3A_149 = arith.index_cast %add3A_148 : i32 to index
      %get3A_150 = arith.constant 96 : index
      %get3A_151 = tpu.vector_load %arg9[%get3A_149, %get3A_150] {strides = array<i32>} : memref<124x128xi32, #tpu.memory_space<vmem>>, vector<16xi32>,
      tpu.vector_store_idx %arg16[%get3A_151], %broadcast_in_dim3A_25 {add = true} : memref<10112xf32, #tpu.memory_space<vmem>>[vector<16xi32>], vector<16xf32>,
      %add3A_152 = arith.constant 0 : i32
      %add3A_153 = arith.addi %add3A_109, %add3A_152 : i32
      %get3A_154 = arith.index_cast %add3A_153 : i32 to index
      %get3A_155 = arith.constant 112 : index
      %get3A_156 = tpu.vector_load %arg9[%get3A_154, %get3A_155] {strides = array<i32>} : memref<124x128xi32, #tpu.memory_space<vmem>>, vector<16xi32>,
      tpu.vector_store_idx %arg16[%get3A_156], %broadcast_in_dim3A_25 {add = true} : memref<10112xf32, #tpu.memory_space<vmem>>[vector<16xi32>], vector<16xf32>,
      %add3A_157 = arith.constant 1 : i32
      %add3A_158 = arith.addi %add3A_109, %add3A_157 : i32
      %get3A_159 = arith.index_cast %add3A_158 : i32 to index
      %get3A_160 = arith.constant 0 : index
      %get3A_161 = tpu.vector_load %arg9[%get3A_159, %get3A_160] {strides = array<i32>} : memref<124x128xi32, #tpu.memory_space<vmem>>, vector<16xi32>,
      tpu.vector_store_idx %arg16[%get3A_161], %broadcast_in_dim3A_25 {add = true} : memref<10112xf32, #tpu.memory_space<vmem>>[vector<16xi32>], vector<16xf32>,
      %add3A_162 = arith.constant 1 : i32
      %add3A_163 = arith.addi %add3A_109, %add3A_162 : i32
      %get3A_164 = arith.index_cast %add3A_163 : i32 to index
      %get3A_165 = arith.constant 16 : index
      %get3A_166 = tpu.vector_load %arg9[%get3A_164, %get3A_165] {strides = array<i32>} : memref<124x128xi32, #tpu.memory_space<vmem>>, vector<16xi32>,
      tpu.vector_store_idx %arg16[%get3A_166], %broadcast_in_dim3A_25 {add = true} : memref<10112xf32, #tpu.memory_space<vmem>>[vector<16xi32>], vector<16xf32>,
      %add3A_167 = arith.constant 1 : i32
      %add3A_168 = arith.addi %add3A_109, %add3A_167 : i32
      %get3A_169 = arith.index_cast %add3A_168 : i32 to index
      %get3A_170 = arith.constant 32 : index
      %get3A_171 = tpu.vector_load %arg9[%get3A_169, %get3A_170] {strides = array<i32>} : memref<124x128xi32, #tpu.memory_space<vmem>>, vector<16xi32>,
      tpu.vector_store_idx %arg16[%get3A_171], %broadcast_in_dim3A_25 {add = true} : memref<10112xf32, #tpu.memory_space<vmem>>[vector<16xi32>], vector<16xf32>,
      %add3A_172 = arith.constant 1 : i32
      %add3A_173 = arith.addi %add3A_109, %add3A_172 : i32
      %get3A_174 = arith.index_cast %add3A_173 : i32 to index
      %get3A_175 = arith.constant 48 : index
      %get3A_176 = tpu.vector_load %arg9[%get3A_174, %get3A_175] {strides = array<i32>} : memref<124x128xi32, #tpu.memory_space<vmem>>, vector<16xi32>,
      tpu.vector_store_idx %arg16[%get3A_176], %broadcast_in_dim3A_25 {add = true} : memref<10112xf32, #tpu.memory_space<vmem>>[vector<16xi32>], vector<16xf32>,
      %add3A_177 = arith.constant 1 : i32
      %add3A_178 = arith.addi %add3A_109, %add3A_177 : i32
      %get3A_179 = arith.index_cast %add3A_178 : i32 to index
      %get3A_180 = arith.constant 64 : index
      %get3A_181 = tpu.vector_load %arg9[%get3A_179, %get3A_180] {strides = array<i32>} : memref<124x128xi32, #tpu.memory_space<vmem>>, vector<16xi32>,
      tpu.vector_store_idx %arg16[%get3A_181], %broadcast_in_dim3A_25 {add = true} : memref<10112xf32, #tpu.memory_space<vmem>>[vector<16xi32>], vector<16xf32>,
      %add3A_182 = arith.constant 1 : i32
      %add3A_183 = arith.addi %add3A_109, %add3A_182 : i32
      %get3A_184 = arith.index_cast %add3A_183 : i32 to index
      %get3A_185 = arith.constant 80 : index
      %get3A_186 = tpu.vector_load %arg9[%get3A_184, %get3A_185] {strides = array<i32>} : memref<124x128xi32, #tpu.memory_space<vmem>>, vector<16xi32>,
      tpu.vector_store_idx %arg16[%get3A_186], %broadcast_in_dim3A_25 {add = true} : memref<10112xf32, #tpu.memory_space<vmem>>[vector<16xi32>], vector<16xf32>,
      %add3A_187 = arith.constant 1 : i32
      %add3A_188 = arith.addi %add3A_109, %add3A_187 : i32
      %get3A_189 = arith.index_cast %add3A_188 : i32 to index
      %get3A_190 = arith.constant 96 : index
      %get3A_191 = tpu.vector_load %arg9[%get3A_189, %get3A_190] {strides = array<i32>} : memref<124x128xi32, #tpu.memory_space<vmem>>, vector<16xi32>,
      tpu.vector_store_idx %arg16[%get3A_191], %broadcast_in_dim3A_25 {add = true} : memref<10112xf32, #tpu.memory_space<vmem>>[vector<16xi32>], vector<16xf32>,
      %add3A_192 = arith.constant 1 : i32
      %add3A_193 = arith.addi %add3A_109, %add3A_192 : i32
      %get3A_194 = arith.index_cast %add3A_193 : i32 to index
      %get3A_195 = arith.constant 112 : index
      %get3A_196 = tpu.vector_load %arg9[%get3A_194, %get3A_195] {strides = array<i32>} : memref<124x128xi32, #tpu.memory_space<vmem>>, vector<16xi32>,
      tpu.vector_store_idx %arg16[%get3A_196], %broadcast_in_dim3A_25 {add = true} : memref<10112xf32, #tpu.memory_space<vmem>>[vector<16xi32>], vector<16xf32>,
      %dma_wait3A = arith.constant 0 : i32
      %dma_wait3A_197 = tpu.memref_slice %arg8[%add3A_109, %dma_wait3A] : memref<124x128xi32, #tpu.memory_space<vmem>> -> memref<1x128xi32, #tpu.memory_space<vmem>>
      %dma_wait3A_198 = tpu.memref_squeeze %dma_wait3A_197 : memref<1x128xi32, #tpu.memory_space<vmem>> -> memref<128xi32, #tpu.memory_space<vmem>>
      %dma_wait3A_199 = arith.constant 0 : i32
      %dma_wait3A_200 = arith.constant 0 : i32
      %dma_wait3A_201 = tpu.memref_slice %arg2[%dma_wait3A_199, %dma_wait3A_200] : memref<10000x64xf32, #tpu.memory_space<hbm>> -> memref<10000x64xf32, #tpu.memory_space<hbm>>
      tpu.wait_indirect_dma semaphore(%arg14 : memref<!tpu.dma_semaphore, #tpu.memory_space<semaphore_mem>>) src(%dma_wait3A_201 : memref<10000x64xf32, #tpu.memory_space<hbm>>) dst(%arg10 : memref<128x64xf32, #tpu.memory_space<vmem>>)
      "tpu.region"() ({
        %run_scoped3A = tpu.sem_alloc : memref<!tpu.dma_semaphore, #tpu.memory_space<semaphore_mem>>
        %dma_start3A_215 = arith.constant 0 : i32
        %dma_start3A_216 = tpu.memref_slice %arg9[%add3A_109, %dma_start3A_215] : memref<124x128xi32, #tpu.memory_space<vmem>> -> memref<1x128xi32, #tpu.memory_space<vmem>>
        %dma_start3A_217 = tpu.memref_squeeze %dma_start3A_216 : memref<1x128xi32, #tpu.memory_space<vmem>> -> memref<128xi32, #tpu.memory_space<vmem>>
        %dma_start3A_218 = arith.constant 0 : i32
        %dma_start3A_219 = arith.constant 0 : i32
        %dma_start3A_220 = tpu.memref_slice %arg13[%dma_start3A_218, %dma_start3A_219] : memref<10112x64xf32, #tpu.memory_space<vmem_shared>> -> memref<10112x64xf32, #tpu.memory_space<vmem_shared>>
        tpu.enqueue_indirect_dma source(%arg10 : memref<128x64xf32, #tpu.memory_space<vmem>>) target(%dma_start3A_220 : memref<10112x64xf32, #tpu.memory_space<vmem_shared>>) offsets(%dma_start3A_217 : memref<128xi32, #tpu.memory_space<vmem>>) semaphore(%run_scoped3A : memref<!tpu.dma_semaphore, #tpu.memory_space<semaphore_mem>>) {add = true}
        %dma_wait3A_221 = arith.constant 0 : i32
        %dma_wait3A_222 = tpu.memref_slice %arg9[%add3A_109, %dma_wait3A_221] : memref<124x128xi32, #tpu.memory_space<vmem>> -> memref<1x128xi32, #tpu.memory_space<vmem>>
        %dma_wait3A_223 = tpu.memref_squeeze %dma_wait3A_222 : memref<1x128xi32, #tpu.memory_space<vmem>> -> memref<128xi32, #tpu.memory_space<vmem>>
        %dma_wait3A_224 = arith.constant 0 : i32
        %dma_wait3A_225 = arith.constant 0 : i32
        %dma_wait3A_226 = tpu.memref_slice %arg13[%dma_wait3A_224, %dma_wait3A_225] : memref<10112x64xf32, #tpu.memory_space<vmem_shared>> -> memref<10112x64xf32, #tpu.memory_space<vmem_shared>>
        tpu.wait_indirect_dma semaphore(%run_scoped3A : memref<!tpu.dma_semaphore, #tpu.memory_space<semaphore_mem>>) src(%arg10 : memref<128x64xf32, #tpu.memory_space<vmem>>) dst(%dma_wait3A_226 : memref<10112x64xf32, #tpu.memory_space<vmem_shared>>)
        tpu.yield
      }) : () -> ()
      %add3A_202 = arith.constant 2 : i32
      %add3A_203 = arith.addi %add3A_109, %add3A_202 : i32
      %lt3A = arith.cmpi slt, %add3A_203, %select_n3A_13 : i32
      %convert_element_type3A = arith.extui %lt3A : i1 to i32
      %cond3A = arith.constant 0 : i32
      %cond3A_204 = arith.cmpi ne, %convert_element_type3A, %cond3A : i32
      scf.if %cond3A_204 {
        %add3A_215 = arith.constant 2 : i32
        %add3A_216 = arith.addi %add3A_109, %add3A_215 : i32
        %dma_start3A_217 = arith.constant 0 : i32
        %dma_start3A_218 = tpu.memref_slice %arg8[%add3A_216, %dma_start3A_217] : memref<124x128xi32, #tpu.memory_space<vmem>> -> memref<1x128xi32, #tpu.memory_space<vmem>>
        %dma_start3A_219 = tpu.memref_squeeze %dma_start3A_218 : memref<1x128xi32, #tpu.memory_space<vmem>> -> memref<128xi32, #tpu.memory_space<vmem>>
        %dma_start3A_220 = arith.constant 0 : i32
        %dma_start3A_221 = arith.constant 0 : i32
        %dma_start3A_222 = tpu.memref_slice %arg2[%dma_start3A_220, %dma_start3A_221] : memref<10000x64xf32, #tpu.memory_space<hbm>> -> memref<10000x64xf32, #tpu.memory_space<hbm>>
        tpu.enqueue_indirect_dma source(%dma_start3A_222 : memref<10000x64xf32, #tpu.memory_space<hbm>>) target(%arg10 : memref<128x64xf32, #tpu.memory_space<vmem>>) offsets(%dma_start3A_219 : memref<128xi32, #tpu.memory_space<vmem>>) semaphore(%arg14 : memref<!tpu.dma_semaphore, #tpu.memory_space<semaphore_mem>>)
      } else {
      }
      %add3A_205 = arith.constant 1 : i32
      %add3A_206 = arith.addi %add3A_109, %add3A_205 : i32
      %dma_wait3A_207 = arith.constant 0 : i32
      %dma_wait3A_208 = tpu.memref_slice %arg8[%add3A_206, %dma_wait3A_207] : memref<124x128xi32, #tpu.memory_space<vmem>> -> memref<1x128xi32, #tpu.memory_space<vmem>>
      %dma_wait3A_209 = tpu.memref_squeeze %dma_wait3A_208 : memref<1x128xi32, #tpu.memory_space<vmem>> -> memref<128xi32, #tpu.memory_space<vmem>>
      %dma_wait3A_210 = arith.constant 0 : i32
      %dma_wait3A_211 = arith.constant 0 : i32
      %dma_wait3A_212 = tpu.memref_slice %arg2[%dma_wait3A_210, %dma_wait3A_211] : memref<10000x64xf32, #tpu.memory_space<hbm>> -> memref<10000x64xf32, #tpu.memory_space<hbm>>
      tpu.wait_indirect_dma semaphore(%arg15 : memref<!tpu.dma_semaphore, #tpu.memory_space<semaphore_mem>>) src(%dma_wait3A_212 : memref<10000x64xf32, #tpu.memory_space<hbm>>) dst(%arg11 : memref<128x64xf32, #tpu.memory_space<vmem>>)
      %add3A_213 = arith.constant 1 : i32
      %add3A_214 = arith.addi %add3A_109, %add3A_213 : i32
      "tpu.region"() ({
        %run_scoped3A = tpu.sem_alloc : memref<!tpu.dma_semaphore, #tpu.memory_space<semaphore_mem>>
        %dma_start3A_215 = arith.constant 0 : i32
        %dma_start3A_216 = tpu.memref_slice %arg9[%add3A_214, %dma_start3A_215] : memref<124x128xi32, #tpu.memory_space<vmem>> -> memref<1x128xi32, #tpu.memory_space<vmem>>
        %dma_start3A_217 = tpu.memref_squeeze %dma_start3A_216 : memref<1x128xi32, #tpu.memory_space<vmem>> -> memref<128xi32, #tpu.memory_space<vmem>>
        %dma_start3A_218 = arith.constant 0 : i32
        %dma_start3A_219 = arith.constant 0 : i32
        %dma_start3A_220 = tpu.memref_slice %arg13[%dma_start3A_218, %dma_start3A_219] : memref<10112x64xf32, #tpu.memory_space<vmem_shared>> -> memref<10112x64xf32, #tpu.memory_space<vmem_shared>>
        tpu.enqueue_indirect_dma source(%arg11 : memref<128x64xf32, #tpu.memory_space<vmem>>) target(%dma_start3A_220 : memref<10112x64xf32, #tpu.memory_space<vmem_shared>>) offsets(%dma_start3A_217 : memref<128xi32, #tpu.memory_space<vmem>>) semaphore(%run_scoped3A : memref<!tpu.dma_semaphore, #tpu.memory_space<semaphore_mem>>) {add = true}
        %dma_wait3A_221 = arith.constant 0 : i32
        %dma_wait3A_222 = tpu.memref_slice %arg9[%add3A_214, %dma_wait3A_221] : memref<124x128xi32, #tpu.memory_space<vmem>> -> memref<1x128xi32, #tpu.memory_space<vmem>>
        %dma_wait3A_223 = tpu.memref_squeeze %dma_wait3A_222 : memref<1x128xi32, #tpu.memory_space<vmem>> -> memref<128xi32, #tpu.memory_space<vmem>>
        %dma_wait3A_224 = arith.constant 0 : i32
        %dma_wait3A_225 = arith.constant 0 : i32
        %dma_wait3A_226 = tpu.memref_slice %arg13[%dma_wait3A_224, %dma_wait3A_225] : memref<10112x64xf32, #tpu.memory_space<vmem_shared>> -> memref<10112x64xf32, #tpu.memory_space<vmem_shared>>
        tpu.wait_indirect_dma semaphore(%run_scoped3A : memref<!tpu.dma_semaphore, #tpu.memory_space<semaphore_mem>>) src(%arg11 : memref<128x64xf32, #tpu.memory_space<vmem>>) dst(%dma_wait3A_226 : memref<10112x64xf32, #tpu.memory_space<vmem_shared>>)
        tpu.yield
      }) : () -> ()
    }
    "tpu.region"() ({
      %run_scoped3A = tpu.sem_alloc : memref<!tpu.dma_semaphore, #tpu.memory_space<semaphore_mem>>
      %dma_start3A_107 = arith.constant 0 : i32
      %dma_start3A_108 = tpu.memref_slice %arg7[%add3A, %dma_start3A_107] : memref<32x10112xf32, #tpu.memory_space<hbm>> -> memref<1x10112xf32, #tpu.memory_space<hbm>>
      %dma_start3A_109 = tpu.memref_squeeze %dma_start3A_108 : memref<1x10112xf32, #tpu.memory_space<hbm>> -> memref<10112xf32, #tpu.memory_space<hbm>>
      %dma_start3A_110 = arith.constant 0 : i32
      %dma_start3A_111 = tpu.memref_slice %arg7[%add3A, %dma_start3A_110] : memref<32x10112xf32, #tpu.memory_space<hbm>> -> memref<1x10112xf32, #tpu.memory_space<hbm>>
      %dma_start3A_112 = tpu.memref_squeeze %dma_start3A_111 : memref<1x10112xf32, #tpu.memory_space<hbm>> -> memref<10112xf32, #tpu.memory_space<hbm>>
      tpu.enqueue_dma source(%arg16 : memref<10112xf32, #tpu.memory_space<vmem>>) target(%dma_start3A_112 : memref<10112xf32, #tpu.memory_space<hbm>>) target_semaphore(%run_scoped3A : memref<!tpu.dma_semaphore, #tpu.memory_space<semaphore_mem>>)
      %dma_wait3A = arith.constant 0 : i32
      %dma_wait3A_113 = tpu.memref_slice %arg7[%add3A, %dma_wait3A] : memref<32x10112xf32, #tpu.memory_space<hbm>> -> memref<1x10112xf32, #tpu.memory_space<hbm>>
      %dma_wait3A_114 = tpu.memref_squeeze %dma_wait3A_113 : memref<1x10112xf32, #tpu.memory_space<hbm>> -> memref<10112xf32, #tpu.memory_space<hbm>>
      %dma_wait3A_115 = arith.constant 0 : i32
      %dma_wait3A_116 = tpu.memref_slice %arg7[%add3A, %dma_wait3A_115] : memref<32x10112xf32, #tpu.memory_space<hbm>> -> memref<1x10112xf32, #tpu.memory_space<hbm>>
      %dma_wait3A_117 = tpu.memref_squeeze %dma_wait3A_116 : memref<1x10112xf32, #tpu.memory_space<hbm>> -> memref<10112xf32, #tpu.memory_space<hbm>>
      tpu.wait_dma2 semaphore(%run_scoped3A : memref<!tpu.dma_semaphore, #tpu.memory_space<semaphore_mem>>) src(%arg16 : memref<10112xf32, #tpu.memory_space<vmem>>) dst(%dma_wait3A_117 : memref<10112xf32, #tpu.memory_space<hbm>>)
      tpu.yield
    }) : () -> ()
    %barrier3A_62 = arith.constant 0 : index
    tpu.barrier barrier_id(%barrier3A_62)
    "tpu.region"() ({
      %run_scoped3A = tpu.sem_alloc : memref<!tpu.dma_semaphore, #tpu.memory_space<semaphore_mem>>
      %dma_start3A_107 = arith.constant 0 : i32
      %dma_start3A_108 = arith.constant 0 : i32
      %dma_start3A_109 = tpu.memref_slice %arg6[%arg0, %dma_start3A_107, %dma_start3A_108] : memref<2x10112x128xf32, #tpu.memory_space<hbm>> -> memref<1x10112x128xf32, #tpu.memory_space<hbm>>
      %dma_start3A_110 = tpu.memref_squeeze %dma_start3A_109 : memref<1x10112x128xf32, #tpu.memory_space<hbm>> -> memref<10112x128xf32, #tpu.memory_space<hbm>>
      %dma_start3A_111 = arith.constant 0 : i32
      %dma_start3A_112 = tpu.memref_slice %dma_start3A_110[%mul3A_2, %dma_start3A_111] : memref<10112x128xf32, #tpu.memory_space<hbm>> -> memref<632x64xf32, #tpu.memory_space<hbm>>
      %dma_start3A_113 = arith.constant 0 : i32
      %dma_start3A_114 = tpu.memref_slice %arg13[%mul3A_2, %dma_start3A_113] : memref<10112x64xf32, #tpu.memory_space<vmem_shared>> -> memref<632x64xf32, #tpu.memory_space<vmem_shared>>
      tpu.enqueue_dma source(%dma_start3A_114 : memref<632x64xf32, #tpu.memory_space<vmem_shared>>) target(%dma_start3A_112 : memref<632x64xf32, #tpu.memory_space<hbm>>) target_semaphore(%run_scoped3A : memref<!tpu.dma_semaphore, #tpu.memory_space<semaphore_mem>>)
      %dma_wait3A = arith.constant 0 : i32
      %dma_wait3A_115 = arith.constant 0 : i32
      %dma_wait3A_116 = tpu.memref_slice %arg6[%arg0, %dma_wait3A, %dma_wait3A_115] : memref<2x10112x128xf32, #tpu.memory_space<hbm>> -> memref<1x10112x128xf32, #tpu.memory_space<hbm>>
      %dma_wait3A_117 = tpu.memref_squeeze %dma_wait3A_116 : memref<1x10112x128xf32, #tpu.memory_space<hbm>> -> memref<10112x128xf32, #tpu.memory_space<hbm>>
      %dma_wait3A_118 = arith.constant 0 : i32
      %dma_wait3A_119 = tpu.memref_slice %dma_wait3A_117[%mul3A_2, %dma_wait3A_118] : memref<10112x128xf32, #tpu.memory_space<hbm>> -> memref<632x64xf32, #tpu.memory_space<hbm>>
      %dma_wait3A_120 = arith.constant 0 : i32
      %dma_wait3A_121 = tpu.memref_slice %arg13[%mul3A_2, %dma_wait3A_120] : memref<10112x64xf32, #tpu.memory_space<vmem_shared>> -> memref<632x64xf32, #tpu.memory_space<vmem_shared>>
      tpu.wait_dma2 semaphore(%run_scoped3A : memref<!tpu.dma_semaphore, #tpu.memory_space<semaphore_mem>>) src(%dma_wait3A_121 : memref<632x64xf32, #tpu.memory_space<vmem_shared>>) dst(%dma_wait3A_119 : memref<632x64xf32, #tpu.memory_space<hbm>>)
      tpu.yield
    }) : () -> ()
    %barrier3A_63 = arith.constant 0 : index
    tpu.barrier barrier_id(%barrier3A_63)
    %mul3A_64 = arith.constant 632 : i32
    %mul3A_65 = arith.muli %arg1, %mul3A_64 : i32
    %add3A_66 = arith.constant 0 : i32
    %add3A_67 = arith.addi %mul3A_65, %add3A_66 : i32
    "tpu.region"() ({
      %run_scoped3A = tpu.sem_alloc : memref<!tpu.dma_semaphore, #tpu.memory_space<semaphore_mem>>
      %dma_start3A_107 = arith.constant 0 : i32
      %dma_start3A_108 = tpu.memref_slice %arg13[%add3A_67, %dma_start3A_107] : memref<10112x64xf32, #tpu.memory_space<vmem_shared>> -> memref<128x64xf32, #tpu.memory_space<vmem_shared>>
      %dma_start3A_109 = arith.constant 0 : i32
      %dma_start3A_110 = tpu.memref_slice %arg13[%add3A_67, %dma_start3A_109] : memref<10112x64xf32, #tpu.memory_space<vmem_shared>> -> memref<128x64xf32, #tpu.memory_space<vmem_shared>>
      tpu.enqueue_dma source(%arg12 : memref<128x64xf32, #tpu.memory_space<vmem>>) target(%dma_start3A_110 : memref<128x64xf32, #tpu.memory_space<vmem_shared>>) target_semaphore(%run_scoped3A : memref<!tpu.dma_semaphore, #tpu.memory_space<semaphore_mem>>)
      %dma_wait3A = arith.constant 0 : i32
      %dma_wait3A_111 = tpu.memref_slice %arg13[%add3A_67, %dma_wait3A] : memref<10112x64xf32, #tpu.memory_space<vmem_shared>> -> memref<128x64xf32, #tpu.memory_space<vmem_shared>>
      %dma_wait3A_112 = arith.constant 0 : i32
      %dma_wait3A_113 = tpu.memref_slice %arg13[%add3A_67, %dma_wait3A_112] : memref<10112x64xf32, #tpu.memory_space<vmem_shared>> -> memref<128x64xf32, #tpu.memory_space<vmem_shared>>
      tpu.wait_dma2 semaphore(%run_scoped3A : memref<!tpu.dma_semaphore, #tpu.memory_space<semaphore_mem>>) src(%arg12 : memref<128x64xf32, #tpu.memory_space<vmem>>) dst(%dma_wait3A_113 : memref<128x64xf32, #tpu.memory_space<vmem_shared>>)
      tpu.yield
    }) : () -> ()
    %add3A_68 = arith.constant 128 : i32
    %add3A_69 = arith.addi %mul3A_65, %add3A_68 : i32
    "tpu.region"() ({
      %run_scoped3A = tpu.sem_alloc : memref<!tpu.dma_semaphore, #tpu.memory_space<semaphore_mem>>
      %dma_start3A_107 = arith.constant 0 : i32
      %dma_start3A_108 = tpu.memref_slice %arg13[%add3A_69, %dma_start3A_107] : memref<10112x64xf32, #tpu.memory_space<vmem_shared>> -> memref<128x64xf32, #tpu.memory_space<vmem_shared>>
      %dma_start3A_109 = arith.constant 0 : i32
      %dma_start3A_110 = tpu.memref_slice %arg13[%add3A_69, %dma_start3A_109] : memref<10112x64xf32, #tpu.memory_space<vmem_shared>> -> memref<128x64xf32, #tpu.memory_space<vmem_shared>>
      tpu.enqueue_dma source(%arg12 : memref<128x64xf32, #tpu.memory_space<vmem>>) target(%dma_start3A_110 : memref<128x64xf32, #tpu.memory_space<vmem_shared>>) target_semaphore(%run_scoped3A : memref<!tpu.dma_semaphore, #tpu.memory_space<semaphore_mem>>)
      %dma_wait3A = arith.constant 0 : i32
      %dma_wait3A_111 = tpu.memref_slice %arg13[%add3A_69, %dma_wait3A] : memref<10112x64xf32, #tpu.memory_space<vmem_shared>> -> memref<128x64xf32, #tpu.memory_space<vmem_shared>>
      %dma_wait3A_112 = arith.constant 0 : i32
      %dma_wait3A_113 = tpu.memref_slice %arg13[%add3A_69, %dma_wait3A_112] : memref<10112x64xf32, #tpu.memory_space<vmem_shared>> -> memref<128x64xf32, #tpu.memory_space<vmem_shared>>
      tpu.wait_dma2 semaphore(%run_scoped3A : memref<!tpu.dma_semaphore, #tpu.memory_space<semaphore_mem>>) src(%arg12 : memref<128x64xf32, #tpu.memory_space<vmem>>) dst(%dma_wait3A_113 : memref<128x64xf32, #tpu.memory_space<vmem_shared>>)
      tpu.yield
    }) : () -> ()
    %add3A_70 = arith.constant 256 : i32
    %add3A_71 = arith.addi %mul3A_65, %add3A_70 : i32
    "tpu.region"() ({
      %run_scoped3A = tpu.sem_alloc : memref<!tpu.dma_semaphore, #tpu.memory_space<semaphore_mem>>
      %dma_start3A_107 = arith.constant 0 : i32
      %dma_start3A_108 = tpu.memref_slice %arg13[%add3A_71, %dma_start3A_107] : memref<10112x64xf32, #tpu.memory_space<vmem_shared>> -> memref<128x64xf32, #tpu.memory_space<vmem_shared>>
      %dma_start3A_109 = arith.constant 0 : i32
      %dma_start3A_110 = tpu.memref_slice %arg13[%add3A_71, %dma_start3A_109] : memref<10112x64xf32, #tpu.memory_space<vmem_shared>> -> memref<128x64xf32, #tpu.memory_space<vmem_shared>>
      tpu.enqueue_dma source(%arg12 : memref<128x64xf32, #tpu.memory_space<vmem>>) target(%dma_start3A_110 : memref<128x64xf32, #tpu.memory_space<vmem_shared>>) target_semaphore(%run_scoped3A : memref<!tpu.dma_semaphore, #tpu.memory_space<semaphore_mem>>)
      %dma_wait3A = arith.constant 0 : i32
      %dma_wait3A_111 = tpu.memref_slice %arg13[%add3A_71, %dma_wait3A] : memref<10112x64xf32, #tpu.memory_space<vmem_shared>> -> memref<128x64xf32, #tpu.memory_space<vmem_shared>>
      %dma_wait3A_112 = arith.constant 0 : i32
      %dma_wait3A_113 = tpu.memref_slice %arg13[%add3A_71, %dma_wait3A_112] : memref<10112x64xf32, #tpu.memory_space<vmem_shared>> -> memref<128x64xf32, #tpu.memory_space<vmem_shared>>
      tpu.wait_dma2 semaphore(%run_scoped3A : memref<!tpu.dma_semaphore, #tpu.memory_space<semaphore_mem>>) src(%arg12 : memref<128x64xf32, #tpu.memory_space<vmem>>) dst(%dma_wait3A_113 : memref<128x64xf32, #tpu.memory_space<vmem_shared>>)
      tpu.yield
    }) : () -> ()
    %add3A_72 = arith.constant 384 : i32
    %add3A_73 = arith.addi %mul3A_65, %add3A_72 : i32
    "tpu.region"() ({
      %run_scoped3A = tpu.sem_alloc : memref<!tpu.dma_semaphore, #tpu.memory_space<semaphore_mem>>
      %dma_start3A_107 = arith.constant 0 : i32
      %dma_start3A_108 = tpu.memref_slice %arg13[%add3A_73, %dma_start3A_107] : memref<10112x64xf32, #tpu.memory_space<vmem_shared>> -> memref<128x64xf32, #tpu.memory_space<vmem_shared>>
      %dma_start3A_109 = arith.constant 0 : i32
      %dma_start3A_110 = tpu.memref_slice %arg13[%add3A_73, %dma_start3A_109] : memref<10112x64xf32, #tpu.memory_space<vmem_shared>> -> memref<128x64xf32, #tpu.memory_space<vmem_shared>>
      tpu.enqueue_dma source(%arg12 : memref<128x64xf32, #tpu.memory_space<vmem>>) target(%dma_start3A_110 : memref<128x64xf32, #tpu.memory_space<vmem_shared>>) target_semaphore(%run_scoped3A : memref<!tpu.dma_semaphore, #tpu.memory_space<semaphore_mem>>)
      %dma_wait3A = arith.constant 0 : i32
      %dma_wait3A_111 = tpu.memref_slice %arg13[%add3A_73, %dma_wait3A] : memref<10112x64xf32, #tpu.memory_space<vmem_shared>> -> memref<128x64xf32, #tpu.memory_space<vmem_shared>>
      %dma_wait3A_112 = arith.constant 0 : i32
      %dma_wait3A_113 = tpu.memref_slice %arg13[%add3A_73, %dma_wait3A_112] : memref<10112x64xf32, #tpu.memory_space<vmem_shared>> -> memref<128x64xf32, #tpu.memory_space<vmem_shared>>
      tpu.wait_dma2 semaphore(%run_scoped3A : memref<!tpu.dma_semaphore, #tpu.memory_space<semaphore_mem>>) src(%arg12 : memref<128x64xf32, #tpu.memory_space<vmem>>) dst(%dma_wait3A_113 : memref<128x64xf32, #tpu.memory_space<vmem_shared>>)
      tpu.yield
    }) : () -> ()
    %add3A_74 = arith.constant 632 : i32
    %add3A_75 = arith.addi %mul3A_65, %add3A_74 : i32
    %sub3A_76 = arith.constant 120 : i32
    %sub3A_77 = arith.subi %add3A_75, %sub3A_76 : i32
    "tpu.region"() ({
      %run_scoped3A = tpu.sem_alloc : memref<!tpu.dma_semaphore, #tpu.memory_space<semaphore_mem>>
      %dma_start3A_107 = arith.constant 0 : i32
      %dma_start3A_108 = arith.constant 0 : i32
      %dma_start3A_109 = tpu.memref_slice %arg12[%dma_start3A_107, %dma_start3A_108] : memref<128x64xf32, #tpu.memory_space<vmem>> -> memref<120x64xf32, #tpu.memory_space<vmem>>
      %dma_start3A_110 = arith.constant 0 : i32
      %dma_start3A_111 = tpu.memref_slice %arg13[%sub3A_77, %dma_start3A_110] : memref<10112x64xf32, #tpu.memory_space<vmem_shared>> -> memref<120x64xf32, #tpu.memory_space<vmem_shared>>
      %dma_start3A_112 = arith.constant 0 : i32
      %dma_start3A_113 = tpu.memref_slice %arg13[%sub3A_77, %dma_start3A_112] : memref<10112x64xf32, #tpu.memory_space<vmem_shared>> -> memref<120x64xf32, #tpu.memory_space<vmem_shared>>
      %dma_start3A_114 = arith.constant 0 : i32
      %dma_start3A_115 = arith.constant 0 : i32
      %dma_start3A_116 = tpu.memref_slice %arg12[%dma_start3A_114, %dma_start3A_115] : memref<128x64xf32, #tpu.memory_space<vmem>> -> memref<120x64xf32, #tpu.memory_space<vmem>>
      tpu.enqueue_dma source(%dma_start3A_116 : memref<120x64xf32, #tpu.memory_space<vmem>>) target(%dma_start3A_113 : memref<120x64xf32, #tpu.memory_space<vmem_shared>>) target_semaphore(%run_scoped3A : memref<!tpu.dma_semaphore, #tpu.memory_space<semaphore_mem>>)
      %dma_wait3A = arith.constant 0 : i32
      %dma_wait3A_117 = arith.constant 0 : i32
      %dma_wait3A_118 = tpu.memref_slice %arg12[%dma_wait3A, %dma_wait3A_117] : memref<128x64xf32, #tpu.memory_space<vmem>> -> memref<120x64xf32, #tpu.memory_space<vmem>>
      %dma_wait3A_119 = arith.constant 0 : i32
      %dma_wait3A_120 = tpu.memref_slice %arg13[%sub3A_77, %dma_wait3A_119] : memref<10112x64xf32, #tpu.memory_space<vmem_shared>> -> memref<120x64xf32, #tpu.memory_space<vmem_shared>>
      %dma_wait3A_121 = arith.constant 0 : i32
      %dma_wait3A_122 = tpu.memref_slice %arg13[%sub3A_77, %dma_wait3A_121] : memref<10112x64xf32, #tpu.memory_space<vmem_shared>> -> memref<120x64xf32, #tpu.memory_space<vmem_shared>>
      %dma_wait3A_123 = arith.constant 0 : i32
      %dma_wait3A_124 = arith.constant 0 : i32
      %dma_wait3A_125 = tpu.memref_slice %arg12[%dma_wait3A_123, %dma_wait3A_124] : memref<128x64xf32, #tpu.memory_space<vmem>> -> memref<120x64xf32, #tpu.memory_space<vmem>>
      tpu.wait_dma2 semaphore(%run_scoped3A : memref<!tpu.dma_semaphore, #tpu.memory_space<semaphore_mem>>) src(%dma_wait3A_125 : memref<120x64xf32, #tpu.memory_space<vmem>>) dst(%dma_wait3A_122 : memref<120x64xf32, #tpu.memory_space<vmem_shared>>)
      tpu.yield
    }) : () -> ()
    %barrier3A_78 = arith.constant 0 : index
    tpu.barrier barrier_id(%barrier3A_78)
    %dma_start3A_79 = arith.constant 0 : i32
    %dma_start3A_80 = arith.constant 0 : i32
    %dma_start3A_81 = tpu.memref_slice %arg8[%dma_start3A_79, %dma_start3A_80] : memref<124x128xi32, #tpu.memory_space<vmem>> -> memref<1x128xi32, #tpu.memory_space<vmem>>
    %dma_start3A_82 = tpu.memref_squeeze %dma_start3A_81 : memref<1x128xi32, #tpu.memory_space<vmem>> -> memref<128xi32, #tpu.memory_space<vmem>>
    %dma_start3A_83 = arith.constant 0 : i32
    %dma_start3A_84 = arith.constant 0 : i32
    %dma_start3A_85 = tpu.memref_slice %arg3[%dma_start3A_83, %dma_start3A_84] : memref<10000x64xf32, #tpu.memory_space<hbm>> -> memref<10000x64xf32, #tpu.memory_space<hbm>>
    tpu.enqueue_indirect_dma source(%dma_start3A_85 : memref<10000x64xf32, #tpu.memory_space<hbm>>) target(%arg10 : memref<128x64xf32, #tpu.memory_space<vmem>>) offsets(%dma_start3A_82 : memref<128xi32, #tpu.memory_space<vmem>>) semaphore(%arg14 : memref<!tpu.dma_semaphore, #tpu.memory_space<semaphore_mem>>)
    %sub3A_86 = arith.constant 0 : i32
    %sub3A_87 = arith.subi %select_n3A_13, %sub3A_86 : i32
    %sub3A_88 = arith.constant 2 : i32
    %sub3A_89 = arith.constant 1 : i32
    %sub3A_90 = arith.subi %sub3A_88, %sub3A_89 : i32
    %add3A_91 = arith.addi %sub3A_87, %sub3A_90 : i32
    %div3A_92 = arith.constant 2 : i32
    %div3A_93 = arith.divsi %add3A_91, %div3A_92 : i32
    %while3A_94 = arith.constant 2 : i32
    %while3A_95 = arith.constant 0 : i32
    %while3A_96 = arith.constant 0 : i32
    %while3A_97 = arith.subi %div3A_93, %while3A_96 : i32
    %while3A_98 = arith.addi %while3A_96, %while3A_97 : i32
    %while3A_99 = arith.constant 1 : i32
    %while3A_100 = arith.divsi %while3A_97, %while3A_99 : i32
    %while3A_101 = arith.muli %while3A_100, %while3A_99 : i32
    %while3A_102 = arith.addi %while3A_96, %while3A_101 : i32
    %while3A_103 = arith.constant 1 : i32
    scf.for %while3A_107 = %while3A_96 to %while3A_102 step %while3A_103  : i32 {
      %mul3A_108 = arith.muli %while3A_107, %while3A_94 : i32
      %add3A_109 = arith.addi %while3A_95, %mul3A_108 : i32
      %add3A_110 = arith.constant 1 : i32
      %add3A_111 = arith.addi %add3A_109, %add3A_110 : i32
      %dma_start3A_112 = arith.constant 0 : i32
      %dma_start3A_113 = tpu.memref_slice %arg8[%add3A_111, %dma_start3A_112] : memref<124x128xi32, #tpu.memory_space<vmem>> -> memref<1x128xi32, #tpu.memory_space<vmem>>
      %dma_start3A_114 = tpu.memref_squeeze %dma_start3A_113 : memref<1x128xi32, #tpu.memory_space<vmem>> -> memref<128xi32, #tpu.memory_space<vmem>>
      %dma_start3A_115 = arith.constant 0 : i32
      %dma_start3A_116 = arith.constant 0 : i32
      %dma_start3A_117 = tpu.memref_slice %arg3[%dma_start3A_115, %dma_start3A_116] : memref<10000x64xf32, #tpu.memory_space<hbm>> -> memref<10000x64xf32, #tpu.memory_space<hbm>>
      tpu.enqueue_indirect_dma source(%dma_start3A_117 : memref<10000x64xf32, #tpu.memory_space<hbm>>) target(%arg11 : memref<128x64xf32, #tpu.memory_space<vmem>>) offsets(%dma_start3A_114 : memref<128xi32, #tpu.memory_space<vmem>>) semaphore(%arg15 : memref<!tpu.dma_semaphore, #tpu.memory_space<semaphore_mem>>)
      %dma_wait3A = arith.constant 0 : i32
      %dma_wait3A_118 = tpu.memref_slice %arg8[%add3A_109, %dma_wait3A] : memref<124x128xi32, #tpu.memory_space<vmem>> -> memref<1x128xi32, #tpu.memory_space<vmem>>
      %dma_wait3A_119 = tpu.memref_squeeze %dma_wait3A_118 : memref<1x128xi32, #tpu.memory_space<vmem>> -> memref<128xi32, #tpu.memory_space<vmem>>
      %dma_wait3A_120 = arith.constant 0 : i32
      %dma_wait3A_121 = arith.constant 0 : i32
      %dma_wait3A_122 = tpu.memref_slice %arg3[%dma_wait3A_120, %dma_wait3A_121] : memref<10000x64xf32, #tpu.memory_space<hbm>> -> memref<10000x64xf32, #tpu.memory_space<hbm>>
      tpu.wait_indirect_dma semaphore(%arg14 : memref<!tpu.dma_semaphore, #tpu.memory_space<semaphore_mem>>) src(%dma_wait3A_122 : memref<10000x64xf32, #tpu.memory_space<hbm>>) dst(%arg10 : memref<128x64xf32, #tpu.memory_space<vmem>>)
      "tpu.region"() ({
        %run_scoped3A = tpu.sem_alloc : memref<!tpu.dma_semaphore, #tpu.memory_space<semaphore_mem>>
        %dma_start3A_136 = arith.constant 0 : i32
        %dma_start3A_137 = tpu.memref_slice %arg9[%add3A_109, %dma_start3A_136] : memref<124x128xi32, #tpu.memory_space<vmem>> -> memref<1x128xi32, #tpu.memory_space<vmem>>
        %dma_start3A_138 = tpu.memref_squeeze %dma_start3A_137 : memref<1x128xi32, #tpu.memory_space<vmem>> -> memref<128xi32, #tpu.memory_space<vmem>>
        %dma_start3A_139 = arith.constant 0 : i32
        %dma_start3A_140 = arith.constant 0 : i32
        %dma_start3A_141 = tpu.memref_slice %arg13[%dma_start3A_139, %dma_start3A_140] : memref<10112x64xf32, #tpu.memory_space<vmem_shared>> -> memref<10112x64xf32, #tpu.memory_space<vmem_shared>>
        tpu.enqueue_indirect_dma source(%arg10 : memref<128x64xf32, #tpu.memory_space<vmem>>) target(%dma_start3A_141 : memref<10112x64xf32, #tpu.memory_space<vmem_shared>>) offsets(%dma_start3A_138 : memref<128xi32, #tpu.memory_space<vmem>>) semaphore(%run_scoped3A : memref<!tpu.dma_semaphore, #tpu.memory_space<semaphore_mem>>) {add = true}
        %dma_wait3A_142 = arith.constant 0 : i32
        %dma_wait3A_143 = tpu.memref_slice %arg9[%add3A_109, %dma_wait3A_142] : memref<124x128xi32, #tpu.memory_space<vmem>> -> memref<1x128xi32, #tpu.memory_space<vmem>>
        %dma_wait3A_144 = tpu.memref_squeeze %dma_wait3A_143 : memref<1x128xi32, #tpu.memory_space<vmem>> -> memref<128xi32, #tpu.memory_space<vmem>>
        %dma_wait3A_145 = arith.constant 0 : i32
        %dma_wait3A_146 = arith.constant 0 : i32
        %dma_wait3A_147 = tpu.memref_slice %arg13[%dma_wait3A_145, %dma_wait3A_146] : memref<10112x64xf32, #tpu.memory_space<vmem_shared>> -> memref<10112x64xf32, #tpu.memory_space<vmem_shared>>
        tpu.wait_indirect_dma semaphore(%run_scoped3A : memref<!tpu.dma_semaphore, #tpu.memory_space<semaphore_mem>>) src(%arg10 : memref<128x64xf32, #tpu.memory_space<vmem>>) dst(%dma_wait3A_147 : memref<10112x64xf32, #tpu.memory_space<vmem_shared>>)
        tpu.yield
      }) : () -> ()
      %add3A_123 = arith.constant 2 : i32
      %add3A_124 = arith.addi %add3A_109, %add3A_123 : i32
      %lt3A = arith.cmpi slt, %add3A_124, %select_n3A_13 : i32
      %convert_element_type3A = arith.extui %lt3A : i1 to i32
      %cond3A = arith.constant 0 : i32
      %cond3A_125 = arith.cmpi ne, %convert_element_type3A, %cond3A : i32
      scf.if %cond3A_125 {
        %add3A_136 = arith.constant 2 : i32
        %add3A_137 = arith.addi %add3A_109, %add3A_136 : i32
        %dma_start3A_138 = arith.constant 0 : i32
        %dma_start3A_139 = tpu.memref_slice %arg8[%add3A_137, %dma_start3A_138] : memref<124x128xi32, #tpu.memory_space<vmem>> -> memref<1x128xi32, #tpu.memory_space<vmem>>
        %dma_start3A_140 = tpu.memref_squeeze %dma_start3A_139 : memref<1x128xi32, #tpu.memory_space<vmem>> -> memref<128xi32, #tpu.memory_space<vmem>>
        %dma_start3A_141 = arith.constant 0 : i32
        %dma_start3A_142 = arith.constant 0 : i32
        %dma_start3A_143 = tpu.memref_slice %arg3[%dma_start3A_141, %dma_start3A_142] : memref<10000x64xf32, #tpu.memory_space<hbm>> -> memref<10000x64xf32, #tpu.memory_space<hbm>>
        tpu.enqueue_indirect_dma source(%dma_start3A_143 : memref<10000x64xf32, #tpu.memory_space<hbm>>) target(%arg10 : memref<128x64xf32, #tpu.memory_space<vmem>>) offsets(%dma_start3A_140 : memref<128xi32, #tpu.memory_space<vmem>>) semaphore(%arg14 : memref<!tpu.dma_semaphore, #tpu.memory_space<semaphore_mem>>)
      } else {
      }
      %add3A_126 = arith.constant 1 : i32
      %add3A_127 = arith.addi %add3A_109, %add3A_126 : i32
      %dma_wait3A_128 = arith.constant 0 : i32
      %dma_wait3A_129 = tpu.memref_slice %arg8[%add3A_127, %dma_wait3A_128] : memref<124x128xi32, #tpu.memory_space<vmem>> -> memref<1x128xi32, #tpu.memory_space<vmem>>
      %dma_wait3A_130 = tpu.memref_squeeze %dma_wait3A_129 : memref<1x128xi32, #tpu.memory_space<vmem>> -> memref<128xi32, #tpu.memory_space<vmem>>
      %dma_wait3A_131 = arith.constant 0 : i32
      %dma_wait3A_132 = arith.constant 0 : i32
      %dma_wait3A_133 = tpu.memref_slice %arg3[%dma_wait3A_131, %dma_wait3A_132] : memref<10000x64xf32, #tpu.memory_space<hbm>> -> memref<10000x64xf32, #tpu.memory_space<hbm>>
      tpu.wait_indirect_dma semaphore(%arg15 : memref<!tpu.dma_semaphore, #tpu.memory_space<semaphore_mem>>) src(%dma_wait3A_133 : memref<10000x64xf32, #tpu.memory_space<hbm>>) dst(%arg11 : memref<128x64xf32, #tpu.memory_space<vmem>>)
      %add3A_134 = arith.constant 1 : i32
      %add3A_135 = arith.addi %add3A_109, %add3A_134 : i32
      "tpu.region"() ({
        %run_scoped3A = tpu.sem_alloc : memref<!tpu.dma_semaphore, #tpu.memory_space<semaphore_mem>>
        %dma_start3A_136 = arith.constant 0 : i32
        %dma_start3A_137 = tpu.memref_slice %arg9[%add3A_135, %dma_start3A_136] : memref<124x128xi32, #tpu.memory_space<vmem>> -> memref<1x128xi32, #tpu.memory_space<vmem>>
        %dma_start3A_138 = tpu.memref_squeeze %dma_start3A_137 : memref<1x128xi32, #tpu.memory_space<vmem>> -> memref<128xi32, #tpu.memory_space<vmem>>
        %dma_start3A_139 = arith.constant 0 : i32
        %dma_start3A_140 = arith.constant 0 : i32
        %dma_start3A_141 = tpu.memref_slice %arg13[%dma_start3A_139, %dma_start3A_140] : memref<10112x64xf32, #tpu.memory_space<vmem_shared>> -> memref<10112x64xf32, #tpu.memory_space<vmem_shared>>
        tpu.enqueue_indirect_dma source(%arg11 : memref<128x64xf32, #tpu.memory_space<vmem>>) target(%dma_start3A_141 : memref<10112x64xf32, #tpu.memory_space<vmem_shared>>) offsets(%dma_start3A_138 : memref<128xi32, #tpu.memory_space<vmem>>) semaphore(%run_scoped3A : memref<!tpu.dma_semaphore, #tpu.memory_space<semaphore_mem>>) {add = true}
        %dma_wait3A_142 = arith.constant 0 : i32
        %dma_wait3A_143 = tpu.memref_slice %arg9[%add3A_135, %dma_wait3A_142] : memref<124x128xi32, #tpu.memory_space<vmem>> -> memref<1x128xi32, #tpu.memory_space<vmem>>
        %dma_wait3A_144 = tpu.memref_squeeze %dma_wait3A_143 : memref<1x128xi32, #tpu.memory_space<vmem>> -> memref<128xi32, #tpu.memory_space<vmem>>
        %dma_wait3A_145 = arith.constant 0 : i32
        %dma_wait3A_146 = arith.constant 0 : i32
        %dma_wait3A_147 = tpu.memref_slice %arg13[%dma_wait3A_145, %dma_wait3A_146] : memref<10112x64xf32, #tpu.memory_space<vmem_shared>> -> memref<10112x64xf32, #tpu.memory_space<vmem_shared>>
        tpu.wait_indirect_dma semaphore(%run_scoped3A : memref<!tpu.dma_semaphore, #tpu.memory_space<semaphore_mem>>) src(%arg11 : memref<128x64xf32, #tpu.memory_space<vmem>>) dst(%dma_wait3A_147 : memref<10112x64xf32, #tpu.memory_space<vmem_shared>>)
        tpu.yield
      }) : () -> ()
    }
    %while3A_104 = arith.constant 1 : i32
    scf.for %while3A_107 = %while3A_102 to %while3A_98 step %while3A_104  : i32 {
      %mul3A_108 = arith.muli %while3A_107, %while3A_94 : i32
      %add3A_109 = arith.addi %while3A_95, %mul3A_108 : i32
      %add3A_110 = arith.constant 1 : i32
      %add3A_111 = arith.addi %add3A_109, %add3A_110 : i32
      %dma_start3A_112 = arith.constant 0 : i32
      %dma_start3A_113 = tpu.memref_slice %arg8[%add3A_111, %dma_start3A_112] : memref<124x128xi32, #tpu.memory_space<vmem>> -> memref<1x128xi32, #tpu.memory_space<vmem>>
      %dma_start3A_114 = tpu.memref_squeeze %dma_start3A_113 : memref<1x128xi32, #tpu.memory_space<vmem>> -> memref<128xi32, #tpu.memory_space<vmem>>
      %dma_start3A_115 = arith.constant 0 : i32
      %dma_start3A_116 = arith.constant 0 : i32
      %dma_start3A_117 = tpu.memref_slice %arg3[%dma_start3A_115, %dma_start3A_116] : memref<10000x64xf32, #tpu.memory_space<hbm>> -> memref<10000x64xf32, #tpu.memory_space<hbm>>
      tpu.enqueue_indirect_dma source(%dma_start3A_117 : memref<10000x64xf32, #tpu.memory_space<hbm>>) target(%arg11 : memref<128x64xf32, #tpu.memory_space<vmem>>) offsets(%dma_start3A_114 : memref<128xi32, #tpu.memory_space<vmem>>) semaphore(%arg15 : memref<!tpu.dma_semaphore, #tpu.memory_space<semaphore_mem>>)
      %dma_wait3A = arith.constant 0 : i32
      %dma_wait3A_118 = tpu.memref_slice %arg8[%add3A_109, %dma_wait3A] : memref<124x128xi32, #tpu.memory_space<vmem>> -> memref<1x128xi32, #tpu.memory_space<vmem>>
      %dma_wait3A_119 = tpu.memref_squeeze %dma_wait3A_118 : memref<1x128xi32, #tpu.memory_space<vmem>> -> memref<128xi32, #tpu.memory_space<vmem>>
      %dma_wait3A_120 = arith.constant 0 : i32
      %dma_wait3A_121 = arith.constant 0 : i32
      %dma_wait3A_122 = tpu.memref_slice %arg3[%dma_wait3A_120, %dma_wait3A_121] : memref<10000x64xf32, #tpu.memory_space<hbm>> -> memref<10000x64xf32, #tpu.memory_space<hbm>>
      tpu.wait_indirect_dma semaphore(%arg14 : memref<!tpu.dma_semaphore, #tpu.memory_space<semaphore_mem>>) src(%dma_wait3A_122 : memref<10000x64xf32, #tpu.memory_space<hbm>>) dst(%arg10 : memref<128x64xf32, #tpu.memory_space<vmem>>)
      "tpu.region"() ({
        %run_scoped3A = tpu.sem_alloc : memref<!tpu.dma_semaphore, #tpu.memory_space<semaphore_mem>>
        %dma_start3A_136 = arith.constant 0 : i32
        %dma_start3A_137 = tpu.memref_slice %arg9[%add3A_109, %dma_start3A_136] : memref<124x128xi32, #tpu.memory_space<vmem>> -> memref<1x128xi32, #tpu.memory_space<vmem>>
        %dma_start3A_138 = tpu.memref_squeeze %dma_start3A_137 : memref<1x128xi32, #tpu.memory_space<vmem>> -> memref<128xi32, #tpu.memory_space<vmem>>
        %dma_start3A_139 = arith.constant 0 : i32
        %dma_start3A_140 = arith.constant 0 : i32
        %dma_start3A_141 = tpu.memref_slice %arg13[%dma_start3A_139, %dma_start3A_140] : memref<10112x64xf32, #tpu.memory_space<vmem_shared>> -> memref<10112x64xf32, #tpu.memory_space<vmem_shared>>
        tpu.enqueue_indirect_dma source(%arg10 : memref<128x64xf32, #tpu.memory_space<vmem>>) target(%dma_start3A_141 : memref<10112x64xf32, #tpu.memory_space<vmem_shared>>) offsets(%dma_start3A_138 : memref<128xi32, #tpu.memory_space<vmem>>) semaphore(%run_scoped3A : memref<!tpu.dma_semaphore, #tpu.memory_space<semaphore_mem>>) {add = true}
        %dma_wait3A_142 = arith.constant 0 : i32
        %dma_wait3A_143 = tpu.memref_slice %arg9[%add3A_109, %dma_wait3A_142] : memref<124x128xi32, #tpu.memory_space<vmem>> -> memref<1x128xi32, #tpu.memory_space<vmem>>
        %dma_wait3A_144 = tpu.memref_squeeze %dma_wait3A_143 : memref<1x128xi32, #tpu.memory_space<vmem>> -> memref<128xi32, #tpu.memory_space<vmem>>
        %dma_wait3A_145 = arith.constant 0 : i32
        %dma_wait3A_146 = arith.constant 0 : i32
        %dma_wait3A_147 = tpu.memref_slice %arg13[%dma_wait3A_145, %dma_wait3A_146] : memref<10112x64xf32, #tpu.memory_space<vmem_shared>> -> memref<10112x64xf32, #tpu.memory_space<vmem_shared>>
        tpu.wait_indirect_dma semaphore(%run_scoped3A : memref<!tpu.dma_semaphore, #tpu.memory_space<semaphore_mem>>) src(%arg10 : memref<128x64xf32, #tpu.memory_space<vmem>>) dst(%dma_wait3A_147 : memref<10112x64xf32, #tpu.memory_space<vmem_shared>>)
        tpu.yield
      }) : () -> ()
      %add3A_123 = arith.constant 2 : i32
      %add3A_124 = arith.addi %add3A_109, %add3A_123 : i32
      %lt3A = arith.cmpi slt, %add3A_124, %select_n3A_13 : i32
      %convert_element_type3A = arith.extui %lt3A : i1 to i32
      %cond3A = arith.constant 0 : i32
      %cond3A_125 = arith.cmpi ne, %convert_element_type3A, %cond3A : i32
      scf.if %cond3A_125 {
        %add3A_136 = arith.constant 2 : i32
        %add3A_137 = arith.addi %add3A_109, %add3A_136 : i32
        %dma_start3A_138 = arith.constant 0 : i32
        %dma_start3A_139 = tpu.memref_slice %arg8[%add3A_137, %dma_start3A_138] : memref<124x128xi32, #tpu.memory_space<vmem>> -> memref<1x128xi32, #tpu.memory_space<vmem>>
        %dma_start3A_140 = tpu.memref_squeeze %dma_start3A_139 : memref<1x128xi32, #tpu.memory_space<vmem>> -> memref<128xi32, #tpu.memory_space<vmem>>
        %dma_start3A_141 = arith.constant 0 : i32
        %dma_start3A_142 = arith.constant 0 : i32
        %dma_start3A_143 = tpu.memref_slice %arg3[%dma_start3A_141, %dma_start3A_142] : memref<10000x64xf32, #tpu.memory_space<hbm>> -> memref<10000x64xf32, #tpu.memory_space<hbm>>
        tpu.enqueue_indirect_dma source(%dma_start3A_143 : memref<10000x64xf32, #tpu.memory_space<hbm>>) target(%arg10 : memref<128x64xf32, #tpu.memory_space<vmem>>) offsets(%dma_start3A_140 : memref<128xi32, #tpu.memory_space<vmem>>) semaphore(%arg14 : memref<!tpu.dma_semaphore, #tpu.memory_space<semaphore_mem>>)
      } else {
      }
      %add3A_126 = arith.constant 1 : i32
      %add3A_127 = arith.addi %add3A_109, %add3A_126 : i32
      %dma_wait3A_128 = arith.constant 0 : i32
      %dma_wait3A_129 = tpu.memref_slice %arg8[%add3A_127, %dma_wait3A_128] : memref<124x128xi32, #tpu.memory_space<vmem>> -> memref<1x128xi32, #tpu.memory_space<vmem>>
      %dma_wait3A_130 = tpu.memref_squeeze %dma_wait3A_129 : memref<1x128xi32, #tpu.memory_space<vmem>> -> memref<128xi32, #tpu.memory_space<vmem>>
      %dma_wait3A_131 = arith.constant 0 : i32
      %dma_wait3A_132 = arith.constant 0 : i32
      %dma_wait3A_133 = tpu.memref_slice %arg3[%dma_wait3A_131, %dma_wait3A_132] : memref<10000x64xf32, #tpu.memory_space<hbm>> -> memref<10000x64xf32, #tpu.memory_space<hbm>>
      tpu.wait_indirect_dma semaphore(%arg15 : memref<!tpu.dma_semaphore, #tpu.memory_space<semaphore_mem>>) src(%dma_wait3A_133 : memref<10000x64xf32, #tpu.memory_space<hbm>>) dst(%arg11 : memref<128x64xf32, #tpu.memory_space<vmem>>)
      %add3A_134 = arith.constant 1 : i32
      %add3A_135 = arith.addi %add3A_109, %add3A_134 : i32
      "tpu.region"() ({
        %run_scoped3A = tpu.sem_alloc : memref<!tpu.dma_semaphore, #tpu.memory_space<semaphore_mem>>
        %dma_start3A_136 = arith.constant 0 : i32
        %dma_start3A_137 = tpu.memref_slice %arg9[%add3A_135, %dma_start3A_136] : memref<124x128xi32, #tpu.memory_space<vmem>> -> memref<1x128xi32, #tpu.memory_space<vmem>>
        %dma_start3A_138 = tpu.memref_squeeze %dma_start3A_137 : memref<1x128xi32, #tpu.memory_space<vmem>> -> memref<128xi32, #tpu.memory_space<vmem>>
        %dma_start3A_139 = arith.constant 0 : i32
        %dma_start3A_140 = arith.constant 0 : i32
        %dma_start3A_141 = tpu.memref_slice %arg13[%dma_start3A_139, %dma_start3A_140] : memref<10112x64xf32, #tpu.memory_space<vmem_shared>> -> memref<10112x64xf32, #tpu.memory_space<vmem_shared>>
        tpu.enqueue_indirect_dma source(%arg11 : memref<128x64xf32, #tpu.memory_space<vmem>>) target(%dma_start3A_141 : memref<10112x64xf32, #tpu.memory_space<vmem_shared>>) offsets(%dma_start3A_138 : memref<128xi32, #tpu.memory_space<vmem>>) semaphore(%run_scoped3A : memref<!tpu.dma_semaphore, #tpu.memory_space<semaphore_mem>>) {add = true}
        %dma_wait3A_142 = arith.constant 0 : i32
        %dma_wait3A_143 = tpu.memref_slice %arg9[%add3A_135, %dma_wait3A_142] : memref<124x128xi32, #tpu.memory_space<vmem>> -> memref<1x128xi32, #tpu.memory_space<vmem>>
        %dma_wait3A_144 = tpu.memref_squeeze %dma_wait3A_143 : memref<1x128xi32, #tpu.memory_space<vmem>> -> memref<128xi32, #tpu.memory_space<vmem>>
        %dma_wait3A_145 = arith.constant 0 : i32
        %dma_wait3A_146 = arith.constant 0 : i32
        %dma_wait3A_147 = tpu.memref_slice %arg13[%dma_wait3A_145, %dma_wait3A_146] : memref<10112x64xf32, #tpu.memory_space<vmem_shared>> -> memref<10112x64xf32, #tpu.memory_space<vmem_shared>>
        tpu.wait_indirect_dma semaphore(%run_scoped3A : memref<!tpu.dma_semaphore, #tpu.memory_space<semaphore_mem>>) src(%arg11 : memref<128x64xf32, #tpu.memory_space<vmem>>) dst(%dma_wait3A_147 : memref<10112x64xf32, #tpu.memory_space<vmem_shared>>)
        tpu.yield
      }) : () -> ()
    }
    %barrier3A_105 = arith.constant 0 : index
    tpu.barrier barrier_id(%barrier3A_105)
    "tpu.region"() ({
      %run_scoped3A = tpu.sem_alloc : memref<!tpu.dma_semaphore, #tpu.memory_space<semaphore_mem>>
      %dma_start3A_107 = arith.constant 0 : i32
      %dma_start3A_108 = arith.constant 0 : i32
      %dma_start3A_109 = tpu.memref_slice %arg6[%arg0, %dma_start3A_107, %dma_start3A_108] : memref<2x10112x128xf32, #tpu.memory_space<hbm>> -> memref<1x10112x128xf32, #tpu.memory_space<hbm>>
      %dma_start3A_110 = tpu.memref_squeeze %dma_start3A_109 : memref<1x10112x128xf32, #tpu.memory_space<hbm>> -> memref<10112x128xf32, #tpu.memory_space<hbm>>
      %dma_start3A_111 = arith.constant 64 : i32
      %dma_start3A_112 = tpu.memref_slice %dma_start3A_110[%mul3A_2, %dma_start3A_111] : memref<10112x128xf32, #tpu.memory_space<hbm>> -> memref<632x64xf32, #tpu.memory_space<hbm>>
      %dma_start3A_113 = arith.constant 0 : i32
      %dma_start3A_114 = tpu.memref_slice %arg13[%mul3A_2, %dma_start3A_113] : memref<10112x64xf32, #tpu.memory_space<vmem_shared>> -> memref<632x64xf32, #tpu.memory_space<vmem_shared>>
      tpu.enqueue_dma source(%dma_start3A_114 : memref<632x64xf32, #tpu.memory_space<vmem_shared>>) target(%dma_start3A_112 : memref<632x64xf32, #tpu.memory_space<hbm>>) target_semaphore(%run_scoped3A : memref<!tpu.dma_semaphore, #tpu.memory_space<semaphore_mem>>)
      %dma_wait3A = arith.constant 0 : i32
      %dma_wait3A_115 = arith.constant 0 : i32
      %dma_wait3A_116 = tpu.memref_slice %arg6[%arg0, %dma_wait3A, %dma_wait3A_115] : memref<2x10112x128xf32, #tpu.memory_space<hbm>> -> memref<1x10112x128xf32, #tpu.memory_space<hbm>>
      %dma_wait3A_117 = tpu.memref_squeeze %dma_wait3A_116 : memref<1x10112x128xf32, #tpu.memory_space<hbm>> -> memref<10112x128xf32, #tpu.memory_space<hbm>>
      %dma_wait3A_118 = arith.constant 64 : i32
      %dma_wait3A_119 = tpu.memref_slice %dma_wait3A_117[%mul3A_2, %dma_wait3A_118] : memref<10112x128xf32, #tpu.memory_space<hbm>> -> memref<632x64xf32, #tpu.memory_space<hbm>>
      %dma_wait3A_120 = arith.constant 0 : i32
      %dma_wait3A_121 = tpu.memref_slice %arg13[%mul3A_2, %dma_wait3A_120] : memref<10112x64xf32, #tpu.memory_space<vmem_shared>> -> memref<632x64xf32, #tpu.memory_space<vmem_shared>>
      tpu.wait_dma2 semaphore(%run_scoped3A : memref<!tpu.dma_semaphore, #tpu.memory_space<semaphore_mem>>) src(%dma_wait3A_121 : memref<632x64xf32, #tpu.memory_space<vmem_shared>>) dst(%dma_wait3A_119 : memref<632x64xf32, #tpu.memory_space<hbm>>)
      tpu.yield
    }) : () -> ()
    %barrier3A_106 = arith.constant 0 : index
    tpu.barrier barrier_id(%barrier3A_106)
    return
  }
}

#map = affine_map<(d0, d1) -> (0, 0)>
#map1 = affine_map<(d0, d1) -> (0, 0, 0)>
module attributes {stable_mosaic.version = 14 : i64} {
  func.func @k(%arg0: i32, %arg1: i32, %arg2: memref<10000x64xf32, #tpu.memory_space<hbm>>, %arg3: memref<10000x64xf32, #tpu.memory_space<hbm>>, %arg4: memref<2618x128xi32, #tpu.memory_space<hbm>>, %arg5: memref<2618x128xi32, #tpu.memory_space<hbm>>, %arg6: memref<2x10112x128xf32, #tpu.memory_space<hbm>>, %arg7: memref<120x128xi32, #tpu.memory_space<vmem>>, %arg8: memref<120x128xi32, #tpu.memory_space<vmem>>, %arg9: memref<128x64xf32, #tpu.memory_space<vmem>>, %arg10: memref<128x64xf32, #tpu.memory_space<vmem>>, %arg11: memref<128x64xf32, #tpu.memory_space<vmem>>, %arg12: memref<10112x64xf32, #tpu.memory_space<vmem_shared>>, %arg13: memref<!tpu.dma_semaphore, #tpu.memory_space<semaphore_mem>>, %arg14: memref<!tpu.dma_semaphore, #tpu.memory_space<semaphore_mem>>) attributes {dimension_semantics = [#tpu.dimension_semantics<core_parallel>, #tpu.dimension_semantics<subcore_parallel>], iteration_bounds = array<i64: 2, 16>, scalar_prefetch = 0 : i64, scratch_operands = 8 : i64, tpu.core_type = #tpu.core_type<sc_vector_subcore>, window_params = [{transform_indices = #map}, {transform_indices = #map}, {transform_indices = #map}, {transform_indices = #map}, {transform_indices = #map1}]} {
    %mul3A = arith.constant 16 : i32
    %mul3A_0 = arith.muli %arg0, %mul3A : i32
    %add3A = arith.addi %mul3A_0, %arg1 : i32
    %mul3A_1 = arith.constant 632 : i32
    %mul3A_2 = arith.muli %arg1, %mul3A_1 : i32
    %eq3A = arith.constant 0 : i32
    %eq3A_3 = arith.cmpi eq, %arg0, %eq3A : i32
    %mul3A_4 = arith.constant 120 : i32
    %mul3A_5 = arith.muli %arg1, %mul3A_4 : i32
    %mul3A_6 = arith.constant 38 : i32
    %mul3A_7 = arith.muli %arg1, %mul3A_6 : i32
    %add3A_8 = arith.constant 1920 : i32
    %add3A_9 = arith.addi %add3A_8, %mul3A_7 : i32
    %select_n3A = arith.select %eq3A_3, %mul3A_5, %add3A_9 : i32
    %eq3A_10 = arith.constant 0 : i32
    %eq3A_11 = arith.cmpi eq, %arg0, %eq3A_10 : i32
    %jit3A = arith.constant 120 : i32
    %jit3A_12 = arith.constant 38 : i32
    %select_n3A_13 = arith.select %eq3A_11, %jit3A, %jit3A_12 : i32
    "tpu.region"() ({
      %run_scoped3A = tpu.sem_alloc : memref<!tpu.dma_semaphore, #tpu.memory_space<semaphore_mem>>
      %dma_start3A_102 = arith.constant 0 : i32
      %dma_start3A_103 = tpu.memref_slice %arg4[%select_n3A, %dma_start3A_102] : memref<2618x128xi32, #tpu.memory_space<hbm>> -> memref<120x128xi32, #tpu.memory_space<hbm>>
      %dma_start3A_104 = arith.constant 0 : i32
      %dma_start3A_105 = tpu.memref_slice %arg4[%select_n3A, %dma_start3A_104] : memref<2618x128xi32, #tpu.memory_space<hbm>> -> memref<120x128xi32, #tpu.memory_space<hbm>>
      tpu.enqueue_dma source(%dma_start3A_105 : memref<120x128xi32, #tpu.memory_space<hbm>>) target(%arg7 : memref<120x128xi32, #tpu.memory_space<vmem>>) target_semaphore(%run_scoped3A : memref<!tpu.dma_semaphore, #tpu.memory_space<semaphore_mem>>)
      %dma_wait3A = arith.constant 0 : i32
      %dma_wait3A_106 = tpu.memref_slice %arg4[%select_n3A, %dma_wait3A] : memref<2618x128xi32, #tpu.memory_space<hbm>> -> memref<120x128xi32, #tpu.memory_space<hbm>>
      %dma_wait3A_107 = arith.constant 0 : i32
      %dma_wait3A_108 = tpu.memref_slice %arg4[%select_n3A, %dma_wait3A_107] : memref<2618x128xi32, #tpu.memory_space<hbm>> -> memref<120x128xi32, #tpu.memory_space<hbm>>
      tpu.wait_dma2 semaphore(%run_scoped3A : memref<!tpu.dma_semaphore, #tpu.memory_space<semaphore_mem>>) src(%dma_wait3A_108 : memref<120x128xi32, #tpu.memory_space<hbm>>) dst(%arg7 : memref<120x128xi32, #tpu.memory_space<vmem>>)
      tpu.yield
    }) : () -> ()
    "tpu.region"() ({
      %run_scoped3A = tpu.sem_alloc : memref<!tpu.dma_semaphore, #tpu.memory_space<semaphore_mem>>
      %dma_start3A_102 = arith.constant 0 : i32
      %dma_start3A_103 = tpu.memref_slice %arg5[%select_n3A, %dma_start3A_102] : memref<2618x128xi32, #tpu.memory_space<hbm>> -> memref<120x128xi32, #tpu.memory_space<hbm>>
      %dma_start3A_104 = arith.constant 0 : i32
      %dma_start3A_105 = tpu.memref_slice %arg5[%select_n3A, %dma_start3A_104] : memref<2618x128xi32, #tpu.memory_space<hbm>> -> memref<120x128xi32, #tpu.memory_space<hbm>>
      tpu.enqueue_dma source(%dma_start3A_105 : memref<120x128xi32, #tpu.memory_space<hbm>>) target(%arg8 : memref<120x128xi32, #tpu.memory_space<vmem>>) target_semaphore(%run_scoped3A : memref<!tpu.dma_semaphore, #tpu.memory_space<semaphore_mem>>)
      %dma_wait3A = arith.constant 0 : i32
      %dma_wait3A_106 = tpu.memref_slice %arg5[%select_n3A, %dma_wait3A] : memref<2618x128xi32, #tpu.memory_space<hbm>> -> memref<120x128xi32, #tpu.memory_space<hbm>>
      %dma_wait3A_107 = arith.constant 0 : i32
      %dma_wait3A_108 = tpu.memref_slice %arg5[%select_n3A, %dma_wait3A_107] : memref<2618x128xi32, #tpu.memory_space<hbm>> -> memref<120x128xi32, #tpu.memory_space<hbm>>
      tpu.wait_dma2 semaphore(%run_scoped3A : memref<!tpu.dma_semaphore, #tpu.memory_space<semaphore_mem>>) src(%dma_wait3A_108 : memref<120x128xi32, #tpu.memory_space<hbm>>) dst(%arg8 : memref<120x128xi32, #tpu.memory_space<vmem>>)
      tpu.yield
    }) : () -> ()
    %broadcast_in_dim3A = arith.constant 0.000000e+00 : f32
    %broadcast_in_dim3A_14 = vector.broadcast %broadcast_in_dim3A : f32 to vector<16xf32>
    %scan3A = arith.constant 0 : i32
    %scan3A_15 = arith.constant 128 : i32
    %scan3A_16 = arith.addi %scan3A, %scan3A_15 : i32
    %scan3A_17 = arith.constant 1 : i32
    scf.for %scan3A_102 = %scan3A to %scan3A_16 step %scan3A_17  : i32 {
      %mul3A_103 = arith.constant 1 : i32
      %mul3A_104 = arith.muli %scan3A_102, %mul3A_103 : i32
      %add3A_105 = arith.constant 0 : i32
      %add3A_106 = arith.addi %add3A_105, %mul3A_104 : i32
      %swap3A = arith.index_cast %add3A_106 : i32 to index
      %swap3A_107 = arith.constant 0 : index
      %swap3A_108 = tpu.vector_load %arg11[%swap3A, %swap3A_107] {strides = array<i32>} : memref<128x64xf32, #tpu.memory_space<vmem>>, vector<16xf32>,
      tpu.vector_store %arg11[%swap3A, %swap3A_107], %broadcast_in_dim3A_14 {strides = array<i32>} : memref<128x64xf32, #tpu.memory_space<vmem>>, vector<16xf32>,
      %swap3A_109 = arith.index_cast %add3A_106 : i32 to index
      %swap3A_110 = arith.constant 16 : index
      %swap3A_111 = tpu.vector_load %arg11[%swap3A_109, %swap3A_110] {strides = array<i32>} : memref<128x64xf32, #tpu.memory_space<vmem>>, vector<16xf32>,
      tpu.vector_store %arg11[%swap3A_109, %swap3A_110], %broadcast_in_dim3A_14 {strides = array<i32>} : memref<128x64xf32, #tpu.memory_space<vmem>>, vector<16xf32>,
      %swap3A_112 = arith.index_cast %add3A_106 : i32 to index
      %swap3A_113 = arith.constant 32 : index
      %swap3A_114 = tpu.vector_load %arg11[%swap3A_112, %swap3A_113] {strides = array<i32>} : memref<128x64xf32, #tpu.memory_space<vmem>>, vector<16xf32>,
      tpu.vector_store %arg11[%swap3A_112, %swap3A_113], %broadcast_in_dim3A_14 {strides = array<i32>} : memref<128x64xf32, #tpu.memory_space<vmem>>, vector<16xf32>,
      %swap3A_115 = arith.index_cast %add3A_106 : i32 to index
      %swap3A_116 = arith.constant 48 : index
      %swap3A_117 = tpu.vector_load %arg11[%swap3A_115, %swap3A_116] {strides = array<i32>} : memref<128x64xf32, #tpu.memory_space<vmem>>, vector<16xf32>,
      tpu.vector_store %arg11[%swap3A_115, %swap3A_116], %broadcast_in_dim3A_14 {strides = array<i32>} : memref<128x64xf32, #tpu.memory_space<vmem>>, vector<16xf32>,
    }
    %scan3A_18 = arith.constant 128 : i32
    %broadcast_in_dim3A_19 = arith.constant 1.000000e+00 : f32
    %broadcast_in_dim3A_20 = vector.broadcast %broadcast_in_dim3A_19 : f32 to vector<16xf32>
    %mul3A_21 = arith.constant 632 : i32
    %mul3A_22 = arith.muli %arg1, %mul3A_21 : i32
    %add3A_23 = arith.constant 0 : i32
    %add3A_24 = arith.addi %mul3A_22, %add3A_23 : i32
    "tpu.region"() ({
      %run_scoped3A = tpu.sem_alloc : memref<!tpu.dma_semaphore, #tpu.memory_space<semaphore_mem>>
      %dma_start3A_102 = arith.constant 0 : i32
      %dma_start3A_103 = tpu.memref_slice %arg12[%add3A_24, %dma_start3A_102] : memref<10112x64xf32, #tpu.memory_space<vmem_shared>> -> memref<128x64xf32, #tpu.memory_space<vmem_shared>>
      %dma_start3A_104 = arith.constant 0 : i32
      %dma_start3A_105 = tpu.memref_slice %arg12[%add3A_24, %dma_start3A_104] : memref<10112x64xf32, #tpu.memory_space<vmem_shared>> -> memref<128x64xf32, #tpu.memory_space<vmem_shared>>
      tpu.enqueue_dma source(%arg11 : memref<128x64xf32, #tpu.memory_space<vmem>>) target(%dma_start3A_105 : memref<128x64xf32, #tpu.memory_space<vmem_shared>>) target_semaphore(%run_scoped3A : memref<!tpu.dma_semaphore, #tpu.memory_space<semaphore_mem>>)
      %dma_wait3A = arith.constant 0 : i32
      %dma_wait3A_106 = tpu.memref_slice %arg12[%add3A_24, %dma_wait3A] : memref<10112x64xf32, #tpu.memory_space<vmem_shared>> -> memref<128x64xf32, #tpu.memory_space<vmem_shared>>
      %dma_wait3A_107 = arith.constant 0 : i32
      %dma_wait3A_108 = tpu.memref_slice %arg12[%add3A_24, %dma_wait3A_107] : memref<10112x64xf32, #tpu.memory_space<vmem_shared>> -> memref<128x64xf32, #tpu.memory_space<vmem_shared>>
      tpu.wait_dma2 semaphore(%run_scoped3A : memref<!tpu.dma_semaphore, #tpu.memory_space<semaphore_mem>>) src(%arg11 : memref<128x64xf32, #tpu.memory_space<vmem>>) dst(%dma_wait3A_108 : memref<128x64xf32, #tpu.memory_space<vmem_shared>>)
      tpu.yield
    }) : () -> ()
    %add3A_25 = arith.constant 128 : i32
    %add3A_26 = arith.addi %mul3A_22, %add3A_25 : i32
    "tpu.region"() ({
      %run_scoped3A = tpu.sem_alloc : memref<!tpu.dma_semaphore, #tpu.memory_space<semaphore_mem>>
      %dma_start3A_102 = arith.constant 0 : i32
      %dma_start3A_103 = tpu.memref_slice %arg12[%add3A_26, %dma_start3A_102] : memref<10112x64xf32, #tpu.memory_space<vmem_shared>> -> memref<128x64xf32, #tpu.memory_space<vmem_shared>>
      %dma_start3A_104 = arith.constant 0 : i32
      %dma_start3A_105 = tpu.memref_slice %arg12[%add3A_26, %dma_start3A_104] : memref<10112x64xf32, #tpu.memory_space<vmem_shared>> -> memref<128x64xf32, #tpu.memory_space<vmem_shared>>
      tpu.enqueue_dma source(%arg11 : memref<128x64xf32, #tpu.memory_space<vmem>>) target(%dma_start3A_105 : memref<128x64xf32, #tpu.memory_space<vmem_shared>>) target_semaphore(%run_scoped3A : memref<!tpu.dma_semaphore, #tpu.memory_space<semaphore_mem>>)
      %dma_wait3A = arith.constant 0 : i32
      %dma_wait3A_106 = tpu.memref_slice %arg12[%add3A_26, %dma_wait3A] : memref<10112x64xf32, #tpu.memory_space<vmem_shared>> -> memref<128x64xf32, #tpu.memory_space<vmem_shared>>
      %dma_wait3A_107 = arith.constant 0 : i32
      %dma_wait3A_108 = tpu.memref_slice %arg12[%add3A_26, %dma_wait3A_107] : memref<10112x64xf32, #tpu.memory_space<vmem_shared>> -> memref<128x64xf32, #tpu.memory_space<vmem_shared>>
      tpu.wait_dma2 semaphore(%run_scoped3A : memref<!tpu.dma_semaphore, #tpu.memory_space<semaphore_mem>>) src(%arg11 : memref<128x64xf32, #tpu.memory_space<vmem>>) dst(%dma_wait3A_108 : memref<128x64xf32, #tpu.memory_space<vmem_shared>>)
      tpu.yield
    }) : () -> ()
    %add3A_27 = arith.constant 256 : i32
    %add3A_28 = arith.addi %mul3A_22, %add3A_27 : i32
    "tpu.region"() ({
      %run_scoped3A = tpu.sem_alloc : memref<!tpu.dma_semaphore, #tpu.memory_space<semaphore_mem>>
      %dma_start3A_102 = arith.constant 0 : i32
      %dma_start3A_103 = tpu.memref_slice %arg12[%add3A_28, %dma_start3A_102] : memref<10112x64xf32, #tpu.memory_space<vmem_shared>> -> memref<128x64xf32, #tpu.memory_space<vmem_shared>>
      %dma_start3A_104 = arith.constant 0 : i32
      %dma_start3A_105 = tpu.memref_slice %arg12[%add3A_28, %dma_start3A_104] : memref<10112x64xf32, #tpu.memory_space<vmem_shared>> -> memref<128x64xf32, #tpu.memory_space<vmem_shared>>
      tpu.enqueue_dma source(%arg11 : memref<128x64xf32, #tpu.memory_space<vmem>>) target(%dma_start3A_105 : memref<128x64xf32, #tpu.memory_space<vmem_shared>>) target_semaphore(%run_scoped3A : memref<!tpu.dma_semaphore, #tpu.memory_space<semaphore_mem>>)
      %dma_wait3A = arith.constant 0 : i32
      %dma_wait3A_106 = tpu.memref_slice %arg12[%add3A_28, %dma_wait3A] : memref<10112x64xf32, #tpu.memory_space<vmem_shared>> -> memref<128x64xf32, #tpu.memory_space<vmem_shared>>
      %dma_wait3A_107 = arith.constant 0 : i32
      %dma_wait3A_108 = tpu.memref_slice %arg12[%add3A_28, %dma_wait3A_107] : memref<10112x64xf32, #tpu.memory_space<vmem_shared>> -> memref<128x64xf32, #tpu.memory_space<vmem_shared>>
      tpu.wait_dma2 semaphore(%run_scoped3A : memref<!tpu.dma_semaphore, #tpu.memory_space<semaphore_mem>>) src(%arg11 : memref<128x64xf32, #tpu.memory_space<vmem>>) dst(%dma_wait3A_108 : memref<128x64xf32, #tpu.memory_space<vmem_shared>>)
      tpu.yield
    }) : () -> ()
    %add3A_29 = arith.constant 384 : i32
    %add3A_30 = arith.addi %mul3A_22, %add3A_29 : i32
    "tpu.region"() ({
      %run_scoped3A = tpu.sem_alloc : memref<!tpu.dma_semaphore, #tpu.memory_space<semaphore_mem>>
      %dma_start3A_102 = arith.constant 0 : i32
      %dma_start3A_103 = tpu.memref_slice %arg12[%add3A_30, %dma_start3A_102] : memref<10112x64xf32, #tpu.memory_space<vmem_shared>> -> memref<128x64xf32, #tpu.memory_space<vmem_shared>>
      %dma_start3A_104 = arith.constant 0 : i32
      %dma_start3A_105 = tpu.memref_slice %arg12[%add3A_30, %dma_start3A_104] : memref<10112x64xf32, #tpu.memory_space<vmem_shared>> -> memref<128x64xf32, #tpu.memory_space<vmem_shared>>
      tpu.enqueue_dma source(%arg11 : memref<128x64xf32, #tpu.memory_space<vmem>>) target(%dma_start3A_105 : memref<128x64xf32, #tpu.memory_space<vmem_shared>>) target_semaphore(%run_scoped3A : memref<!tpu.dma_semaphore, #tpu.memory_space<semaphore_mem>>)
      %dma_wait3A = arith.constant 0 : i32
      %dma_wait3A_106 = tpu.memref_slice %arg12[%add3A_30, %dma_wait3A] : memref<10112x64xf32, #tpu.memory_space<vmem_shared>> -> memref<128x64xf32, #tpu.memory_space<vmem_shared>>
      %dma_wait3A_107 = arith.constant 0 : i32
      %dma_wait3A_108 = tpu.memref_slice %arg12[%add3A_30, %dma_wait3A_107] : memref<10112x64xf32, #tpu.memory_space<vmem_shared>> -> memref<128x64xf32, #tpu.memory_space<vmem_shared>>
      tpu.wait_dma2 semaphore(%run_scoped3A : memref<!tpu.dma_semaphore, #tpu.memory_space<semaphore_mem>>) src(%arg11 : memref<128x64xf32, #tpu.memory_space<vmem>>) dst(%dma_wait3A_108 : memref<128x64xf32, #tpu.memory_space<vmem_shared>>)
      tpu.yield
    }) : () -> ()
    %add3A_31 = arith.constant 632 : i32
    %add3A_32 = arith.addi %mul3A_22, %add3A_31 : i32
    %sub3A = arith.constant 120 : i32
    %sub3A_33 = arith.subi %add3A_32, %sub3A : i32
    "tpu.region"() ({
      %run_scoped3A = tpu.sem_alloc : memref<!tpu.dma_semaphore, #tpu.memory_space<semaphore_mem>>
      %dma_start3A_102 = arith.constant 0 : i32
      %dma_start3A_103 = arith.constant 0 : i32
      %dma_start3A_104 = tpu.memref_slice %arg11[%dma_start3A_102, %dma_start3A_103] : memref<128x64xf32, #tpu.memory_space<vmem>> -> memref<120x64xf32, #tpu.memory_space<vmem>>
      %dma_start3A_105 = arith.constant 0 : i32
      %dma_start3A_106 = tpu.memref_slice %arg12[%sub3A_33, %dma_start3A_105] : memref<10112x64xf32, #tpu.memory_space<vmem_shared>> -> memref<120x64xf32, #tpu.memory_space<vmem_shared>>
      %dma_start3A_107 = arith.constant 0 : i32
      %dma_start3A_108 = tpu.memref_slice %arg12[%sub3A_33, %dma_start3A_107] : memref<10112x64xf32, #tpu.memory_space<vmem_shared>> -> memref<120x64xf32, #tpu.memory_space<vmem_shared>>
      %dma_start3A_109 = arith.constant 0 : i32
      %dma_start3A_110 = arith.constant 0 : i32
      %dma_start3A_111 = tpu.memref_slice %arg11[%dma_start3A_109, %dma_start3A_110] : memref<128x64xf32, #tpu.memory_space<vmem>> -> memref<120x64xf32, #tpu.memory_space<vmem>>
      tpu.enqueue_dma source(%dma_start3A_111 : memref<120x64xf32, #tpu.memory_space<vmem>>) target(%dma_start3A_108 : memref<120x64xf32, #tpu.memory_space<vmem_shared>>) target_semaphore(%run_scoped3A : memref<!tpu.dma_semaphore, #tpu.memory_space<semaphore_mem>>)
      %dma_wait3A = arith.constant 0 : i32
      %dma_wait3A_112 = arith.constant 0 : i32
      %dma_wait3A_113 = tpu.memref_slice %arg11[%dma_wait3A, %dma_wait3A_112] : memref<128x64xf32, #tpu.memory_space<vmem>> -> memref<120x64xf32, #tpu.memory_space<vmem>>
      %dma_wait3A_114 = arith.constant 0 : i32
      %dma_wait3A_115 = tpu.memref_slice %arg12[%sub3A_33, %dma_wait3A_114] : memref<10112x64xf32, #tpu.memory_space<vmem_shared>> -> memref<120x64xf32, #tpu.memory_space<vmem_shared>>
      %dma_wait3A_116 = arith.constant 0 : i32
      %dma_wait3A_117 = tpu.memref_slice %arg12[%sub3A_33, %dma_wait3A_116] : memref<10112x64xf32, #tpu.memory_space<vmem_shared>> -> memref<120x64xf32, #tpu.memory_space<vmem_shared>>
      %dma_wait3A_118 = arith.constant 0 : i32
      %dma_wait3A_119 = arith.constant 0 : i32
      %dma_wait3A_120 = tpu.memref_slice %arg11[%dma_wait3A_118, %dma_wait3A_119] : memref<128x64xf32, #tpu.memory_space<vmem>> -> memref<120x64xf32, #tpu.memory_space<vmem>>
      tpu.wait_dma2 semaphore(%run_scoped3A : memref<!tpu.dma_semaphore, #tpu.memory_space<semaphore_mem>>) src(%dma_wait3A_120 : memref<120x64xf32, #tpu.memory_space<vmem>>) dst(%dma_wait3A_117 : memref<120x64xf32, #tpu.memory_space<vmem_shared>>)
      tpu.yield
    }) : () -> ()
    %barrier3A = arith.constant 0 : index
    tpu.barrier barrier_id(%barrier3A)
    %dma_start3A = arith.constant 0 : i32
    %dma_start3A_34 = arith.constant 0 : i32
    %dma_start3A_35 = tpu.memref_slice %arg7[%dma_start3A, %dma_start3A_34] : memref<120x128xi32, #tpu.memory_space<vmem>> -> memref<1x128xi32, #tpu.memory_space<vmem>>
    %dma_start3A_36 = tpu.memref_squeeze %dma_start3A_35 : memref<1x128xi32, #tpu.memory_space<vmem>> -> memref<128xi32, #tpu.memory_space<vmem>>
    %dma_start3A_37 = arith.constant 0 : i32
    %dma_start3A_38 = arith.constant 0 : i32
    %dma_start3A_39 = tpu.memref_slice %arg2[%dma_start3A_37, %dma_start3A_38] : memref<10000x64xf32, #tpu.memory_space<hbm>> -> memref<10000x64xf32, #tpu.memory_space<hbm>>
    tpu.enqueue_indirect_dma source(%dma_start3A_39 : memref<10000x64xf32, #tpu.memory_space<hbm>>) target(%arg9 : memref<128x64xf32, #tpu.memory_space<vmem>>) offsets(%dma_start3A_36 : memref<128xi32, #tpu.memory_space<vmem>>) semaphore(%arg13 : memref<!tpu.dma_semaphore, #tpu.memory_space<semaphore_mem>>)
    %sub3A_40 = arith.constant 0 : i32
    %sub3A_41 = arith.subi %select_n3A_13, %sub3A_40 : i32
    %sub3A_42 = arith.constant 2 : i32
    %sub3A_43 = arith.constant 1 : i32
    %sub3A_44 = arith.subi %sub3A_42, %sub3A_43 : i32
    %add3A_45 = arith.addi %sub3A_41, %sub3A_44 : i32
    %div3A = arith.constant 2 : i32
    %div3A_46 = arith.divsi %add3A_45, %div3A : i32
    %while3A = arith.constant 2 : i32
    %while3A_47 = arith.constant 0 : i32
    %while3A_48 = arith.constant 0 : i32
    %while3A_49 = arith.subi %div3A_46, %while3A_48 : i32
    %while3A_50 = arith.addi %while3A_48, %while3A_49 : i32
    %while3A_51 = arith.constant 1 : i32
    %while3A_52 = arith.divsi %while3A_49, %while3A_51 : i32
    %while3A_53 = arith.muli %while3A_52, %while3A_51 : i32
    %while3A_54 = arith.addi %while3A_48, %while3A_53 : i32
    %while3A_55 = arith.constant 1 : i32
    scf.for %while3A_102 = %while3A_48 to %while3A_54 step %while3A_55  : i32 {
      %mul3A_103 = arith.muli %while3A_102, %while3A : i32
      %add3A_104 = arith.addi %while3A_47, %mul3A_103 : i32
      %add3A_105 = arith.constant 1 : i32
      %add3A_106 = arith.addi %add3A_104, %add3A_105 : i32
      %dma_start3A_107 = arith.constant 0 : i32
      %dma_start3A_108 = tpu.memref_slice %arg7[%add3A_106, %dma_start3A_107] : memref<120x128xi32, #tpu.memory_space<vmem>> -> memref<1x128xi32, #tpu.memory_space<vmem>>
      %dma_start3A_109 = tpu.memref_squeeze %dma_start3A_108 : memref<1x128xi32, #tpu.memory_space<vmem>> -> memref<128xi32, #tpu.memory_space<vmem>>
      %dma_start3A_110 = arith.constant 0 : i32
      %dma_start3A_111 = arith.constant 0 : i32
      %dma_start3A_112 = tpu.memref_slice %arg2[%dma_start3A_110, %dma_start3A_111] : memref<10000x64xf32, #tpu.memory_space<hbm>> -> memref<10000x64xf32, #tpu.memory_space<hbm>>
      tpu.enqueue_indirect_dma source(%dma_start3A_112 : memref<10000x64xf32, #tpu.memory_space<hbm>>) target(%arg10 : memref<128x64xf32, #tpu.memory_space<vmem>>) offsets(%dma_start3A_109 : memref<128xi32, #tpu.memory_space<vmem>>) semaphore(%arg14 : memref<!tpu.dma_semaphore, #tpu.memory_space<semaphore_mem>>)
      %dma_wait3A = arith.constant 0 : i32
      %dma_wait3A_113 = tpu.memref_slice %arg7[%add3A_104, %dma_wait3A] : memref<120x128xi32, #tpu.memory_space<vmem>> -> memref<1x128xi32, #tpu.memory_space<vmem>>
      %dma_wait3A_114 = tpu.memref_squeeze %dma_wait3A_113 : memref<1x128xi32, #tpu.memory_space<vmem>> -> memref<128xi32, #tpu.memory_space<vmem>>
      %dma_wait3A_115 = arith.constant 0 : i32
      %dma_wait3A_116 = arith.constant 0 : i32
      %dma_wait3A_117 = tpu.memref_slice %arg2[%dma_wait3A_115, %dma_wait3A_116] : memref<10000x64xf32, #tpu.memory_space<hbm>> -> memref<10000x64xf32, #tpu.memory_space<hbm>>
      tpu.wait_indirect_dma semaphore(%arg13 : memref<!tpu.dma_semaphore, #tpu.memory_space<semaphore_mem>>) src(%dma_wait3A_117 : memref<10000x64xf32, #tpu.memory_space<hbm>>) dst(%arg9 : memref<128x64xf32, #tpu.memory_space<vmem>>)
      "tpu.region"() ({
        %run_scoped3A = tpu.sem_alloc : memref<!tpu.dma_semaphore, #tpu.memory_space<semaphore_mem>>
        %dma_start3A_131 = arith.constant 0 : i32
        %dma_start3A_132 = tpu.memref_slice %arg8[%add3A_104, %dma_start3A_131] : memref<120x128xi32, #tpu.memory_space<vmem>> -> memref<1x128xi32, #tpu.memory_space<vmem>>
        %dma_start3A_133 = tpu.memref_squeeze %dma_start3A_132 : memref<1x128xi32, #tpu.memory_space<vmem>> -> memref<128xi32, #tpu.memory_space<vmem>>
        %dma_start3A_134 = arith.constant 0 : i32
        %dma_start3A_135 = arith.constant 0 : i32
        %dma_start3A_136 = tpu.memref_slice %arg12[%dma_start3A_134, %dma_start3A_135] : memref<10112x64xf32, #tpu.memory_space<vmem_shared>> -> memref<10112x64xf32, #tpu.memory_space<vmem_shared>>
        tpu.enqueue_indirect_dma source(%arg9 : memref<128x64xf32, #tpu.memory_space<vmem>>) target(%dma_start3A_136 : memref<10112x64xf32, #tpu.memory_space<vmem_shared>>) offsets(%dma_start3A_133 : memref<128xi32, #tpu.memory_space<vmem>>) semaphore(%run_scoped3A : memref<!tpu.dma_semaphore, #tpu.memory_space<semaphore_mem>>) {add = true}
        %dma_wait3A_137 = arith.constant 0 : i32
        %dma_wait3A_138 = tpu.memref_slice %arg8[%add3A_104, %dma_wait3A_137] : memref<120x128xi32, #tpu.memory_space<vmem>> -> memref<1x128xi32, #tpu.memory_space<vmem>>
        %dma_wait3A_139 = tpu.memref_squeeze %dma_wait3A_138 : memref<1x128xi32, #tpu.memory_space<vmem>> -> memref<128xi32, #tpu.memory_space<vmem>>
        %dma_wait3A_140 = arith.constant 0 : i32
        %dma_wait3A_141 = arith.constant 0 : i32
        %dma_wait3A_142 = tpu.memref_slice %arg12[%dma_wait3A_140, %dma_wait3A_141] : memref<10112x64xf32, #tpu.memory_space<vmem_shared>> -> memref<10112x64xf32, #tpu.memory_space<vmem_shared>>
        tpu.wait_indirect_dma semaphore(%run_scoped3A : memref<!tpu.dma_semaphore, #tpu.memory_space<semaphore_mem>>) src(%arg9 : memref<128x64xf32, #tpu.memory_space<vmem>>) dst(%dma_wait3A_142 : memref<10112x64xf32, #tpu.memory_space<vmem_shared>>)
        tpu.yield
      }) : () -> ()
      %add3A_118 = arith.constant 2 : i32
      %add3A_119 = arith.addi %add3A_104, %add3A_118 : i32
      %lt3A = arith.cmpi slt, %add3A_119, %select_n3A_13 : i32
      %convert_element_type3A = arith.extui %lt3A : i1 to i32
      %cond3A = arith.constant 0 : i32
      %cond3A_120 = arith.cmpi ne, %convert_element_type3A, %cond3A : i32
      scf.if %cond3A_120 {
        %add3A_131 = arith.constant 2 : i32
        %add3A_132 = arith.addi %add3A_104, %add3A_131 : i32
        %dma_start3A_133 = arith.constant 0 : i32
        %dma_start3A_134 = tpu.memref_slice %arg7[%add3A_132, %dma_start3A_133] : memref<120x128xi32, #tpu.memory_space<vmem>> -> memref<1x128xi32, #tpu.memory_space<vmem>>
        %dma_start3A_135 = tpu.memref_squeeze %dma_start3A_134 : memref<1x128xi32, #tpu.memory_space<vmem>> -> memref<128xi32, #tpu.memory_space<vmem>>
        %dma_start3A_136 = arith.constant 0 : i32
        %dma_start3A_137 = arith.constant 0 : i32
        %dma_start3A_138 = tpu.memref_slice %arg2[%dma_start3A_136, %dma_start3A_137] : memref<10000x64xf32, #tpu.memory_space<hbm>> -> memref<10000x64xf32, #tpu.memory_space<hbm>>
        tpu.enqueue_indirect_dma source(%dma_start3A_138 : memref<10000x64xf32, #tpu.memory_space<hbm>>) target(%arg9 : memref<128x64xf32, #tpu.memory_space<vmem>>) offsets(%dma_start3A_135 : memref<128xi32, #tpu.memory_space<vmem>>) semaphore(%arg13 : memref<!tpu.dma_semaphore, #tpu.memory_space<semaphore_mem>>)
      } else {
      }
      %add3A_121 = arith.constant 1 : i32
      %add3A_122 = arith.addi %add3A_104, %add3A_121 : i32
      %dma_wait3A_123 = arith.constant 0 : i32
      %dma_wait3A_124 = tpu.memref_slice %arg7[%add3A_122, %dma_wait3A_123] : memref<120x128xi32, #tpu.memory_space<vmem>> -> memref<1x128xi32, #tpu.memory_space<vmem>>
      %dma_wait3A_125 = tpu.memref_squeeze %dma_wait3A_124 : memref<1x128xi32, #tpu.memory_space<vmem>> -> memref<128xi32, #tpu.memory_space<vmem>>
      %dma_wait3A_126 = arith.constant 0 : i32
      %dma_wait3A_127 = arith.constant 0 : i32
      %dma_wait3A_128 = tpu.memref_slice %arg2[%dma_wait3A_126, %dma_wait3A_127] : memref<10000x64xf32, #tpu.memory_space<hbm>> -> memref<10000x64xf32, #tpu.memory_space<hbm>>
      tpu.wait_indirect_dma semaphore(%arg14 : memref<!tpu.dma_semaphore, #tpu.memory_space<semaphore_mem>>) src(%dma_wait3A_128 : memref<10000x64xf32, #tpu.memory_space<hbm>>) dst(%arg10 : memref<128x64xf32, #tpu.memory_space<vmem>>)
      %add3A_129 = arith.constant 1 : i32
      %add3A_130 = arith.addi %add3A_104, %add3A_129 : i32
      "tpu.region"() ({
        %run_scoped3A = tpu.sem_alloc : memref<!tpu.dma_semaphore, #tpu.memory_space<semaphore_mem>>
        %dma_start3A_131 = arith.constant 0 : i32
        %dma_start3A_132 = tpu.memref_slice %arg8[%add3A_130, %dma_start3A_131] : memref<120x128xi32, #tpu.memory_space<vmem>> -> memref<1x128xi32, #tpu.memory_space<vmem>>
        %dma_start3A_133 = tpu.memref_squeeze %dma_start3A_132 : memref<1x128xi32, #tpu.memory_space<vmem>> -> memref<128xi32, #tpu.memory_space<vmem>>
        %dma_start3A_134 = arith.constant 0 : i32
        %dma_start3A_135 = arith.constant 0 : i32
        %dma_start3A_136 = tpu.memref_slice %arg12[%dma_start3A_134, %dma_start3A_135] : memref<10112x64xf32, #tpu.memory_space<vmem_shared>> -> memref<10112x64xf32, #tpu.memory_space<vmem_shared>>
        tpu.enqueue_indirect_dma source(%arg10 : memref<128x64xf32, #tpu.memory_space<vmem>>) target(%dma_start3A_136 : memref<10112x64xf32, #tpu.memory_space<vmem_shared>>) offsets(%dma_start3A_133 : memref<128xi32, #tpu.memory_space<vmem>>) semaphore(%run_scoped3A : memref<!tpu.dma_semaphore, #tpu.memory_space<semaphore_mem>>) {add = true}
        %dma_wait3A_137 = arith.constant 0 : i32
        %dma_wait3A_138 = tpu.memref_slice %arg8[%add3A_130, %dma_wait3A_137] : memref<120x128xi32, #tpu.memory_space<vmem>> -> memref<1x128xi32, #tpu.memory_space<vmem>>
        %dma_wait3A_139 = tpu.memref_squeeze %dma_wait3A_138 : memref<1x128xi32, #tpu.memory_space<vmem>> -> memref<128xi32, #tpu.memory_space<vmem>>
        %dma_wait3A_140 = arith.constant 0 : i32
        %dma_wait3A_141 = arith.constant 0 : i32
        %dma_wait3A_142 = tpu.memref_slice %arg12[%dma_wait3A_140, %dma_wait3A_141] : memref<10112x64xf32, #tpu.memory_space<vmem_shared>> -> memref<10112x64xf32, #tpu.memory_space<vmem_shared>>
        tpu.wait_indirect_dma semaphore(%run_scoped3A : memref<!tpu.dma_semaphore, #tpu.memory_space<semaphore_mem>>) src(%arg10 : memref<128x64xf32, #tpu.memory_space<vmem>>) dst(%dma_wait3A_142 : memref<10112x64xf32, #tpu.memory_space<vmem_shared>>)
        tpu.yield
      }) : () -> ()
    }
    %while3A_56 = arith.constant 1 : i32
    scf.for %while3A_102 = %while3A_54 to %while3A_50 step %while3A_56  : i32 {
      %mul3A_103 = arith.muli %while3A_102, %while3A : i32
      %add3A_104 = arith.addi %while3A_47, %mul3A_103 : i32
      %add3A_105 = arith.constant 1 : i32
      %add3A_106 = arith.addi %add3A_104, %add3A_105 : i32
      %dma_start3A_107 = arith.constant 0 : i32
      %dma_start3A_108 = tpu.memref_slice %arg7[%add3A_106, %dma_start3A_107] : memref<120x128xi32, #tpu.memory_space<vmem>> -> memref<1x128xi32, #tpu.memory_space<vmem>>
      %dma_start3A_109 = tpu.memref_squeeze %dma_start3A_108 : memref<1x128xi32, #tpu.memory_space<vmem>> -> memref<128xi32, #tpu.memory_space<vmem>>
      %dma_start3A_110 = arith.constant 0 : i32
      %dma_start3A_111 = arith.constant 0 : i32
      %dma_start3A_112 = tpu.memref_slice %arg2[%dma_start3A_110, %dma_start3A_111] : memref<10000x64xf32, #tpu.memory_space<hbm>> -> memref<10000x64xf32, #tpu.memory_space<hbm>>
      tpu.enqueue_indirect_dma source(%dma_start3A_112 : memref<10000x64xf32, #tpu.memory_space<hbm>>) target(%arg10 : memref<128x64xf32, #tpu.memory_space<vmem>>) offsets(%dma_start3A_109 : memref<128xi32, #tpu.memory_space<vmem>>) semaphore(%arg14 : memref<!tpu.dma_semaphore, #tpu.memory_space<semaphore_mem>>)
      %dma_wait3A = arith.constant 0 : i32
      %dma_wait3A_113 = tpu.memref_slice %arg7[%add3A_104, %dma_wait3A] : memref<120x128xi32, #tpu.memory_space<vmem>> -> memref<1x128xi32, #tpu.memory_space<vmem>>
      %dma_wait3A_114 = tpu.memref_squeeze %dma_wait3A_113 : memref<1x128xi32, #tpu.memory_space<vmem>> -> memref<128xi32, #tpu.memory_space<vmem>>
      %dma_wait3A_115 = arith.constant 0 : i32
      %dma_wait3A_116 = arith.constant 0 : i32
      %dma_wait3A_117 = tpu.memref_slice %arg2[%dma_wait3A_115, %dma_wait3A_116] : memref<10000x64xf32, #tpu.memory_space<hbm>> -> memref<10000x64xf32, #tpu.memory_space<hbm>>
      tpu.wait_indirect_dma semaphore(%arg13 : memref<!tpu.dma_semaphore, #tpu.memory_space<semaphore_mem>>) src(%dma_wait3A_117 : memref<10000x64xf32, #tpu.memory_space<hbm>>) dst(%arg9 : memref<128x64xf32, #tpu.memory_space<vmem>>)
      "tpu.region"() ({
        %run_scoped3A = tpu.sem_alloc : memref<!tpu.dma_semaphore, #tpu.memory_space<semaphore_mem>>
        %dma_start3A_131 = arith.constant 0 : i32
        %dma_start3A_132 = tpu.memref_slice %arg8[%add3A_104, %dma_start3A_131] : memref<120x128xi32, #tpu.memory_space<vmem>> -> memref<1x128xi32, #tpu.memory_space<vmem>>
        %dma_start3A_133 = tpu.memref_squeeze %dma_start3A_132 : memref<1x128xi32, #tpu.memory_space<vmem>> -> memref<128xi32, #tpu.memory_space<vmem>>
        %dma_start3A_134 = arith.constant 0 : i32
        %dma_start3A_135 = arith.constant 0 : i32
        %dma_start3A_136 = tpu.memref_slice %arg12[%dma_start3A_134, %dma_start3A_135] : memref<10112x64xf32, #tpu.memory_space<vmem_shared>> -> memref<10112x64xf32, #tpu.memory_space<vmem_shared>>
        tpu.enqueue_indirect_dma source(%arg9 : memref<128x64xf32, #tpu.memory_space<vmem>>) target(%dma_start3A_136 : memref<10112x64xf32, #tpu.memory_space<vmem_shared>>) offsets(%dma_start3A_133 : memref<128xi32, #tpu.memory_space<vmem>>) semaphore(%run_scoped3A : memref<!tpu.dma_semaphore, #tpu.memory_space<semaphore_mem>>) {add = true}
        %dma_wait3A_137 = arith.constant 0 : i32
        %dma_wait3A_138 = tpu.memref_slice %arg8[%add3A_104, %dma_wait3A_137] : memref<120x128xi32, #tpu.memory_space<vmem>> -> memref<1x128xi32, #tpu.memory_space<vmem>>
        %dma_wait3A_139 = tpu.memref_squeeze %dma_wait3A_138 : memref<1x128xi32, #tpu.memory_space<vmem>> -> memref<128xi32, #tpu.memory_space<vmem>>
        %dma_wait3A_140 = arith.constant 0 : i32
        %dma_wait3A_141 = arith.constant 0 : i32
        %dma_wait3A_142 = tpu.memref_slice %arg12[%dma_wait3A_140, %dma_wait3A_141] : memref<10112x64xf32, #tpu.memory_space<vmem_shared>> -> memref<10112x64xf32, #tpu.memory_space<vmem_shared>>
        tpu.wait_indirect_dma semaphore(%run_scoped3A : memref<!tpu.dma_semaphore, #tpu.memory_space<semaphore_mem>>) src(%arg9 : memref<128x64xf32, #tpu.memory_space<vmem>>) dst(%dma_wait3A_142 : memref<10112x64xf32, #tpu.memory_space<vmem_shared>>)
        tpu.yield
      }) : () -> ()
      %add3A_118 = arith.constant 2 : i32
      %add3A_119 = arith.addi %add3A_104, %add3A_118 : i32
      %lt3A = arith.cmpi slt, %add3A_119, %select_n3A_13 : i32
      %convert_element_type3A = arith.extui %lt3A : i1 to i32
      %cond3A = arith.constant 0 : i32
      %cond3A_120 = arith.cmpi ne, %convert_element_type3A, %cond3A : i32
      scf.if %cond3A_120 {
        %add3A_131 = arith.constant 2 : i32
        %add3A_132 = arith.addi %add3A_104, %add3A_131 : i32
        %dma_start3A_133 = arith.constant 0 : i32
        %dma_start3A_134 = tpu.memref_slice %arg7[%add3A_132, %dma_start3A_133] : memref<120x128xi32, #tpu.memory_space<vmem>> -> memref<1x128xi32, #tpu.memory_space<vmem>>
        %dma_start3A_135 = tpu.memref_squeeze %dma_start3A_134 : memref<1x128xi32, #tpu.memory_space<vmem>> -> memref<128xi32, #tpu.memory_space<vmem>>
        %dma_start3A_136 = arith.constant 0 : i32
        %dma_start3A_137 = arith.constant 0 : i32
        %dma_start3A_138 = tpu.memref_slice %arg2[%dma_start3A_136, %dma_start3A_137] : memref<10000x64xf32, #tpu.memory_space<hbm>> -> memref<10000x64xf32, #tpu.memory_space<hbm>>
        tpu.enqueue_indirect_dma source(%dma_start3A_138 : memref<10000x64xf32, #tpu.memory_space<hbm>>) target(%arg9 : memref<128x64xf32, #tpu.memory_space<vmem>>) offsets(%dma_start3A_135 : memref<128xi32, #tpu.memory_space<vmem>>) semaphore(%arg13 : memref<!tpu.dma_semaphore, #tpu.memory_space<semaphore_mem>>)
      } else {
      }
      %add3A_121 = arith.constant 1 : i32
      %add3A_122 = arith.addi %add3A_104, %add3A_121 : i32
      %dma_wait3A_123 = arith.constant 0 : i32
      %dma_wait3A_124 = tpu.memref_slice %arg7[%add3A_122, %dma_wait3A_123] : memref<120x128xi32, #tpu.memory_space<vmem>> -> memref<1x128xi32, #tpu.memory_space<vmem>>
      %dma_wait3A_125 = tpu.memref_squeeze %dma_wait3A_124 : memref<1x128xi32, #tpu.memory_space<vmem>> -> memref<128xi32, #tpu.memory_space<vmem>>
      %dma_wait3A_126 = arith.constant 0 : i32
      %dma_wait3A_127 = arith.constant 0 : i32
      %dma_wait3A_128 = tpu.memref_slice %arg2[%dma_wait3A_126, %dma_wait3A_127] : memref<10000x64xf32, #tpu.memory_space<hbm>> -> memref<10000x64xf32, #tpu.memory_space<hbm>>
      tpu.wait_indirect_dma semaphore(%arg14 : memref<!tpu.dma_semaphore, #tpu.memory_space<semaphore_mem>>) src(%dma_wait3A_128 : memref<10000x64xf32, #tpu.memory_space<hbm>>) dst(%arg10 : memref<128x64xf32, #tpu.memory_space<vmem>>)
      %add3A_129 = arith.constant 1 : i32
      %add3A_130 = arith.addi %add3A_104, %add3A_129 : i32
      "tpu.region"() ({
        %run_scoped3A = tpu.sem_alloc : memref<!tpu.dma_semaphore, #tpu.memory_space<semaphore_mem>>
        %dma_start3A_131 = arith.constant 0 : i32
        %dma_start3A_132 = tpu.memref_slice %arg8[%add3A_130, %dma_start3A_131] : memref<120x128xi32, #tpu.memory_space<vmem>> -> memref<1x128xi32, #tpu.memory_space<vmem>>
        %dma_start3A_133 = tpu.memref_squeeze %dma_start3A_132 : memref<1x128xi32, #tpu.memory_space<vmem>> -> memref<128xi32, #tpu.memory_space<vmem>>
        %dma_start3A_134 = arith.constant 0 : i32
        %dma_start3A_135 = arith.constant 0 : i32
        %dma_start3A_136 = tpu.memref_slice %arg12[%dma_start3A_134, %dma_start3A_135] : memref<10112x64xf32, #tpu.memory_space<vmem_shared>> -> memref<10112x64xf32, #tpu.memory_space<vmem_shared>>
        tpu.enqueue_indirect_dma source(%arg10 : memref<128x64xf32, #tpu.memory_space<vmem>>) target(%dma_start3A_136 : memref<10112x64xf32, #tpu.memory_space<vmem_shared>>) offsets(%dma_start3A_133 : memref<128xi32, #tpu.memory_space<vmem>>) semaphore(%run_scoped3A : memref<!tpu.dma_semaphore, #tpu.memory_space<semaphore_mem>>) {add = true}
        %dma_wait3A_137 = arith.constant 0 : i32
        %dma_wait3A_138 = tpu.memref_slice %arg8[%add3A_130, %dma_wait3A_137] : memref<120x128xi32, #tpu.memory_space<vmem>> -> memref<1x128xi32, #tpu.memory_space<vmem>>
        %dma_wait3A_139 = tpu.memref_squeeze %dma_wait3A_138 : memref<1x128xi32, #tpu.memory_space<vmem>> -> memref<128xi32, #tpu.memory_space<vmem>>
        %dma_wait3A_140 = arith.constant 0 : i32
        %dma_wait3A_141 = arith.constant 0 : i32
        %dma_wait3A_142 = tpu.memref_slice %arg12[%dma_wait3A_140, %dma_wait3A_141] : memref<10112x64xf32, #tpu.memory_space<vmem_shared>> -> memref<10112x64xf32, #tpu.memory_space<vmem_shared>>
        tpu.wait_indirect_dma semaphore(%run_scoped3A : memref<!tpu.dma_semaphore, #tpu.memory_space<semaphore_mem>>) src(%arg10 : memref<128x64xf32, #tpu.memory_space<vmem>>) dst(%dma_wait3A_142 : memref<10112x64xf32, #tpu.memory_space<vmem_shared>>)
        tpu.yield
      }) : () -> ()
    }
    %barrier3A_57 = arith.constant 0 : index
    tpu.barrier barrier_id(%barrier3A_57)
    "tpu.region"() ({
      %run_scoped3A = tpu.sem_alloc : memref<!tpu.dma_semaphore, #tpu.memory_space<semaphore_mem>>
      %dma_start3A_102 = arith.constant 0 : i32
      %dma_start3A_103 = arith.constant 0 : i32
      %dma_start3A_104 = tpu.memref_slice %arg6[%arg0, %dma_start3A_102, %dma_start3A_103] : memref<2x10112x128xf32, #tpu.memory_space<hbm>> -> memref<1x10112x128xf32, #tpu.memory_space<hbm>>
      %dma_start3A_105 = tpu.memref_squeeze %dma_start3A_104 : memref<1x10112x128xf32, #tpu.memory_space<hbm>> -> memref<10112x128xf32, #tpu.memory_space<hbm>>
      %dma_start3A_106 = arith.constant 0 : i32
      %dma_start3A_107 = tpu.memref_slice %dma_start3A_105[%mul3A_2, %dma_start3A_106] : memref<10112x128xf32, #tpu.memory_space<hbm>> -> memref<632x64xf32, #tpu.memory_space<hbm>>
      %dma_start3A_108 = arith.constant 0 : i32
      %dma_start3A_109 = tpu.memref_slice %arg12[%mul3A_2, %dma_start3A_108] : memref<10112x64xf32, #tpu.memory_space<vmem_shared>> -> memref<632x64xf32, #tpu.memory_space<vmem_shared>>
      tpu.enqueue_dma source(%dma_start3A_109 : memref<632x64xf32, #tpu.memory_space<vmem_shared>>) target(%dma_start3A_107 : memref<632x64xf32, #tpu.memory_space<hbm>>) target_semaphore(%run_scoped3A : memref<!tpu.dma_semaphore, #tpu.memory_space<semaphore_mem>>)
      %dma_wait3A = arith.constant 0 : i32
      %dma_wait3A_110 = arith.constant 0 : i32
      %dma_wait3A_111 = tpu.memref_slice %arg6[%arg0, %dma_wait3A, %dma_wait3A_110] : memref<2x10112x128xf32, #tpu.memory_space<hbm>> -> memref<1x10112x128xf32, #tpu.memory_space<hbm>>
      %dma_wait3A_112 = tpu.memref_squeeze %dma_wait3A_111 : memref<1x10112x128xf32, #tpu.memory_space<hbm>> -> memref<10112x128xf32, #tpu.memory_space<hbm>>
      %dma_wait3A_113 = arith.constant 0 : i32
      %dma_wait3A_114 = tpu.memref_slice %dma_wait3A_112[%mul3A_2, %dma_wait3A_113] : memref<10112x128xf32, #tpu.memory_space<hbm>> -> memref<632x64xf32, #tpu.memory_space<hbm>>
      %dma_wait3A_115 = arith.constant 0 : i32
      %dma_wait3A_116 = tpu.memref_slice %arg12[%mul3A_2, %dma_wait3A_115] : memref<10112x64xf32, #tpu.memory_space<vmem_shared>> -> memref<632x64xf32, #tpu.memory_space<vmem_shared>>
      tpu.wait_dma2 semaphore(%run_scoped3A : memref<!tpu.dma_semaphore, #tpu.memory_space<semaphore_mem>>) src(%dma_wait3A_116 : memref<632x64xf32, #tpu.memory_space<vmem_shared>>) dst(%dma_wait3A_114 : memref<632x64xf32, #tpu.memory_space<hbm>>)
      tpu.yield
    }) : () -> ()
    %barrier3A_58 = arith.constant 0 : index
    tpu.barrier barrier_id(%barrier3A_58)
    %mul3A_59 = arith.constant 632 : i32
    %mul3A_60 = arith.muli %arg1, %mul3A_59 : i32
    %add3A_61 = arith.constant 0 : i32
    %add3A_62 = arith.addi %mul3A_60, %add3A_61 : i32
    "tpu.region"() ({
      %run_scoped3A = tpu.sem_alloc : memref<!tpu.dma_semaphore, #tpu.memory_space<semaphore_mem>>
      %dma_start3A_102 = arith.constant 0 : i32
      %dma_start3A_103 = tpu.memref_slice %arg12[%add3A_62, %dma_start3A_102] : memref<10112x64xf32, #tpu.memory_space<vmem_shared>> -> memref<128x64xf32, #tpu.memory_space<vmem_shared>>
      %dma_start3A_104 = arith.constant 0 : i32
      %dma_start3A_105 = tpu.memref_slice %arg12[%add3A_62, %dma_start3A_104] : memref<10112x64xf32, #tpu.memory_space<vmem_shared>> -> memref<128x64xf32, #tpu.memory_space<vmem_shared>>
      tpu.enqueue_dma source(%arg11 : memref<128x64xf32, #tpu.memory_space<vmem>>) target(%dma_start3A_105 : memref<128x64xf32, #tpu.memory_space<vmem_shared>>) target_semaphore(%run_scoped3A : memref<!tpu.dma_semaphore, #tpu.memory_space<semaphore_mem>>)
      %dma_wait3A = arith.constant 0 : i32
      %dma_wait3A_106 = tpu.memref_slice %arg12[%add3A_62, %dma_wait3A] : memref<10112x64xf32, #tpu.memory_space<vmem_shared>> -> memref<128x64xf32, #tpu.memory_space<vmem_shared>>
      %dma_wait3A_107 = arith.constant 0 : i32
      %dma_wait3A_108 = tpu.memref_slice %arg12[%add3A_62, %dma_wait3A_107] : memref<10112x64xf32, #tpu.memory_space<vmem_shared>> -> memref<128x64xf32, #tpu.memory_space<vmem_shared>>
      tpu.wait_dma2 semaphore(%run_scoped3A : memref<!tpu.dma_semaphore, #tpu.memory_space<semaphore_mem>>) src(%arg11 : memref<128x64xf32, #tpu.memory_space<vmem>>) dst(%dma_wait3A_108 : memref<128x64xf32, #tpu.memory_space<vmem_shared>>)
      tpu.yield
    }) : () -> ()
    %add3A_63 = arith.constant 128 : i32
    %add3A_64 = arith.addi %mul3A_60, %add3A_63 : i32
    "tpu.region"() ({
      %run_scoped3A = tpu.sem_alloc : memref<!tpu.dma_semaphore, #tpu.memory_space<semaphore_mem>>
      %dma_start3A_102 = arith.constant 0 : i32
      %dma_start3A_103 = tpu.memref_slice %arg12[%add3A_64, %dma_start3A_102] : memref<10112x64xf32, #tpu.memory_space<vmem_shared>> -> memref<128x64xf32, #tpu.memory_space<vmem_shared>>
      %dma_start3A_104 = arith.constant 0 : i32
      %dma_start3A_105 = tpu.memref_slice %arg12[%add3A_64, %dma_start3A_104] : memref<10112x64xf32, #tpu.memory_space<vmem_shared>> -> memref<128x64xf32, #tpu.memory_space<vmem_shared>>
      tpu.enqueue_dma source(%arg11 : memref<128x64xf32, #tpu.memory_space<vmem>>) target(%dma_start3A_105 : memref<128x64xf32, #tpu.memory_space<vmem_shared>>) target_semaphore(%run_scoped3A : memref<!tpu.dma_semaphore, #tpu.memory_space<semaphore_mem>>)
      %dma_wait3A = arith.constant 0 : i32
      %dma_wait3A_106 = tpu.memref_slice %arg12[%add3A_64, %dma_wait3A] : memref<10112x64xf32, #tpu.memory_space<vmem_shared>> -> memref<128x64xf32, #tpu.memory_space<vmem_shared>>
      %dma_wait3A_107 = arith.constant 0 : i32
      %dma_wait3A_108 = tpu.memref_slice %arg12[%add3A_64, %dma_wait3A_107] : memref<10112x64xf32, #tpu.memory_space<vmem_shared>> -> memref<128x64xf32, #tpu.memory_space<vmem_shared>>
      tpu.wait_dma2 semaphore(%run_scoped3A : memref<!tpu.dma_semaphore, #tpu.memory_space<semaphore_mem>>) src(%arg11 : memref<128x64xf32, #tpu.memory_space<vmem>>) dst(%dma_wait3A_108 : memref<128x64xf32, #tpu.memory_space<vmem_shared>>)
      tpu.yield
    }) : () -> ()
    %add3A_65 = arith.constant 256 : i32
    %add3A_66 = arith.addi %mul3A_60, %add3A_65 : i32
    "tpu.region"() ({
      %run_scoped3A = tpu.sem_alloc : memref<!tpu.dma_semaphore, #tpu.memory_space<semaphore_mem>>
      %dma_start3A_102 = arith.constant 0 : i32
      %dma_start3A_103 = tpu.memref_slice %arg12[%add3A_66, %dma_start3A_102] : memref<10112x64xf32, #tpu.memory_space<vmem_shared>> -> memref<128x64xf32, #tpu.memory_space<vmem_shared>>
      %dma_start3A_104 = arith.constant 0 : i32
      %dma_start3A_105 = tpu.memref_slice %arg12[%add3A_66, %dma_start3A_104] : memref<10112x64xf32, #tpu.memory_space<vmem_shared>> -> memref<128x64xf32, #tpu.memory_space<vmem_shared>>
      tpu.enqueue_dma source(%arg11 : memref<128x64xf32, #tpu.memory_space<vmem>>) target(%dma_start3A_105 : memref<128x64xf32, #tpu.memory_space<vmem_shared>>) target_semaphore(%run_scoped3A : memref<!tpu.dma_semaphore, #tpu.memory_space<semaphore_mem>>)
      %dma_wait3A = arith.constant 0 : i32
      %dma_wait3A_106 = tpu.memref_slice %arg12[%add3A_66, %dma_wait3A] : memref<10112x64xf32, #tpu.memory_space<vmem_shared>> -> memref<128x64xf32, #tpu.memory_space<vmem_shared>>
      %dma_wait3A_107 = arith.constant 0 : i32
      %dma_wait3A_108 = tpu.memref_slice %arg12[%add3A_66, %dma_wait3A_107] : memref<10112x64xf32, #tpu.memory_space<vmem_shared>> -> memref<128x64xf32, #tpu.memory_space<vmem_shared>>
      tpu.wait_dma2 semaphore(%run_scoped3A : memref<!tpu.dma_semaphore, #tpu.memory_space<semaphore_mem>>) src(%arg11 : memref<128x64xf32, #tpu.memory_space<vmem>>) dst(%dma_wait3A_108 : memref<128x64xf32, #tpu.memory_space<vmem_shared>>)
      tpu.yield
    }) : () -> ()
    %add3A_67 = arith.constant 384 : i32
    %add3A_68 = arith.addi %mul3A_60, %add3A_67 : i32
    "tpu.region"() ({
      %run_scoped3A = tpu.sem_alloc : memref<!tpu.dma_semaphore, #tpu.memory_space<semaphore_mem>>
      %dma_start3A_102 = arith.constant 0 : i32
      %dma_start3A_103 = tpu.memref_slice %arg12[%add3A_68, %dma_start3A_102] : memref<10112x64xf32, #tpu.memory_space<vmem_shared>> -> memref<128x64xf32, #tpu.memory_space<vmem_shared>>
      %dma_start3A_104 = arith.constant 0 : i32
      %dma_start3A_105 = tpu.memref_slice %arg12[%add3A_68, %dma_start3A_104] : memref<10112x64xf32, #tpu.memory_space<vmem_shared>> -> memref<128x64xf32, #tpu.memory_space<vmem_shared>>
      tpu.enqueue_dma source(%arg11 : memref<128x64xf32, #tpu.memory_space<vmem>>) target(%dma_start3A_105 : memref<128x64xf32, #tpu.memory_space<vmem_shared>>) target_semaphore(%run_scoped3A : memref<!tpu.dma_semaphore, #tpu.memory_space<semaphore_mem>>)
      %dma_wait3A = arith.constant 0 : i32
      %dma_wait3A_106 = tpu.memref_slice %arg12[%add3A_68, %dma_wait3A] : memref<10112x64xf32, #tpu.memory_space<vmem_shared>> -> memref<128x64xf32, #tpu.memory_space<vmem_shared>>
      %dma_wait3A_107 = arith.constant 0 : i32
      %dma_wait3A_108 = tpu.memref_slice %arg12[%add3A_68, %dma_wait3A_107] : memref<10112x64xf32, #tpu.memory_space<vmem_shared>> -> memref<128x64xf32, #tpu.memory_space<vmem_shared>>
      tpu.wait_dma2 semaphore(%run_scoped3A : memref<!tpu.dma_semaphore, #tpu.memory_space<semaphore_mem>>) src(%arg11 : memref<128x64xf32, #tpu.memory_space<vmem>>) dst(%dma_wait3A_108 : memref<128x64xf32, #tpu.memory_space<vmem_shared>>)
      tpu.yield
    }) : () -> ()
    %add3A_69 = arith.constant 632 : i32
    %add3A_70 = arith.addi %mul3A_60, %add3A_69 : i32
    %sub3A_71 = arith.constant 120 : i32
    %sub3A_72 = arith.subi %add3A_70, %sub3A_71 : i32
    "tpu.region"() ({
      %run_scoped3A = tpu.sem_alloc : memref<!tpu.dma_semaphore, #tpu.memory_space<semaphore_mem>>
      %dma_start3A_102 = arith.constant 0 : i32
      %dma_start3A_103 = arith.constant 0 : i32
      %dma_start3A_104 = tpu.memref_slice %arg11[%dma_start3A_102, %dma_start3A_103] : memref<128x64xf32, #tpu.memory_space<vmem>> -> memref<120x64xf32, #tpu.memory_space<vmem>>
      %dma_start3A_105 = arith.constant 0 : i32
      %dma_start3A_106 = tpu.memref_slice %arg12[%sub3A_72, %dma_start3A_105] : memref<10112x64xf32, #tpu.memory_space<vmem_shared>> -> memref<120x64xf32, #tpu.memory_space<vmem_shared>>
      %dma_start3A_107 = arith.constant 0 : i32
      %dma_start3A_108 = tpu.memref_slice %arg12[%sub3A_72, %dma_start3A_107] : memref<10112x64xf32, #tpu.memory_space<vmem_shared>> -> memref<120x64xf32, #tpu.memory_space<vmem_shared>>
      %dma_start3A_109 = arith.constant 0 : i32
      %dma_start3A_110 = arith.constant 0 : i32
      %dma_start3A_111 = tpu.memref_slice %arg11[%dma_start3A_109, %dma_start3A_110] : memref<128x64xf32, #tpu.memory_space<vmem>> -> memref<120x64xf32, #tpu.memory_space<vmem>>
      tpu.enqueue_dma source(%dma_start3A_111 : memref<120x64xf32, #tpu.memory_space<vmem>>) target(%dma_start3A_108 : memref<120x64xf32, #tpu.memory_space<vmem_shared>>) target_semaphore(%run_scoped3A : memref<!tpu.dma_semaphore, #tpu.memory_space<semaphore_mem>>)
      %dma_wait3A = arith.constant 0 : i32
      %dma_wait3A_112 = arith.constant 0 : i32
      %dma_wait3A_113 = tpu.memref_slice %arg11[%dma_wait3A, %dma_wait3A_112] : memref<128x64xf32, #tpu.memory_space<vmem>> -> memref<120x64xf32, #tpu.memory_space<vmem>>
      %dma_wait3A_114 = arith.constant 0 : i32
      %dma_wait3A_115 = tpu.memref_slice %arg12[%sub3A_72, %dma_wait3A_114] : memref<10112x64xf32, #tpu.memory_space<vmem_shared>> -> memref<120x64xf32, #tpu.memory_space<vmem_shared>>
      %dma_wait3A_116 = arith.constant 0 : i32
      %dma_wait3A_117 = tpu.memref_slice %arg12[%sub3A_72, %dma_wait3A_116] : memref<10112x64xf32, #tpu.memory_space<vmem_shared>> -> memref<120x64xf32, #tpu.memory_space<vmem_shared>>
      %dma_wait3A_118 = arith.constant 0 : i32
      %dma_wait3A_119 = arith.constant 0 : i32
      %dma_wait3A_120 = tpu.memref_slice %arg11[%dma_wait3A_118, %dma_wait3A_119] : memref<128x64xf32, #tpu.memory_space<vmem>> -> memref<120x64xf32, #tpu.memory_space<vmem>>
      tpu.wait_dma2 semaphore(%run_scoped3A : memref<!tpu.dma_semaphore, #tpu.memory_space<semaphore_mem>>) src(%dma_wait3A_120 : memref<120x64xf32, #tpu.memory_space<vmem>>) dst(%dma_wait3A_117 : memref<120x64xf32, #tpu.memory_space<vmem_shared>>)
      tpu.yield
    }) : () -> ()
    %barrier3A_73 = arith.constant 0 : index
    tpu.barrier barrier_id(%barrier3A_73)
    %dma_start3A_74 = arith.constant 0 : i32
    %dma_start3A_75 = arith.constant 0 : i32
    %dma_start3A_76 = tpu.memref_slice %arg7[%dma_start3A_74, %dma_start3A_75] : memref<120x128xi32, #tpu.memory_space<vmem>> -> memref<1x128xi32, #tpu.memory_space<vmem>>
    %dma_start3A_77 = tpu.memref_squeeze %dma_start3A_76 : memref<1x128xi32, #tpu.memory_space<vmem>> -> memref<128xi32, #tpu.memory_space<vmem>>
    %dma_start3A_78 = arith.constant 0 : i32
    %dma_start3A_79 = arith.constant 0 : i32
    %dma_start3A_80 = tpu.memref_slice %arg3[%dma_start3A_78, %dma_start3A_79] : memref<10000x64xf32, #tpu.memory_space<hbm>> -> memref<10000x64xf32, #tpu.memory_space<hbm>>
    tpu.enqueue_indirect_dma source(%dma_start3A_80 : memref<10000x64xf32, #tpu.memory_space<hbm>>) target(%arg9 : memref<128x64xf32, #tpu.memory_space<vmem>>) offsets(%dma_start3A_77 : memref<128xi32, #tpu.memory_space<vmem>>) semaphore(%arg13 : memref<!tpu.dma_semaphore, #tpu.memory_space<semaphore_mem>>)
    %sub3A_81 = arith.constant 0 : i32
    %sub3A_82 = arith.subi %select_n3A_13, %sub3A_81 : i32
    %sub3A_83 = arith.constant 2 : i32
    %sub3A_84 = arith.constant 1 : i32
    %sub3A_85 = arith.subi %sub3A_83, %sub3A_84 : i32
    %add3A_86 = arith.addi %sub3A_82, %sub3A_85 : i32
    %div3A_87 = arith.constant 2 : i32
    %div3A_88 = arith.divsi %add3A_86, %div3A_87 : i32
    %while3A_89 = arith.constant 2 : i32
    %while3A_90 = arith.constant 0 : i32
    %while3A_91 = arith.constant 0 : i32
    %while3A_92 = arith.subi %div3A_88, %while3A_91 : i32
    %while3A_93 = arith.addi %while3A_91, %while3A_92 : i32
    %while3A_94 = arith.constant 1 : i32
    %while3A_95 = arith.divsi %while3A_92, %while3A_94 : i32
    %while3A_96 = arith.muli %while3A_95, %while3A_94 : i32
    %while3A_97 = arith.addi %while3A_91, %while3A_96 : i32
    %while3A_98 = arith.constant 1 : i32
    scf.for %while3A_102 = %while3A_91 to %while3A_97 step %while3A_98  : i32 {
      %mul3A_103 = arith.muli %while3A_102, %while3A_89 : i32
      %add3A_104 = arith.addi %while3A_90, %mul3A_103 : i32
      %add3A_105 = arith.constant 1 : i32
      %add3A_106 = arith.addi %add3A_104, %add3A_105 : i32
      %dma_start3A_107 = arith.constant 0 : i32
      %dma_start3A_108 = tpu.memref_slice %arg7[%add3A_106, %dma_start3A_107] : memref<120x128xi32, #tpu.memory_space<vmem>> -> memref<1x128xi32, #tpu.memory_space<vmem>>
      %dma_start3A_109 = tpu.memref_squeeze %dma_start3A_108 : memref<1x128xi32, #tpu.memory_space<vmem>> -> memref<128xi32, #tpu.memory_space<vmem>>
      %dma_start3A_110 = arith.constant 0 : i32
      %dma_start3A_111 = arith.constant 0 : i32
      %dma_start3A_112 = tpu.memref_slice %arg3[%dma_start3A_110, %dma_start3A_111] : memref<10000x64xf32, #tpu.memory_space<hbm>> -> memref<10000x64xf32, #tpu.memory_space<hbm>>
      tpu.enqueue_indirect_dma source(%dma_start3A_112 : memref<10000x64xf32, #tpu.memory_space<hbm>>) target(%arg10 : memref<128x64xf32, #tpu.memory_space<vmem>>) offsets(%dma_start3A_109 : memref<128xi32, #tpu.memory_space<vmem>>) semaphore(%arg14 : memref<!tpu.dma_semaphore, #tpu.memory_space<semaphore_mem>>)
      %dma_wait3A = arith.constant 0 : i32
      %dma_wait3A_113 = tpu.memref_slice %arg7[%add3A_104, %dma_wait3A] : memref<120x128xi32, #tpu.memory_space<vmem>> -> memref<1x128xi32, #tpu.memory_space<vmem>>
      %dma_wait3A_114 = tpu.memref_squeeze %dma_wait3A_113 : memref<1x128xi32, #tpu.memory_space<vmem>> -> memref<128xi32, #tpu.memory_space<vmem>>
      %dma_wait3A_115 = arith.constant 0 : i32
      %dma_wait3A_116 = arith.constant 0 : i32
      %dma_wait3A_117 = tpu.memref_slice %arg3[%dma_wait3A_115, %dma_wait3A_116] : memref<10000x64xf32, #tpu.memory_space<hbm>> -> memref<10000x64xf32, #tpu.memory_space<hbm>>
      tpu.wait_indirect_dma semaphore(%arg13 : memref<!tpu.dma_semaphore, #tpu.memory_space<semaphore_mem>>) src(%dma_wait3A_117 : memref<10000x64xf32, #tpu.memory_space<hbm>>) dst(%arg9 : memref<128x64xf32, #tpu.memory_space<vmem>>)
      "tpu.region"() ({
        %run_scoped3A = tpu.sem_alloc : memref<!tpu.dma_semaphore, #tpu.memory_space<semaphore_mem>>
        %dma_start3A_131 = arith.constant 0 : i32
        %dma_start3A_132 = tpu.memref_slice %arg8[%add3A_104, %dma_start3A_131] : memref<120x128xi32, #tpu.memory_space<vmem>> -> memref<1x128xi32, #tpu.memory_space<vmem>>
        %dma_start3A_133 = tpu.memref_squeeze %dma_start3A_132 : memref<1x128xi32, #tpu.memory_space<vmem>> -> memref<128xi32, #tpu.memory_space<vmem>>
        %dma_start3A_134 = arith.constant 0 : i32
        %dma_start3A_135 = arith.constant 0 : i32
        %dma_start3A_136 = tpu.memref_slice %arg12[%dma_start3A_134, %dma_start3A_135] : memref<10112x64xf32, #tpu.memory_space<vmem_shared>> -> memref<10112x64xf32, #tpu.memory_space<vmem_shared>>
        tpu.enqueue_indirect_dma source(%arg9 : memref<128x64xf32, #tpu.memory_space<vmem>>) target(%dma_start3A_136 : memref<10112x64xf32, #tpu.memory_space<vmem_shared>>) offsets(%dma_start3A_133 : memref<128xi32, #tpu.memory_space<vmem>>) semaphore(%run_scoped3A : memref<!tpu.dma_semaphore, #tpu.memory_space<semaphore_mem>>) {add = true}
        %dma_wait3A_137 = arith.constant 0 : i32
        %dma_wait3A_138 = tpu.memref_slice %arg8[%add3A_104, %dma_wait3A_137] : memref<120x128xi32, #tpu.memory_space<vmem>> -> memref<1x128xi32, #tpu.memory_space<vmem>>
        %dma_wait3A_139 = tpu.memref_squeeze %dma_wait3A_138 : memref<1x128xi32, #tpu.memory_space<vmem>> -> memref<128xi32, #tpu.memory_space<vmem>>
        %dma_wait3A_140 = arith.constant 0 : i32
        %dma_wait3A_141 = arith.constant 0 : i32
        %dma_wait3A_142 = tpu.memref_slice %arg12[%dma_wait3A_140, %dma_wait3A_141] : memref<10112x64xf32, #tpu.memory_space<vmem_shared>> -> memref<10112x64xf32, #tpu.memory_space<vmem_shared>>
        tpu.wait_indirect_dma semaphore(%run_scoped3A : memref<!tpu.dma_semaphore, #tpu.memory_space<semaphore_mem>>) src(%arg9 : memref<128x64xf32, #tpu.memory_space<vmem>>) dst(%dma_wait3A_142 : memref<10112x64xf32, #tpu.memory_space<vmem_shared>>)
        tpu.yield
      }) : () -> ()
      %add3A_118 = arith.constant 2 : i32
      %add3A_119 = arith.addi %add3A_104, %add3A_118 : i32
      %lt3A = arith.cmpi slt, %add3A_119, %select_n3A_13 : i32
      %convert_element_type3A = arith.extui %lt3A : i1 to i32
      %cond3A = arith.constant 0 : i32
      %cond3A_120 = arith.cmpi ne, %convert_element_type3A, %cond3A : i32
      scf.if %cond3A_120 {
        %add3A_131 = arith.constant 2 : i32
        %add3A_132 = arith.addi %add3A_104, %add3A_131 : i32
        %dma_start3A_133 = arith.constant 0 : i32
        %dma_start3A_134 = tpu.memref_slice %arg7[%add3A_132, %dma_start3A_133] : memref<120x128xi32, #tpu.memory_space<vmem>> -> memref<1x128xi32, #tpu.memory_space<vmem>>
        %dma_start3A_135 = tpu.memref_squeeze %dma_start3A_134 : memref<1x128xi32, #tpu.memory_space<vmem>> -> memref<128xi32, #tpu.memory_space<vmem>>
        %dma_start3A_136 = arith.constant 0 : i32
        %dma_start3A_137 = arith.constant 0 : i32
        %dma_start3A_138 = tpu.memref_slice %arg3[%dma_start3A_136, %dma_start3A_137] : memref<10000x64xf32, #tpu.memory_space<hbm>> -> memref<10000x64xf32, #tpu.memory_space<hbm>>
        tpu.enqueue_indirect_dma source(%dma_start3A_138 : memref<10000x64xf32, #tpu.memory_space<hbm>>) target(%arg9 : memref<128x64xf32, #tpu.memory_space<vmem>>) offsets(%dma_start3A_135 : memref<128xi32, #tpu.memory_space<vmem>>) semaphore(%arg13 : memref<!tpu.dma_semaphore, #tpu.memory_space<semaphore_mem>>)
      } else {
      }
      %add3A_121 = arith.constant 1 : i32
      %add3A_122 = arith.addi %add3A_104, %add3A_121 : i32
      %dma_wait3A_123 = arith.constant 0 : i32
      %dma_wait3A_124 = tpu.memref_slice %arg7[%add3A_122, %dma_wait3A_123] : memref<120x128xi32, #tpu.memory_space<vmem>> -> memref<1x128xi32, #tpu.memory_space<vmem>>
      %dma_wait3A_125 = tpu.memref_squeeze %dma_wait3A_124 : memref<1x128xi32, #tpu.memory_space<vmem>> -> memref<128xi32, #tpu.memory_space<vmem>>
      %dma_wait3A_126 = arith.constant 0 : i32
      %dma_wait3A_127 = arith.constant 0 : i32
      %dma_wait3A_128 = tpu.memref_slice %arg3[%dma_wait3A_126, %dma_wait3A_127] : memref<10000x64xf32, #tpu.memory_space<hbm>> -> memref<10000x64xf32, #tpu.memory_space<hbm>>
      tpu.wait_indirect_dma semaphore(%arg14 : memref<!tpu.dma_semaphore, #tpu.memory_space<semaphore_mem>>) src(%dma_wait3A_128 : memref<10000x64xf32, #tpu.memory_space<hbm>>) dst(%arg10 : memref<128x64xf32, #tpu.memory_space<vmem>>)
      %add3A_129 = arith.constant 1 : i32
      %add3A_130 = arith.addi %add3A_104, %add3A_129 : i32
      "tpu.region"() ({
        %run_scoped3A = tpu.sem_alloc : memref<!tpu.dma_semaphore, #tpu.memory_space<semaphore_mem>>
        %dma_start3A_131 = arith.constant 0 : i32
        %dma_start3A_132 = tpu.memref_slice %arg8[%add3A_130, %dma_start3A_131] : memref<120x128xi32, #tpu.memory_space<vmem>> -> memref<1x128xi32, #tpu.memory_space<vmem>>
        %dma_start3A_133 = tpu.memref_squeeze %dma_start3A_132 : memref<1x128xi32, #tpu.memory_space<vmem>> -> memref<128xi32, #tpu.memory_space<vmem>>
        %dma_start3A_134 = arith.constant 0 : i32
        %dma_start3A_135 = arith.constant 0 : i32
        %dma_start3A_136 = tpu.memref_slice %arg12[%dma_start3A_134, %dma_start3A_135] : memref<10112x64xf32, #tpu.memory_space<vmem_shared>> -> memref<10112x64xf32, #tpu.memory_space<vmem_shared>>
        tpu.enqueue_indirect_dma source(%arg10 : memref<128x64xf32, #tpu.memory_space<vmem>>) target(%dma_start3A_136 : memref<10112x64xf32, #tpu.memory_space<vmem_shared>>) offsets(%dma_start3A_133 : memref<128xi32, #tpu.memory_space<vmem>>) semaphore(%run_scoped3A : memref<!tpu.dma_semaphore, #tpu.memory_space<semaphore_mem>>) {add = true}
        %dma_wait3A_137 = arith.constant 0 : i32
        %dma_wait3A_138 = tpu.memref_slice %arg8[%add3A_130, %dma_wait3A_137] : memref<120x128xi32, #tpu.memory_space<vmem>> -> memref<1x128xi32, #tpu.memory_space<vmem>>
        %dma_wait3A_139 = tpu.memref_squeeze %dma_wait3A_138 : memref<1x128xi32, #tpu.memory_space<vmem>> -> memref<128xi32, #tpu.memory_space<vmem>>
        %dma_wait3A_140 = arith.constant 0 : i32
        %dma_wait3A_141 = arith.constant 0 : i32
        %dma_wait3A_142 = tpu.memref_slice %arg12[%dma_wait3A_140, %dma_wait3A_141] : memref<10112x64xf32, #tpu.memory_space<vmem_shared>> -> memref<10112x64xf32, #tpu.memory_space<vmem_shared>>
        tpu.wait_indirect_dma semaphore(%run_scoped3A : memref<!tpu.dma_semaphore, #tpu.memory_space<semaphore_mem>>) src(%arg10 : memref<128x64xf32, #tpu.memory_space<vmem>>) dst(%dma_wait3A_142 : memref<10112x64xf32, #tpu.memory_space<vmem_shared>>)
        tpu.yield
      }) : () -> ()
    }
    %while3A_99 = arith.constant 1 : i32
    scf.for %while3A_102 = %while3A_97 to %while3A_93 step %while3A_99  : i32 {
      %mul3A_103 = arith.muli %while3A_102, %while3A_89 : i32
      %add3A_104 = arith.addi %while3A_90, %mul3A_103 : i32
      %add3A_105 = arith.constant 1 : i32
      %add3A_106 = arith.addi %add3A_104, %add3A_105 : i32
      %dma_start3A_107 = arith.constant 0 : i32
      %dma_start3A_108 = tpu.memref_slice %arg7[%add3A_106, %dma_start3A_107] : memref<120x128xi32, #tpu.memory_space<vmem>> -> memref<1x128xi32, #tpu.memory_space<vmem>>
      %dma_start3A_109 = tpu.memref_squeeze %dma_start3A_108 : memref<1x128xi32, #tpu.memory_space<vmem>> -> memref<128xi32, #tpu.memory_space<vmem>>
      %dma_start3A_110 = arith.constant 0 : i32
      %dma_start3A_111 = arith.constant 0 : i32
      %dma_start3A_112 = tpu.memref_slice %arg3[%dma_start3A_110, %dma_start3A_111] : memref<10000x64xf32, #tpu.memory_space<hbm>> -> memref<10000x64xf32, #tpu.memory_space<hbm>>
      tpu.enqueue_indirect_dma source(%dma_start3A_112 : memref<10000x64xf32, #tpu.memory_space<hbm>>) target(%arg10 : memref<128x64xf32, #tpu.memory_space<vmem>>) offsets(%dma_start3A_109 : memref<128xi32, #tpu.memory_space<vmem>>) semaphore(%arg14 : memref<!tpu.dma_semaphore, #tpu.memory_space<semaphore_mem>>)
      %dma_wait3A = arith.constant 0 : i32
      %dma_wait3A_113 = tpu.memref_slice %arg7[%add3A_104, %dma_wait3A] : memref<120x128xi32, #tpu.memory_space<vmem>> -> memref<1x128xi32, #tpu.memory_space<vmem>>
      %dma_wait3A_114 = tpu.memref_squeeze %dma_wait3A_113 : memref<1x128xi32, #tpu.memory_space<vmem>> -> memref<128xi32, #tpu.memory_space<vmem>>
      %dma_wait3A_115 = arith.constant 0 : i32
      %dma_wait3A_116 = arith.constant 0 : i32
      %dma_wait3A_117 = tpu.memref_slice %arg3[%dma_wait3A_115, %dma_wait3A_116] : memref<10000x64xf32, #tpu.memory_space<hbm>> -> memref<10000x64xf32, #tpu.memory_space<hbm>>
      tpu.wait_indirect_dma semaphore(%arg13 : memref<!tpu.dma_semaphore, #tpu.memory_space<semaphore_mem>>) src(%dma_wait3A_117 : memref<10000x64xf32, #tpu.memory_space<hbm>>) dst(%arg9 : memref<128x64xf32, #tpu.memory_space<vmem>>)
      "tpu.region"() ({
        %run_scoped3A = tpu.sem_alloc : memref<!tpu.dma_semaphore, #tpu.memory_space<semaphore_mem>>
        %dma_start3A_131 = arith.constant 0 : i32
        %dma_start3A_132 = tpu.memref_slice %arg8[%add3A_104, %dma_start3A_131] : memref<120x128xi32, #tpu.memory_space<vmem>> -> memref<1x128xi32, #tpu.memory_space<vmem>>
        %dma_start3A_133 = tpu.memref_squeeze %dma_start3A_132 : memref<1x128xi32, #tpu.memory_space<vmem>> -> memref<128xi32, #tpu.memory_space<vmem>>
        %dma_start3A_134 = arith.constant 0 : i32
        %dma_start3A_135 = arith.constant 0 : i32
        %dma_start3A_136 = tpu.memref_slice %arg12[%dma_start3A_134, %dma_start3A_135] : memref<10112x64xf32, #tpu.memory_space<vmem_shared>> -> memref<10112x64xf32, #tpu.memory_space<vmem_shared>>
        tpu.enqueue_indirect_dma source(%arg9 : memref<128x64xf32, #tpu.memory_space<vmem>>) target(%dma_start3A_136 : memref<10112x64xf32, #tpu.memory_space<vmem_shared>>) offsets(%dma_start3A_133 : memref<128xi32, #tpu.memory_space<vmem>>) semaphore(%run_scoped3A : memref<!tpu.dma_semaphore, #tpu.memory_space<semaphore_mem>>) {add = true}
        %dma_wait3A_137 = arith.constant 0 : i32
        %dma_wait3A_138 = tpu.memref_slice %arg8[%add3A_104, %dma_wait3A_137] : memref<120x128xi32, #tpu.memory_space<vmem>> -> memref<1x128xi32, #tpu.memory_space<vmem>>
        %dma_wait3A_139 = tpu.memref_squeeze %dma_wait3A_138 : memref<1x128xi32, #tpu.memory_space<vmem>> -> memref<128xi32, #tpu.memory_space<vmem>>
        %dma_wait3A_140 = arith.constant 0 : i32
        %dma_wait3A_141 = arith.constant 0 : i32
        %dma_wait3A_142 = tpu.memref_slice %arg12[%dma_wait3A_140, %dma_wait3A_141] : memref<10112x64xf32, #tpu.memory_space<vmem_shared>> -> memref<10112x64xf32, #tpu.memory_space<vmem_shared>>
        tpu.wait_indirect_dma semaphore(%run_scoped3A : memref<!tpu.dma_semaphore, #tpu.memory_space<semaphore_mem>>) src(%arg9 : memref<128x64xf32, #tpu.memory_space<vmem>>) dst(%dma_wait3A_142 : memref<10112x64xf32, #tpu.memory_space<vmem_shared>>)
        tpu.yield
      }) : () -> ()
      %add3A_118 = arith.constant 2 : i32
      %add3A_119 = arith.addi %add3A_104, %add3A_118 : i32
      %lt3A = arith.cmpi slt, %add3A_119, %select_n3A_13 : i32
      %convert_element_type3A = arith.extui %lt3A : i1 to i32
      %cond3A = arith.constant 0 : i32
      %cond3A_120 = arith.cmpi ne, %convert_element_type3A, %cond3A : i32
      scf.if %cond3A_120 {
        %add3A_131 = arith.constant 2 : i32
        %add3A_132 = arith.addi %add3A_104, %add3A_131 : i32
        %dma_start3A_133 = arith.constant 0 : i32
        %dma_start3A_134 = tpu.memref_slice %arg7[%add3A_132, %dma_start3A_133] : memref<120x128xi32, #tpu.memory_space<vmem>> -> memref<1x128xi32, #tpu.memory_space<vmem>>
        %dma_start3A_135 = tpu.memref_squeeze %dma_start3A_134 : memref<1x128xi32, #tpu.memory_space<vmem>> -> memref<128xi32, #tpu.memory_space<vmem>>
        %dma_start3A_136 = arith.constant 0 : i32
        %dma_start3A_137 = arith.constant 0 : i32
        %dma_start3A_138 = tpu.memref_slice %arg3[%dma_start3A_136, %dma_start3A_137] : memref<10000x64xf32, #tpu.memory_space<hbm>> -> memref<10000x64xf32, #tpu.memory_space<hbm>>
        tpu.enqueue_indirect_dma source(%dma_start3A_138 : memref<10000x64xf32, #tpu.memory_space<hbm>>) target(%arg9 : memref<128x64xf32, #tpu.memory_space<vmem>>) offsets(%dma_start3A_135 : memref<128xi32, #tpu.memory_space<vmem>>) semaphore(%arg13 : memref<!tpu.dma_semaphore, #tpu.memory_space<semaphore_mem>>)
      } else {
      }
      %add3A_121 = arith.constant 1 : i32
      %add3A_122 = arith.addi %add3A_104, %add3A_121 : i32
      %dma_wait3A_123 = arith.constant 0 : i32
      %dma_wait3A_124 = tpu.memref_slice %arg7[%add3A_122, %dma_wait3A_123] : memref<120x128xi32, #tpu.memory_space<vmem>> -> memref<1x128xi32, #tpu.memory_space<vmem>>
      %dma_wait3A_125 = tpu.memref_squeeze %dma_wait3A_124 : memref<1x128xi32, #tpu.memory_space<vmem>> -> memref<128xi32, #tpu.memory_space<vmem>>
      %dma_wait3A_126 = arith.constant 0 : i32
      %dma_wait3A_127 = arith.constant 0 : i32
      %dma_wait3A_128 = tpu.memref_slice %arg3[%dma_wait3A_126, %dma_wait3A_127] : memref<10000x64xf32, #tpu.memory_space<hbm>> -> memref<10000x64xf32, #tpu.memory_space<hbm>>
      tpu.wait_indirect_dma semaphore(%arg14 : memref<!tpu.dma_semaphore, #tpu.memory_space<semaphore_mem>>) src(%dma_wait3A_128 : memref<10000x64xf32, #tpu.memory_space<hbm>>) dst(%arg10 : memref<128x64xf32, #tpu.memory_space<vmem>>)
      %add3A_129 = arith.constant 1 : i32
      %add3A_130 = arith.addi %add3A_104, %add3A_129 : i32
      "tpu.region"() ({
        %run_scoped3A = tpu.sem_alloc : memref<!tpu.dma_semaphore, #tpu.memory_space<semaphore_mem>>
        %dma_start3A_131 = arith.constant 0 : i32
        %dma_start3A_132 = tpu.memref_slice %arg8[%add3A_130, %dma_start3A_131] : memref<120x128xi32, #tpu.memory_space<vmem>> -> memref<1x128xi32, #tpu.memory_space<vmem>>
        %dma_start3A_133 = tpu.memref_squeeze %dma_start3A_132 : memref<1x128xi32, #tpu.memory_space<vmem>> -> memref<128xi32, #tpu.memory_space<vmem>>
        %dma_start3A_134 = arith.constant 0 : i32
        %dma_start3A_135 = arith.constant 0 : i32
        %dma_start3A_136 = tpu.memref_slice %arg12[%dma_start3A_134, %dma_start3A_135] : memref<10112x64xf32, #tpu.memory_space<vmem_shared>> -> memref<10112x64xf32, #tpu.memory_space<vmem_shared>>
        tpu.enqueue_indirect_dma source(%arg10 : memref<128x64xf32, #tpu.memory_space<vmem>>) target(%dma_start3A_136 : memref<10112x64xf32, #tpu.memory_space<vmem_shared>>) offsets(%dma_start3A_133 : memref<128xi32, #tpu.memory_space<vmem>>) semaphore(%run_scoped3A : memref<!tpu.dma_semaphore, #tpu.memory_space<semaphore_mem>>) {add = true}
        %dma_wait3A_137 = arith.constant 0 : i32
        %dma_wait3A_138 = tpu.memref_slice %arg8[%add3A_130, %dma_wait3A_137] : memref<120x128xi32, #tpu.memory_space<vmem>> -> memref<1x128xi32, #tpu.memory_space<vmem>>
        %dma_wait3A_139 = tpu.memref_squeeze %dma_wait3A_138 : memref<1x128xi32, #tpu.memory_space<vmem>> -> memref<128xi32, #tpu.memory_space<vmem>>
        %dma_wait3A_140 = arith.constant 0 : i32
        %dma_wait3A_141 = arith.constant 0 : i32
        %dma_wait3A_142 = tpu.memref_slice %arg12[%dma_wait3A_140, %dma_wait3A_141] : memref<10112x64xf32, #tpu.memory_space<vmem_shared>> -> memref<10112x64xf32, #tpu.memory_space<vmem_shared>>
        tpu.wait_indirect_dma semaphore(%run_scoped3A : memref<!tpu.dma_semaphore, #tpu.memory_space<semaphore_mem>>) src(%arg10 : memref<128x64xf32, #tpu.memory_space<vmem>>) dst(%dma_wait3A_142 : memref<10112x64xf32, #tpu.memory_space<vmem_shared>>)
        tpu.yield
      }) : () -> ()
    }
    %barrier3A_100 = arith.constant 0 : index
    tpu.barrier barrier_id(%barrier3A_100)
    "tpu.region"() ({
      %run_scoped3A = tpu.sem_alloc : memref<!tpu.dma_semaphore, #tpu.memory_space<semaphore_mem>>
      %dma_start3A_102 = arith.constant 0 : i32
      %dma_start3A_103 = arith.constant 0 : i32
      %dma_start3A_104 = tpu.memref_slice %arg6[%arg0, %dma_start3A_102, %dma_start3A_103] : memref<2x10112x128xf32, #tpu.memory_space<hbm>> -> memref<1x10112x128xf32, #tpu.memory_space<hbm>>
      %dma_start3A_105 = tpu.memref_squeeze %dma_start3A_104 : memref<1x10112x128xf32, #tpu.memory_space<hbm>> -> memref<10112x128xf32, #tpu.memory_space<hbm>>
      %dma_start3A_106 = arith.constant 64 : i32
      %dma_start3A_107 = tpu.memref_slice %dma_start3A_105[%mul3A_2, %dma_start3A_106] : memref<10112x128xf32, #tpu.memory_space<hbm>> -> memref<632x64xf32, #tpu.memory_space<hbm>>
      %dma_start3A_108 = arith.constant 0 : i32
      %dma_start3A_109 = tpu.memref_slice %arg12[%mul3A_2, %dma_start3A_108] : memref<10112x64xf32, #tpu.memory_space<vmem_shared>> -> memref<632x64xf32, #tpu.memory_space<vmem_shared>>
      tpu.enqueue_dma source(%dma_start3A_109 : memref<632x64xf32, #tpu.memory_space<vmem_shared>>) target(%dma_start3A_107 : memref<632x64xf32, #tpu.memory_space<hbm>>) target_semaphore(%run_scoped3A : memref<!tpu.dma_semaphore, #tpu.memory_space<semaphore_mem>>)
      %dma_wait3A = arith.constant 0 : i32
      %dma_wait3A_110 = arith.constant 0 : i32
      %dma_wait3A_111 = tpu.memref_slice %arg6[%arg0, %dma_wait3A, %dma_wait3A_110] : memref<2x10112x128xf32, #tpu.memory_space<hbm>> -> memref<1x10112x128xf32, #tpu.memory_space<hbm>>
      %dma_wait3A_112 = tpu.memref_squeeze %dma_wait3A_111 : memref<1x10112x128xf32, #tpu.memory_space<hbm>> -> memref<10112x128xf32, #tpu.memory_space<hbm>>
      %dma_wait3A_113 = arith.constant 64 : i32
      %dma_wait3A_114 = tpu.memref_slice %dma_wait3A_112[%mul3A_2, %dma_wait3A_113] : memref<10112x128xf32, #tpu.memory_space<hbm>> -> memref<632x64xf32, #tpu.memory_space<hbm>>
      %dma_wait3A_115 = arith.constant 0 : i32
      %dma_wait3A_116 = tpu.memref_slice %arg12[%mul3A_2, %dma_wait3A_115] : memref<10112x64xf32, #tpu.memory_space<vmem_shared>> -> memref<632x64xf32, #tpu.memory_space<vmem_shared>>
      tpu.wait_dma2 semaphore(%run_scoped3A : memref<!tpu.dma_semaphore, #tpu.memory_space<semaphore_mem>>) src(%dma_wait3A_116 : memref<632x64xf32, #tpu.memory_space<vmem_shared>>) dst(%dma_wait3A_114 : memref<632x64xf32, #tpu.memory_space<hbm>>)
      tpu.yield
    }) : () -> ()
    %barrier3A_101 = arith.constant 0 : index
    tpu.barrier barrier_id(%barrier3A_101)
    return
  }
}

module attributes {stable_mosaic.version = 14 : i64} {
  func.func @body(%arg0: memref<2x10112x128xf32, #tpu.memory_space<vmem>>, %arg1: memref<32x10112xf32, #tpu.memory_space<vmem>>, %arg2: memref<10000x128xf32, #tpu.memory_space<vmem>>, %arg3: memref<128x128xf32, #tpu.memory_space<vmem>>, %arg4: memref<128xf32, #tpu.memory_space<vmem>>, %arg5: memref<128x128xf32, #tpu.memory_space<vmem>>, %arg6: memref<64x128xf32, #tpu.memory_space<vmem>>, %arg7: memref<64xf32, #tpu.memory_space<vmem>>, %arg8: memref<1x64xf32, #tpu.memory_space<vmem>>, %arg9: memref<1xf32, #tpu.memory_space<vmem>>, %arg10: memref<10000x1xf32, #tpu.memory_space<vmem>>) attributes {dimension_semantics = [], scalar_prefetch = 0 : i64, scratch_operands = 0 : i64, tpu.core_type = #tpu.core_type<tc>} {
    %get3A = arith.constant 0 : index
    %get3A_0 = arith.constant 0 : index
    %get3A_1 = arith.constant 0 : index
    %get3A_2 = vector.load %arg0[%get3A, %get3A_0, %get3A_1] : memref<2x10112x128xf32, #tpu.memory_space<vmem>>, vector<1x10112x128xf32>
    %get3A_3 = vector.shape_cast %get3A_2 : vector<1x10112x128xf32> to vector<10112x128xf32>
    %get3A_4 = arith.constant 1 : index
    %get3A_5 = arith.constant 0 : index
    %get3A_6 = arith.constant 0 : index
    %get3A_7 = vector.load %arg0[%get3A_4, %get3A_5, %get3A_6] : memref<2x10112x128xf32, #tpu.memory_space<vmem>>, vector<1x10112x128xf32>
    %get3A_8 = vector.shape_cast %get3A_7 : vector<1x10112x128xf32> to vector<10112x128xf32>
    %add3A = arith.addf %get3A_3, %get3A_8 : vector<10112x128xf32>
    %slice3A = vector.extract_strided_slice %add3A {offsets = [0, 0], sizes = [10000, 128], strides = [1, 1]} : vector<10112x128xf32> to vector<10000x128xf32>
    %get3A_9 = arith.constant 0 : index
    %get3A_10 = arith.constant 0 : index
    %get3A_11 = vector.load %arg1[%get3A_9, %get3A_10] : memref<32x10112xf32, #tpu.memory_space<vmem>>, vector<32x10112xf32>
    %reduce_sum3A = arith.constant dense<0.000000e+00> : vector<10112xf32>
    %reduce_sum3A_12 = vector.multi_reduction <add>, %get3A_11, %reduce_sum3A [0] : vector<32x10112xf32> to vector<10112xf32>
    %slice3A_13 = vector.extract_strided_slice %reduce_sum3A_12 {offsets = [0], sizes = [10000], strides = [1]} : vector<10112xf32> to vector<10000xf32>
    %max3A = arith.constant 1.000000e+00 : f32
    %max3A_14 = vector.broadcast %max3A : f32 to vector<10000xf32>
    %max3A_15 = arith.maximumf %slice3A_13, %max3A_14 : vector<10000xf32>
    %broadcast_in_dim3A = vector.shape_cast %max3A_15 : vector<10000xf32> to vector<10000x1xf32>
    %div3A = vector.broadcast %broadcast_in_dim3A : vector<10000x1xf32> to vector<10000x128xf32>
    %div3A_16 = arith.divf %slice3A, %div3A : vector<10000x128xf32>
    %get3A_17 = arith.constant 0 : index
    %get3A_18 = arith.constant 0 : index
    %get3A_19 = vector.load %arg3[%get3A_17, %get3A_18] : memref<128x128xf32, #tpu.memory_space<vmem>>, vector<128x128xf32>
    %dot_general3A = arith.constant dense<0.000000e+00> : vector<10000x128xf32>
    %dot_general3A_20 = tpu.matmul %div3A_16, %get3A_19, %dot_general3A {dimension_numbers = #tpu.dot_dimension_numbers<[1], [1], [0], [0], [0, 0, 1, 0], [], []>, transpose_lhs_hint = false} : vector<10000x128xf32>, vector<128x128xf32>, vector<10000x128xf32> -> vector<10000x128xf32>
    %get3A_21 = arith.constant 0 : index
    %get3A_22 = vector.load %arg4[%get3A_21] : memref<128xf32, #tpu.memory_space<vmem>>, vector<128xf32>
    %broadcast_in_dim3A_23 = vector.shape_cast %get3A_22 : vector<128xf32> to vector<1x128xf32>
    %add3A_24 = vector.broadcast %broadcast_in_dim3A_23 : vector<1x128xf32> to vector<10000x128xf32>
    %add3A_25 = arith.addf %dot_general3A_20, %add3A_24 : vector<10000x128xf32>
    %get3A_26 = arith.constant 0 : index
    %get3A_27 = arith.constant 0 : index
    %get3A_28 = vector.load %arg2[%get3A_26, %get3A_27] : memref<10000x128xf32, #tpu.memory_space<vmem>>, vector<10000x128xf32>
    %get3A_29 = arith.constant 0 : index
    %get3A_30 = arith.constant 0 : index
    %get3A_31 = vector.load %arg5[%get3A_29, %get3A_30] : memref<128x128xf32, #tpu.memory_space<vmem>>, vector<128x128xf32>
    %dot_general3A_32 = arith.constant dense<0.000000e+00> : vector<10000x128xf32>
    %dot_general3A_33 = tpu.matmul %get3A_28, %get3A_31, %dot_general3A_32 {dimension_numbers = #tpu.dot_dimension_numbers<[1], [1], [0], [0], [0, 0, 1, 0], [], []>, transpose_lhs_hint = false} : vector<10000x128xf32>, vector<128x128xf32>, vector<10000x128xf32> -> vector<10000x128xf32>
    %add3A_34 = arith.addf %add3A_25, %dot_general3A_33 : vector<10000x128xf32>
    %max3A_35 = arith.constant 0.000000e+00 : f32
    %max3A_36 = vector.broadcast %max3A_35 : f32 to vector<10000x128xf32>
    %max3A_37 = arith.maximumf %add3A_34, %max3A_36 : vector<10000x128xf32>
    %reduce_sum3A_38 = arith.constant dense<0.000000e+00> : vector<128xf32>
    %reduce_sum3A_39 = vector.multi_reduction <add>, %max3A_37, %reduce_sum3A_38 [0] : vector<10000x128xf32> to vector<128xf32>
    %broadcast_in_dim3A_40 = vector.shape_cast %reduce_sum3A_39 : vector<128xf32> to vector<1x128xf32>
    %div3A_41 = arith.constant 1.000000e+04 : f32
    %div3A_42 = vector.broadcast %div3A_41 : f32 to vector<1x128xf32>
    %div3A_43 = arith.divf %broadcast_in_dim3A_40, %div3A_42 : vector<1x128xf32>
    %get3A_44 = arith.constant 0 : index
    %get3A_45 = arith.constant 0 : index
    %get3A_46 = vector.load %arg6[%get3A_44, %get3A_45] : memref<64x128xf32, #tpu.memory_space<vmem>>, vector<64x128xf32>
    %dot_general3A_47 = arith.constant dense<0.000000e+00> : vector<1x64xf32>
    %dot_general3A_48 = tpu.matmul %div3A_43, %get3A_46, %dot_general3A_47 {dimension_numbers = #tpu.dot_dimension_numbers<[1], [1], [0], [0], [0, 0, 1, 0], [], []>, transpose_lhs_hint = false} : vector<1x128xf32>, vector<64x128xf32>, vector<1x64xf32> -> vector<1x64xf32>
    %get3A_49 = arith.constant 0 : index
    %get3A_50 = vector.load %arg7[%get3A_49] : memref<64xf32, #tpu.memory_space<vmem>>, vector<64xf32>
    %broadcast_in_dim3A_51 = vector.shape_cast %get3A_50 : vector<64xf32> to vector<1x64xf32>
    %add3A_52 = arith.addf %dot_general3A_48, %broadcast_in_dim3A_51 : vector<1x64xf32>
    %max3A_53 = arith.constant 0.000000e+00 : f32
    %max3A_54 = vector.broadcast %max3A_53 : f32 to vector<1x64xf32>
    %max3A_55 = arith.maximumf %add3A_52, %max3A_54 : vector<1x64xf32>
    %get3A_56 = arith.constant 0 : index
    %get3A_57 = arith.constant 0 : index
    %get3A_58 = vector.load %arg8[%get3A_56, %get3A_57] : memref<1x64xf32, #tpu.memory_space<vmem>>, vector<1x64xf32>
    %mul3A = arith.mulf %max3A_55, %get3A_58 : vector<1x64xf32>
    %reduce_sum3A_59 = vector.shape_cast %mul3A : vector<1x64xf32> to vector<1x1x64xf32>
    %reduce_sum3A_60 = arith.constant dense<0.000000e+00> : vector<1xf32>
    %reduce_sum3A_61 = vector.multi_reduction <add>, %reduce_sum3A_59, %reduce_sum3A_60 [1, 2] : vector<1x1x64xf32> to vector<1xf32>
    %reduce_sum3A_62 = vector.shape_cast %reduce_sum3A_61 : vector<1xf32> to vector<1x1x1xf32>
    %reduce_sum3A_63 = vector.extract %reduce_sum3A_62[0, 0, 0] : f32 from vector<1x1x1xf32>
    %get3A_64 = arith.constant 0 : index
    %get3A_65 = vector.load %arg9[%get3A_64] : memref<1xf32, #tpu.memory_space<vmem>>, vector<1xf32>
    %get3A_66 = vector.extract %get3A_65[0] : f32 from vector<1xf32>
    %add3A_67 = arith.addf %reduce_sum3A_63, %get3A_66 : f32
    %logistic3A = arith.negf %add3A_67 : f32
    %logistic3A_68 = math.exp %logistic3A : f32
    %logistic3A_69 = arith.constant 1.000000e+00 : f32
    %logistic3A_70 = arith.addf %logistic3A_69, %logistic3A_68 : f32
    %logistic3A_71 = arith.divf %logistic3A_69, %logistic3A_70 : f32
    %broadcast_in_dim3A_72 = vector.broadcast %logistic3A_71 : f32 to vector<10000x1xf32>
    %swap3A = arith.constant 0 : index
    %swap3A_73 = arith.constant 0 : index
    %swap3A_74 = vector.load %arg10[%swap3A, %swap3A_73] : memref<10000x1xf32, #tpu.memory_space<vmem>>, vector<10000x1xf32>
    tpu.vector_store %arg10[%swap3A, %swap3A_73], %broadcast_in_dim3A_72 {strides = array<i32>} : memref<10000x1xf32, #tpu.memory_space<vmem>>, vector<10000x1xf32>,
    return
  }
}

module attributes {stable_mosaic.version = 14 : i64} {
  func.func @body(%arg0: memref<2x10112x128xf32, #tpu.memory_space<vmem>>, %arg1: memref<32x10112xf32, #tpu.memory_space<vmem>>, %arg2: memref<10000x128xf32, #tpu.memory_space<vmem>>, %arg3: memref<128x128xf32, #tpu.memory_space<vmem>>, %arg4: memref<128xf32, #tpu.memory_space<vmem>>, %arg5: memref<128x128xf32, #tpu.memory_space<vmem>>, %arg6: memref<10000x128xf32, #tpu.memory_space<vmem>>) attributes {dimension_semantics = [], scalar_prefetch = 0 : i64, scratch_operands = 0 : i64, tpu.core_type = #tpu.core_type<tc>} {
    %get3A = arith.constant 0 : index
    %get3A_0 = arith.constant 0 : index
    %get3A_1 = arith.constant 0 : index
    %get3A_2 = vector.load %arg0[%get3A, %get3A_0, %get3A_1] : memref<2x10112x128xf32, #tpu.memory_space<vmem>>, vector<1x10112x128xf32>
    %get3A_3 = vector.shape_cast %get3A_2 : vector<1x10112x128xf32> to vector<10112x128xf32>
    %get3A_4 = arith.constant 1 : index
    %get3A_5 = arith.constant 0 : index
    %get3A_6 = arith.constant 0 : index
    %get3A_7 = vector.load %arg0[%get3A_4, %get3A_5, %get3A_6] : memref<2x10112x128xf32, #tpu.memory_space<vmem>>, vector<1x10112x128xf32>
    %get3A_8 = vector.shape_cast %get3A_7 : vector<1x10112x128xf32> to vector<10112x128xf32>
    %add3A = arith.addf %get3A_3, %get3A_8 : vector<10112x128xf32>
    %slice3A = vector.extract_strided_slice %add3A {offsets = [0, 0], sizes = [10000, 128], strides = [1, 1]} : vector<10112x128xf32> to vector<10000x128xf32>
    %get3A_9 = arith.constant 0 : index
    %get3A_10 = arith.constant 0 : index
    %get3A_11 = vector.load %arg1[%get3A_9, %get3A_10] : memref<32x10112xf32, #tpu.memory_space<vmem>>, vector<32x10112xf32>
    %reduce_sum3A = arith.constant dense<0.000000e+00> : vector<10112xf32>
    %reduce_sum3A_12 = vector.multi_reduction <add>, %get3A_11, %reduce_sum3A [0] : vector<32x10112xf32> to vector<10112xf32>
    %slice3A_13 = vector.extract_strided_slice %reduce_sum3A_12 {offsets = [0], sizes = [10000], strides = [1]} : vector<10112xf32> to vector<10000xf32>
    %max3A = arith.constant 1.000000e+00 : f32
    %max3A_14 = vector.broadcast %max3A : f32 to vector<10000xf32>
    %max3A_15 = arith.maximumf %slice3A_13, %max3A_14 : vector<10000xf32>
    %broadcast_in_dim3A = vector.shape_cast %max3A_15 : vector<10000xf32> to vector<10000x1xf32>
    %div3A = vector.broadcast %broadcast_in_dim3A : vector<10000x1xf32> to vector<10000x128xf32>
    %div3A_16 = arith.divf %slice3A, %div3A : vector<10000x128xf32>
    %get3A_17 = arith.constant 0 : index
    %get3A_18 = arith.constant 0 : index
    %get3A_19 = vector.load %arg3[%get3A_17, %get3A_18] : memref<128x128xf32, #tpu.memory_space<vmem>>, vector<128x128xf32>
    %dot_general3A = arith.constant dense<0.000000e+00> : vector<10000x128xf32>
    %dot_general3A_20 = tpu.matmul %div3A_16, %get3A_19, %dot_general3A {dimension_numbers = #tpu.dot_dimension_numbers<[1], [1], [0], [0], [0, 0, 1, 0], [], []>, transpose_lhs_hint = false} : vector<10000x128xf32>, vector<128x128xf32>, vector<10000x128xf32> -> vector<10000x128xf32>
    %get3A_21 = arith.constant 0 : index
    %get3A_22 = vector.load %arg4[%get3A_21] : memref<128xf32, #tpu.memory_space<vmem>>, vector<128xf32>
    %broadcast_in_dim3A_23 = vector.shape_cast %get3A_22 : vector<128xf32> to vector<1x128xf32>
    %add3A_24 = vector.broadcast %broadcast_in_dim3A_23 : vector<1x128xf32> to vector<10000x128xf32>
    %add3A_25 = arith.addf %dot_general3A_20, %add3A_24 : vector<10000x128xf32>
    %get3A_26 = arith.constant 0 : index
    %get3A_27 = arith.constant 0 : index
    %get3A_28 = vector.load %arg2[%get3A_26, %get3A_27] : memref<10000x128xf32, #tpu.memory_space<vmem>>, vector<10000x128xf32>
    %get3A_29 = arith.constant 0 : index
    %get3A_30 = arith.constant 0 : index
    %get3A_31 = vector.load %arg5[%get3A_29, %get3A_30] : memref<128x128xf32, #tpu.memory_space<vmem>>, vector<128x128xf32>
    %dot_general3A_32 = arith.constant dense<0.000000e+00> : vector<10000x128xf32>
    %dot_general3A_33 = tpu.matmul %get3A_28, %get3A_31, %dot_general3A_32 {dimension_numbers = #tpu.dot_dimension_numbers<[1], [1], [0], [0], [0, 0, 1, 0], [], []>, transpose_lhs_hint = false} : vector<10000x128xf32>, vector<128x128xf32>, vector<10000x128xf32> -> vector<10000x128xf32>
    %add3A_34 = arith.addf %add3A_25, %dot_general3A_33 : vector<10000x128xf32>
    %max3A_35 = arith.constant 0.000000e+00 : f32
    %max3A_36 = vector.broadcast %max3A_35 : f32 to vector<10000x128xf32>
    %max3A_37 = arith.maximumf %add3A_34, %max3A_36 : vector<10000x128xf32>
    %swap3A = arith.constant 0 : index
    %swap3A_38 = arith.constant 0 : index
    %swap3A_39 = vector.load %arg6[%swap3A, %swap3A_38] : memref<10000x128xf32, #tpu.memory_space<vmem>>, vector<10000x128xf32>
    tpu.vector_store %arg6[%swap3A, %swap3A_38], %max3A_37 {strides = array<i32>} : memref<10000x128xf32, #tpu.memory_space<vmem>>, vector<10000x128xf32>,
    return
  }
}

</mosaic_0001>

<sc_bundles>
// kernel: kernel.6.cloned.1.call-start
scs
__scs_entry_jumppad:
0x0: {  	(pc) =	sbr.rel $0x88, $3  }
0x1: {  	(tag) =	ssettag $0x0;
	lr =	simm.s32 $0x1  }
0x2: {  	[smem:$0x3F95] =	sst lr;
	_ =	strace $0xD0000000  }
0x3: {  	_ = 	snop  }
0x4: {  	_ = 	snop  }
0x5: {  	_ = 	snop  }
0x6: {  	_ = 	snop  }
0x7: {  	_ = 	snop  }
__scs_overlays_trampoline_lowered:
0x8: {  	[smem:$0x3FA4] =	sst s0  }
0x9: {  	[smem:$0x3FA5] =	sst s1  }
0xa: {  	[smem:$0x3FA6] =	sst s2  }
0xb: {  	[smem:$0x3FA7] =	sst s3  }
0xc: {  	[smem:$0x3FA8] =	sst s4  }
0xd: {  	[smem:$0x3FA9] =	sst s5  }
0xe: {  	[smem:$0x3FAA] =	sst s6  }
0xf: {  	[smem:$0x3FAB] =	sst s7  }
0x10: {  	[smem:$0x3FAC] =	sst s8  }
0x11: {  	[smem:$0x3FAD] =	sst s9;
	s0 =	simm.s32 @!p0 $0x0  }
0x12: {  	s1 =	sld [smem:$0x3F93];
	s0 =	simm.s32 @p0 $0x1  }
0x13: {  	[smem:$0x3FAE] =	sst s0;
	s0 =	simm.s32 @!p1 $0x0  }
0x14: {  	s2 =	sld [smem:$0x3F92];
	s0 =	simm.s32 @p1 $0x1  }
0x15: {  	[smem:$0x3FAF] =	sst s0;
	s0 =	simm.s32 @!p2 $0x0  }
0x16: {  	s3 =	sld [smem:$0x3FDB];
	s0 =	simm.s32 @p2 $0x1  }
0x17: {  	s4 =	simm.s32 $0x1BF5;
	[smem:$0x3FB1] =	sst s0  }
0x18: {  	s0 =	sld [smem:$0x3F94];
	_ =	swait.ge [sflag:s4], $0x0  }
0x19: {  	s7 =	sld [smem:$0x3F95]  }
0x1a: {  	s8 =	sadd.s32 $0xFFFFE003, lr  }
0x1b: {  	s9 =	sadd.s32 $0xFFFFFEF7, lr;
	s5 =	simm.s32 $0xFFFFFFFF;
	p2 =	slt.u32 s8, $0xFFFFF086  }
0x1c: {  	p1 =	slt.u32 s9, $0xF7A;
	s5 =	simm.s32 @!p2 $0x0  }
0x1d: {  	s5 =	simm.s32 @p1 $0x1;
	p0 =	seq.s32 s7, s2  }
0x1e: {  	s7 =	smul.u32 @!p0 $0xF7A, s2;
	p2 =	seq.s32 @!p0 s5, $0x0  }
0x1f: {  	s9 =	smul.u32 $0xF7A, s1;
	s8 =	simm.s32 @!p0 $0x1BF5;
	p2 =	por !p2, p0  }
0x20: {  	[sflag:s8] =	ssyncset.s32 @!p0 $0xFFFFF086;
	s6 =	sadd.s32 @!p0 s3, s7;
	s7 =	simm.s32 @!p0 $0x108  }
0x21: {  	s3 =	sadd.s32 s3, s9;
	s6 =	sadd.s32 @!p0 $0x88, s6;
	s7 =	simm.s32 @p2 $0x1082  }
0x22: {  	[simem:s7], [sflag:s8] =	dma.local @!p0 [hbm:s6], $0xF7A  }
0x23: {  	s9 =	sor.u32 $0xD0000000, s2;
	s6 =	simm.s32 $0x108;
	_ =	swait.ge @!p0 [sflag:s8], $0x0  }
0x24: {  	s3 =	sadd.s32 $0x88, s3;
	s6 =	simm.s32 @!p1 $0x1082;
	[sflag:s4] =	ssyncset.s32 $0xFFFFF086  }
0x25: {  	[simem:s6], [sflag:s4] =	dma.local [hbm:s3], $0xF7A  }
0x26: {  	[smem:$0x3F95] =	sst s1;
	(tag) =	ssettag s2;
	_ =	strace s9  }
0x27: {  	s1 =	sld [smem:$0x3FA5]  }
0x28: {  	s2 =	sld [smem:$0x3FA6]  }
0x29: {  	s4 =	sld [smem:$0x3FA8]  }
0x2a: {  	p0 =	seq.s32 s5, $0x0;
	s5 =	sld [smem:$0x3FA9]  }
0x2b: {  	s6 =	sld [smem:$0x3FAA]  }
0x2c: {  	s7 =	sld [smem:$0x3FAB]  }
0x2d: {  	s3 =	simm.s32 $0x108;
	s8 =	sld [smem:$0x3FAC]  }
0x2e: {  	s3 =	simm.s32 @!p0 $0x1082;
	s9 =	sld [smem:$0x3FAD]  }
0x2f: {  	lr =	sadd.s32 s0, s3;
	s0 =	sld [smem:$0x3FA4]  }
0x30: {  	s3 =	sld [smem:$0x3FA7]  }
0x31: {  	[smem:$0x3FB0] =	sst s10  }
0x32: {  	s10 =	sld [smem:$0x3FAE];
	_ =	sdelay $0x3  }
0x33: {  	p0 =	seq.s32 s10, $0x1;
	s10 =	sld [smem:$0x3FB0];
	_ =	sdelay $0x3  }
0x34: {  	[smem:$0x3FB0] =	sst s10  }
0x35: {  	s10 =	sld [smem:$0x3FAF];
	_ =	sdelay $0x3  }
0x36: {  	p1 =	seq.s32 s10, $0x1;
	s10 =	sld [smem:$0x3FB0];
	_ =	sdelay $0x3  }
0x37: {  	[smem:$0x3FB0] =	sst s10  }
0x38: {  	s10 =	sld [smem:$0x3FB1]  }
0x39: {  	_ = 	snop;
	(pc) =	sbr.ind lr, $3  }
0x3a: {  	_ = 	snop  }
0x3b: {  	_ = 	snop  }
0x3c: {  	p2 =	seq.s32 s10, $0x1;
	s10 =	sld [smem:$0x3FB0]  }
0x3d: {  	_ =	shalt  }
0x3e: {  	_ =	shalt  }
0x3f: {  	_ =	shalt  }
0x40: {  	_ =	shalt  }
0x41: {  	_ =	shalt  }
0x42: {  	_ =	shalt  }
0x43: {  	_ =	shalt  }
0x44: {  	_ =	shalt  }
0x45: {  	_ =	shalt  }
0x46: {  	_ =	shalt  }
0x47: {  	_ =	shalt  }
0x48: {  	_ =	shalt  }
0x49: {  	_ =	shalt  }
0x4a: {  	_ =	shalt  }
0x4b: {  	_ =	shalt  }
0x4c: {  	_ =	shalt  }
0x4d: {  	_ =	shalt  }
0x4e: {  	_ =	shalt  }
0x4f: {  	_ =	shalt  }
0x50: {  	_ =	shalt  }
0x51: {  	_ =	shalt  }
0x52: {  	_ =	shalt  }
0x53: {  	_ =	shalt  }
0x54: {  	_ =	shalt  }
0x55: {  	_ =	shalt  }
0x56: {  	_ =	shalt  }
0x57: {  	_ =	shalt  }
0x58: {  	_ =	shalt  }
0x59: {  	_ =	shalt  }
0x5a: {  	_ =	shalt  }
0x5b: {  	_ =	shalt  }
0x5c: {  	_ =	shalt  }
0x5d: {  	_ =	shalt  }
0x5e: {  	_ =	shalt  }
0x5f: {  	_ =	shalt  }
0x60: {  	_ =	shalt  }
0x61: {  	_ =	shalt  }
0x62: {  	_ =	shalt  }
0x63: {  	_ =	shalt  }
0x64: {  	_ =	shalt  }
0x65: {  	_ =	shalt  }
0x66: {  	_ =	shalt  }
0x67: {  	_ =	shalt  }
0x68: {  	_ =	shalt  }
0x69: {  	_ =	shalt  }
0x6a: {  	_ =	shalt  }
0x6b: {  	_ =	shalt  }
0x6c: {  	_ =	shalt  }
0x6d: {  	_ =	shalt  }
0x6e: {  	_ =	shalt  }
0x6f: {  	_ =	shalt  }
0x70: {  	_ =	shalt  }
0x71: {  	_ =	shalt  }
0x72: {  	_ =	shalt  }
0x73: {  	_ =	shalt  }
0x74: {  	_ =	shalt  }
0x75: {  	_ =	shalt  }
0x76: {  	_ =	shalt  }
0x77: {  	_ =	shalt  }
0x78: {  	_ =	shalt  }
0x79: {  	_ =	shalt  }
0x7a: {  	_ =	shalt  }
0x7b: {  	_ =	shalt  }
0x7c: {  	_ =	shalt  }
0x7d: {  	_ =	shalt  }
0x7e: {  	_ =	shalt  }
0x7f: {  	_ =	shalt  }
0x80: {  	_ =	shalt  }
0x81: {  	_ =	shalt  }
0x82: {  	_ =	shalt  }
0x83: {  	_ =	shalt  }
0x84: {  	_ =	shalt  }
0x85: {  	_ =	shalt  }
0x86: {  	_ =	shalt  }
0x87: {  	_ =	shalt  }
.Lfunc_end0:
.L_simem_size_0:
called_computation_lowered:
.L_overlay_start_0:
0x88: {  	s2 =	sld [smem:$0x3FD9]  }
0x89: {  	s3 =	sld [smem:$0x3FFE];
	_ =	sdelay $0x1  }
0x8a: {  	s1 =	srdreg.scid  }
0x8b: {  	s0 =	sand.u32 $0x1, s1  }
0x8c: {  	s16 =	sshll.u32 s0, $0xA;
	s2 =	sadd.s32 s3, s2  }
0x8d: {  	s2 =	sadd.s32 s2, s16  }
0x8e: {  	[smem:$0x3FBC] =	sst s2  }
0x8f: {  	_ = 	snop  }
0x90: {  	(tm) =	ssettm $0x1  }
0x91: {  	s17 =	sld [smem:$0x3FFB];
	_ =	sdelay $0x3  }
0x92: {  	_ =	strace s17  }
0x93: {  	s2 =	sld [smem:$0x3FFC];
	_ =	sdelay $0x3  }
0x94: {  	_ =	strace s2  }
0x95: {  	s2 =	sld [smem:$0x3FFD];
	_ =	sdelay $0x3  }
0x96: {  	_ =	strace s2  }
0x97: {  	_ =	strace $0x8FFFFFFF  }
0x98: {  	s18 =	sld [smem:$0x3FDB];
	_ =	sdelay $0x1  }
0x99: {  	s19 =	simm.s32 $_scs_section_size  }
0x9a: {  	s4 =	simm.s32 $_size__tile_overlayer_lowered;
	s5 =	simm.s32 $_tile_overlayer_lowered  }
0x9b: {  	s22 =	simm.s32 $0x1BFF;
	s21 =	sshll.u32 s5, $0x1;
	s2 =	sadd.s32 s19, s18  }
0x9c: {  	s6 =	simm.s32 $0x0;
	s20 =	sshll.u32 s4, $0x1;
	s4 =	sadd.s32 s21, s2  }
0x9d: {  	[timem:s6], [sflag:s22] =	dma.local [hbm:s4], s20  }
0x9e: {  	_ =	swait.ge [sflag:s22], s20  }
0x9f: {  	s3 =	ssub.s32 $0x0, s20;
	[sflag:s22] =	ssyncset.done $0x0  }
0xa0: {  	[sflag:s22] =	ssyncadd.s32 s3;
	_ =	sdelay $0x1  }
0xa1: {  	s23 =	simm.s32 $0x1B8B  }
0xa2: {  	_ =	swait.ge [sflag:s23], $0x1  }
0xa3: {  	[sflag:s23] =	ssyncset.done $0x0  }
0xa4: {  	s25 =	simm.s32 $0x1B8E;
	s24 =	sld [smem:$0x3FFE];
	[sflag:s23] =	ssyncadd.s32 $0xFFFFFFFF  }
0xa5: {  	s26 =	simm.s32 $execute0_lowered;
	[smem:$0x3FD2] =	sst s25  }
0xa6: {  	s4 =	sshll.u32 s26, $0x1;
	_ =	strace $0x80000046;
	[dreg:$0x1] =	wrdreg $0xFFFFFFFF  }
0xa7: {  	s28 =	simm.s32 $_size_execute0_lowered;
	s2 =	sadd.s32 s2, s4;
	[dreg:$0x0] =	wrdreg $0x0  }
0xa8: {  	s4 =	sshll.u32 s28, $0x1;
	[dreg:$0x2] =	wrdreg s2  }
0xa9: {  	[dreg:$0x3] =	wrdreg s4  }
0xaa: {  	[dreg:$0x4] =	wrdreg $0xC0  }
0xab: {  	_ =	task [dreg:s6], $0x5FFFF  }
0xac: {  	[dreg:$0x1] =	wrdreg $0xFFFFFFFF  }
0xad: {  	[dreg:$0x0] =	wrdreg $0x60  }
0xae: {  	[dreg:$0x2] =	wrdreg s24  }
0xaf: {  	[dreg:$0x3] =	wrdreg $0xDC000  }
0xb0: {  	[dreg:$0x4] =	wrdreg $0x9  }
0xb1: {  	_ =	task.clear_ibuf [dreg:s6], $0x5FFFF;
	_ =	strace $0x90000046  }
0xb2: {  	s29 =	simm.s32 $0x9;
	_ =	strace $0x80000048  }
0xb3: {  	_ =	swait.ge [sflag:s29], $0x1  }
0xb4: {  	[sflag:s29] =	ssyncadd.s32 $0xFFFFFFFF  }
0xb5: {  	_ =	strace $0x90000048  }
0xb6: {  	_ =	sfence  }
0xb7: {  	s30 =	sld [smem:$0x0];
	_ =	sdelay $0x2  }
0xb8: {  	s31 =	sshll.u32 s1, $0xD;
	s1 =	sshrl.u32 s1, $0x2  }
0xb9: {  	s3 =	sand.u32 $0x4000, s31;
	s1 =	sadd.s32 s1, s30  }
0xba: {  	s0 =	sor.u32 s3, s0;
	s1 =	sshll.u32 s1, $0x11  }
0xbb: {  	s0 =	sor.u32 s1, s0  }
0xbc: {  	s0 =	sadd.s32 $0x8F2B, s0  }
0xbd: {  	[sflag:s0] =	ssyncadd.remote.s32 $0x1  }
0xbe: {  	_ =	sfence.sel $0xFFFF  }
0xbf: {  	[dreg:$0x0] =	wrdreg $0xFFFFFFFF;
	(pc) =	sbr.abs _section_cstart, $3  }
0xc0: {  	[dreg:$0x1] =	wrdreg $0xFFFFFFFF  }
0xc1: {  	_ =	task.clear_ibuf [dreg:s6], $0x2FFFF;
	_ =	strace $0x9FFFFFFF  }
0xc2: {  	(tm) =	ssettm $0x7FFFFFFF  }
0xc3: {  	_ =	shalt  }
tec
execute0_lowered:
.L_overlay_start_1:
0x0: {  	(tag) =	ssettag $0x1  }
0x1: {  	s0 =	rddreg [dreg:$0x0]  }
0x2: {  	s2 =	rddreg [dreg:$0x1];
	s10 =	stileid.u32  }
0x3: {  	s11 =	simm.s32 $0x0;
	s1 =	srdreg.scid;
	s3 =	smul.u32 $0x22, s10  }
0x4: {  	s28 =	simm.s32 $0x1;
	s29 =	simm.s32 $0x2;
	s5 =	smul.u32 $0x7C, s10  }
0x5: {  	[smem:$0x7FF] =	sst s11;
	s1 =	sand.u32 $0x1, s1;
	s9 =	smul.u32 $0x27800, s10  }
0x6: {  	s4 =	sadd.s32 $0x2000, s0;
	s23 =	smul.u32 $0x2780, s10;
	_ =	strace $0x80000047  }
0x7: {  	p0 =	seq.s32 s1, $0x0;
	s19 =	sshll.u32 s1, $0x4;
	s6 =	smul.u32 $0x27800, s1  }
0x8: {  	s1 =	ssub.s32 $0x2, s1;
	s3 =	sadd.s32 $0x7C0, s3;
	s7 =	sor.u32 s10, s19  }
0x9: {  	s20 =	sshrl.u32 s1, $0x1;
	s21 =	sshrl.u32 s9, $0x2;
	[dreg:$0x5] =	wrdreg s23  }
0xa: {  	s26 =	sor.u32 $0x8, s23;
	s19 =	simm.s32 $0x3;
	s23 =	simm.s32 $0x7C00  }
0xb: {  	s3 =	smov.u32 @p0 s5;
	s5 =	sadd.s32 $0x15A00, s0;
	s7 =	smul.u32 $0x4F0, s7  }
0xc: {  	s8 =	sadd.s32 s6, s0;
	s6 =	simm.s32 $0x7C;
	s1 =	ssub.s32 s1, s20  }
0xd: {  	s9 =	sadd.s32 s21, s2;
	s21 =	simm.s32 $0xBC00;
	s3 =	sshll.u32 s3, $0x4  }
0xe: {  	s6 =	simm.s32 @!p0 $0x22;
	s13 =	sadd.s32 $0x2000, s9;
	s24 =	sadd.s32 $0x8000, s9  }
0xf: {  	s31 =	sadd.s32 $0x4000, s9;
	s1 =	smax.u32 s1, $0x1;
	[dreg:$0x7] =	wrdreg s24  }
0x10: {  	s25 =	sadd.s32 $0x47A00, s8;
	s3 =	sadd.s32 s3, s0;
	[dreg:$0xa] =	wrdreg s1  }
0x11: {  	s0 =	sadd.s32 s7, s0;
	s7 =	sadd.s32 $0x6000, s9;
	[dreg:$0x9] =	wrdreg s25  }
0x12: {  	s30 =	sshll.u32 s6, $0x9;
	s22 =	sadd.s32 $0x33800, s3;
	[dreg:$0x6] =	wrdreg s7  }
0x13: {  	s24 =	simm.s32 $0x9C00;
	s3 =	sadd.s32 $0x29400, s3;
	[dreg:$0x3] =	wrdreg s22  }
0x14: {  	s0 =	sadd.s32 $0x3DC00, s0;
	s18 =	sadd.s32 $0xFFFFFC00, s30;
	[dreg:$0x4] =	wrdreg s3  }
0x15: {  	[dreg:$0x8] =	wrdreg s0;
	s22 =	simm.s32 $0x80;
	s0 =	sadd.s32 s25, s26  }
0x16: {  	v0 =	vimm.f32 $0.0e+00;
	v1 =	vimm.f32 $1.000000000e+00;
	s26 =	simm.s32 $0x17A00;
	[dreg:$0xb] =	wrdreg s0;
	s0 =	simm.s32 $0x0  }
.LBB2_1:
0x17: {  	s1 =	rddreg [dreg:$0x3]  }
0x18: {  	[tilespmem:s11], [sflag:$0x3] =	stream.linear.gather [hbm4b:s1+s11], $0x3E00, $0x38;
	[tilespmem:$0x1A180] =	vst v63  }
0x19: {  	_ =	swait.ge [sflag:s19], $0x3E00  }
0x1a: {  	[sflag:s19] =	ssyncset.done $0x0  }
0x1b: {  	s3 =	simm.s32 $0x3E00;
	s30 =	rddreg [dreg:$0x4];
	[sflag:s19] =	ssyncadd.s32 $0xFFFFC200  }
0x1c: {  	[tilespmem:s3], [sflag:$0x3] =	stream.linear.gather [hbm4b:s30+s11], $0x3E00, $0x38;
	[tilespmem:$0x1A180] =	vst v63  }
0x1d: {  	_ =	swait.ge [sflag:s19], $0x3E00  }
0x1e: {  	[sflag:s19] =	ssyncset.done $0x0  }
0x1f: {  	s1 =	simm.s32 $0x0;
	[sflag:s19] =	ssyncadd.s32 $0xFFFFC200  }
.LBB2_2:
0x20: {  	p0 =	sne.s32 s1, $0x7F00  }
.Ltmp0:
0x21: {  	s3 =	sshra.s32 s1, $0x2;
	(pc) =	sbr.rel @p0 .LBB2_2-.Ltmp0, $4  }
0x22: {  	[tilespmem:s3+$0xBC00] =	vst v0  }
0x23: {  	[tilespmem:s3+$0xBC10] =	vst v0  }
0x24: {  	[tilespmem:s3+$0xBC20] =	vst v0  }
0x25: {  	s1 =	sadd.s32 $0x100, s1;
	[tilespmem:s3+$0xBC30] =	vst v0  }
0x26: {  	s1 =	simm.s32 $0x40;
	s3 =	simm.s32 $0x0  }
.LBB2_4:
0x27: {  	p0 =	sne.s32 s1, $0x9DC0;
	[tilespmem:s3+$0x17A00] =	vst v0;
	s3 =	smov.u32 s1;
	s1 =	sadd.s32 $0x40, s1  }
.Ltmp1:
0x28: {  	(pc) =	sbr.rel @p0 .LBB2_4-.Ltmp1, $2  }
0x29: {  	_ =	sdelay $0x2  }
0x2a: {  	s3 =	sshra.s32 s3, $0x2  }
0x2b: {  	[tilespmem:s3+$0x17A00] =	vst v0  }
0x2c: {  	[spmem:s9] =	stream.linear.scatter [tilespmem:s21], [sflag:$0x3], $0x2000, $0x38;
	[tilespmem:$0x1A180] =	vst v63  }
0x2d: {  	_ =	swait.ge [sflag:s19], $0x2000  }
0x2e: {  	[sflag:s19] =	ssyncset.done $0x0  }
0x2f: {  	[sflag:s19] =	ssyncadd.s32 $0xFFFFE000  }
0x30: {  	[spmem:s13] =	stream.linear.scatter [tilespmem:s21], [sflag:$0x3], $0x2000, $0x38;
	[tilespmem:$0x1A180] =	vst v63  }
0x31: {  	_ =	swait.ge [sflag:s19], $0x2000  }
0x32: {  	[sflag:s19] =	ssyncset.done $0x0  }
0x33: {  	[sflag:s19] =	ssyncadd.s32 $0xFFFFE000  }
0x34: {  	[spmem:s31] =	stream.linear.scatter [tilespmem:s21], [sflag:$0x3], $0x2000, $0x38;
	[tilespmem:$0x1A180] =	vst v63  }
0x35: {  	_ =	swait.ge [sflag:s19], $0x2000  }
0x36: {  	[sflag:s19] =	ssyncset.done $0x0  }
0x37: {  	s1 =	rddreg [dreg:$0x6];
	[sflag:s19] =	ssyncadd.s32 $0xFFFFE000  }
0x38: {  	[spmem:s1] =	stream.linear.scatter [tilespmem:s21], [sflag:$0x3], $0x2000, $0x38;
	[tilespmem:$0x1A180] =	vst v63  }
0x39: {  	_ =	swait.ge [sflag:s19], $0x2000  }
0x3a: {  	[sflag:s19] =	ssyncset.done $0x0  }
0x3b: {  	s30 =	rddreg [dreg:$0x7];
	[sflag:s19] =	ssyncadd.s32 $0xFFFFE000  }
0x3c: {  	[spmem:s30] =	stream.linear.scatter [tilespmem:s21], [sflag:$0x3], $0x1E00, $0x38;
	[tilespmem:$0x1A180] =	vst v63  }
0x3d: {  	_ =	swait.ge [sflag:s19], $0x1E00  }
0x3e: {  	[sflag:s19] =	ssyncset.done $0x0  }
0x3f: {  	s7 =	simm.s32 $0x0;
	[sflag:s19] =	ssyncadd.s32 $0xFFFFE200  }
0x40: {  	s8 =	simm.s32 $0x2;
	s1 =	simm.s32 $0x1;
	[bflag:$0x0] =	sbarrier.arrive $0xFFFF  }
0x41: {  	[tilespmem:s23], [sflag:$0x1] =	stream.indirect.gather [hbm4b:s4+s22], $0x40, s7, s22, $0xb8;
	[tilespmem:$0x1A180] =	vst v63  }
.LBB2_6:
0x42: {  	s3 =	sshra.s32 s7, $0x2  }
0x43: {  	s12 =	sadd.s32 $0x80, s3  }
0x44: {  	[tilespmem:s24], [sflag:$0x2] =	stream.indirect.gather [hbm4b:s4+s22], $0x40, s12, s22, $0xb8;
	[tilespmem:$0x1A180] =	vst v63  }
0x45: {  	v2 =	vld [tilespmem:s3+$0x3E00];
	_ =	sdelay $0x7  }
0x46: {  	[tilespmem:v2+s26+$0x0] =	vst.idx.add.f32.msk $0xffff, v1  }
0x47: {  	v2 =	vld [tilespmem:s3+$0x3E10];
	_ =	sdelay $0x7  }
0x48: {  	[tilespmem:v2+s26+$0x0] =	vst.idx.add.f32.msk $0xffff, v1  }
0x49: {  	v2 =	vld [tilespmem:s3+$0x3E20];
	_ =	sdelay $0x7  }
0x4a: {  	[tilespmem:v2+s26+$0x0] =	vst.idx.add.f32.msk $0xffff, v1  }
0x4b: {  	v2 =	vld [tilespmem:s3+$0x3E30];
	_ =	sdelay $0x7  }
0x4c: {  	[tilespmem:v2+s26+$0x0] =	vst.idx.add.f32.msk $0xffff, v1  }
0x4d: {  	v2 =	vld [tilespmem:s3+$0x3E40];
	_ =	sdelay $0x7  }
0x4e: {  	[tilespmem:v2+s26+$0x0] =	vst.idx.add.f32.msk $0xffff, v1  }
0x4f: {  	v2 =	vld [tilespmem:s3+$0x3E50];
	_ =	sdelay $0x7  }
0x50: {  	[tilespmem:v2+s26+$0x0] =	vst.idx.add.f32.msk $0xffff, v1  }
0x51: {  	v2 =	vld [tilespmem:s3+$0x3E60];
	_ =	sdelay $0x7  }
0x52: {  	[tilespmem:v2+s26+$0x0] =	vst.idx.add.f32.msk $0xffff, v1  }
0x53: {  	v2 =	vld [tilespmem:s3+$0x3E70];
	_ =	sdelay $0x7  }
0x54: {  	[tilespmem:v2+s26+$0x0] =	vst.idx.add.f32.msk $0xffff, v1  }
0x55: {  	v2 =	vld [tilespmem:s3+$0x3E80];
	_ =	sdelay $0x7  }
0x56: {  	[tilespmem:v2+s26+$0x0] =	vst.idx.add.f32.msk $0xffff, v1  }
0x57: {  	v2 =	vld [tilespmem:s3+$0x3E90];
	_ =	sdelay $0x7  }
0x58: {  	[tilespmem:v2+s26+$0x0] =	vst.idx.add.f32.msk $0xffff, v1  }
0x59: {  	v2 =	vld [tilespmem:s3+$0x3EA0];
	_ =	sdelay $0x7  }
0x5a: {  	[tilespmem:v2+s26+$0x0] =	vst.idx.add.f32.msk $0xffff, v1  }
0x5b: {  	v2 =	vld [tilespmem:s3+$0x3EB0];
	_ =	sdelay $0x7  }
0x5c: {  	[tilespmem:v2+s26+$0x0] =	vst.idx.add.f32.msk $0xffff, v1  }
0x5d: {  	v2 =	vld [tilespmem:s3+$0x3EC0];
	_ =	sdelay $0x7  }
0x5e: {  	[tilespmem:v2+s26+$0x0] =	vst.idx.add.f32.msk $0xffff, v1  }
0x5f: {  	v2 =	vld [tilespmem:s3+$0x3ED0];
	_ =	sdelay $0x7  }
0x60: {  	[tilespmem:v2+s26+$0x0] =	vst.idx.add.f32.msk $0xffff, v1  }
0x61: {  	v2 =	vld [tilespmem:s3+$0x3EE0];
	_ =	sdelay $0x7  }
0x62: {  	[tilespmem:v2+s26+$0x0] =	vst.idx.add.f32.msk $0xffff, v1  }
0x63: {  	v2 =	vld [tilespmem:s3+$0x3EF0];
	_ =	sdelay $0x7  }
0x64: {  	[tilespmem:v2+s26+$0x0] =	vst.idx.add.f32.msk $0xffff, v1  }
0x65: {  	_ =	swait.ge [sflag:s28], $0x2000  }
0x66: {  	[sflag:s28] =	ssyncset.done $0x0  }
0x67: {  	s30 =	sadd.s32 $0x3E00, s3;
	[sflag:s28] =	ssyncadd.s32 $0xFFFFE000  }
0x68: {  	[spmem:s2] =	stream.indirect.scatter.add.f32 [tilespmem:s23], [sflag:$0x3], $0x40, s30, s22, $0xb8;
	[tilespmem:$0x1A180] =	vst v63  }
0x69: {  	p0 =	sge.u32 s8, s6;
	_ =	swait.ge [sflag:s19], $0x2000  }
0x6a: {  	s15 =	simm.s32 @!p0 $0x80;
	s12 =	sshra.s32 @!p0 s7, $0x2;
	[sflag:s19] =	ssyncset.done $0x0  }
0x6b: {  	s16 =	simm.s32 @!p0 $0x7C00;
	s12 =	sadd.s32 @!p0 $0x100, s12;
	[sflag:s19] =	ssyncadd.s32 $0xFFFFE000  }
0x6c: {  	[tilespmem:s16], [sflag:$0x1] =	stream.indirect.gather @!p0 [hbm4b:s4+s15], $0x40, s12, s15, $0xb8;
	[tilespmem:$0x1A180] =	vst v63  }
0x6d: {  	s7 =	sadd.s32 $0x400, s7;
	_ =	swait.ge [sflag:s29], $0x2000  }
0x6e: {  	p0 =	sne.s32 s18, s7;
	[sflag:s29] =	ssyncset.done $0x0  }
.Ltmp2:
0x6f: {  	s3 =	sadd.s32 $0x3E80, s3;
	[sflag:s29] =	ssyncadd.s32 $0xFFFFE000;
	(pc) =	sbr.rel @p0 .LBB2_6-.Ltmp2, $4  }
0x70: {  	[spmem:s2] =	stream.indirect.scatter.add.f32 [tilespmem:s24], [sflag:$0x3], $0x40, s3, s22, $0xb8;
	[tilespmem:$0x1A180] =	vst v63  }
0x71: {  	_ =	swait.ge [sflag:s19], $0x2000  }
0x72: {  	s8 =	sadd.s32 $0x2, s8;
	[sflag:s19] =	ssyncset.done $0x0  }
0x73: {  	s12 =	smov.u32 s1;
	s1 =	sadd.s32 $0x1, s1;
	[sflag:s19] =	ssyncadd.s32 $0xFFFFE000  }
0x74: {  	s3 =	sshra.s32 s7, $0x2  }
0x75: {  	s20 =	sadd.s32 $0x80, s3  }
0x76: {  	[tilespmem:s24], [sflag:$0x2] =	stream.indirect.gather [hbm4b:s4+s22], $0x40, s20, s22, $0xb8;
	[tilespmem:$0x1A180] =	vst v63  }
0x77: {  	v2 =	vld [tilespmem:s3+$0x3E00];
	_ =	sdelay $0x7  }
0x78: {  	[tilespmem:v2+s26+$0x0] =	vst.idx.add.f32.msk $0xffff, v1  }
0x79: {  	v2 =	vld [tilespmem:s3+$0x3E10];
	_ =	sdelay $0x7  }
0x7a: {  	[tilespmem:v2+s26+$0x0] =	vst.idx.add.f32.msk $0xffff, v1  }
0x7b: {  	v2 =	vld [tilespmem:s3+$0x3E20];
	_ =	sdelay $0x7  }
0x7c: {  	[tilespmem:v2+s26+$0x0] =	vst.idx.add.f32.msk $0xffff, v1  }
0x7d: {  	v2 =	vld [tilespmem:s3+$0x3E30];
	_ =	sdelay $0x7  }
0x7e: {  	[tilespmem:v2+s26+$0x0] =	vst.idx.add.f32.msk $0xffff, v1  }
0x7f: {  	v2 =	vld [tilespmem:s3+$0x3E40];
	_ =	sdelay $0x7  }
0x80: {  	[tilespmem:v2+s26+$0x0] =	vst.idx.add.f32.msk $0xffff, v1  }
0x81: {  	v2 =	vld [tilespmem:s3+$0x3E50];
	_ =	sdelay $0x7  }
0x82: {  	[tilespmem:v2+s26+$0x0] =	vst.idx.add.f32.msk $0xffff, v1  }
0x83: {  	v2 =	vld [tilespmem:s3+$0x3E60];
	_ =	sdelay $0x7  }
0x84: {  	[tilespmem:v2+s26+$0x0] =	vst.idx.add.f32.msk $0xffff, v1  }
0x85: {  	v2 =	vld [tilespmem:s3+$0x3E70];
	_ =	sdelay $0x7  }
0x86: {  	[tilespmem:v2+s26+$0x0] =	vst.idx.add.f32.msk $0xffff, v1  }
0x87: {  	v2 =	vld [tilespmem:s3+$0x3E80];
	_ =	sdelay $0x7  }
0x88: {  	[tilespmem:v2+s26+$0x0] =	vst.idx.add.f32.msk $0xffff, v1  }
0x89: {  	v2 =	vld [tilespmem:s3+$0x3E90];
	_ =	sdelay $0x7  }
0x8a: {  	[tilespmem:v2+s26+$0x0] =	vst.idx.add.f32.msk $0xffff, v1  }
0x8b: {  	v2 =	vld [tilespmem:s3+$0x3EA0];
	_ =	sdelay $0x7  }
0x8c: {  	[tilespmem:v2+s26+$0x0] =	vst.idx.add.f32.msk $0xffff, v1  }
0x8d: {  	v2 =	vld [tilespmem:s3+$0x3EB0];
	_ =	sdelay $0x7  }
0x8e: {  	[tilespmem:v2+s26+$0x0] =	vst.idx.add.f32.msk $0xffff, v1  }
0x8f: {  	v2 =	vld [tilespmem:s3+$0x3EC0];
	_ =	sdelay $0x7  }
0x90: {  	[tilespmem:v2+s26+$0x0] =	vst.idx.add.f32.msk $0xffff, v1  }
0x91: {  	v2 =	vld [tilespmem:s3+$0x3ED0];
	_ =	sdelay $0x7  }
0x92: {  	[tilespmem:v2+s26+$0x0] =	vst.idx.add.f32.msk $0xffff, v1  }
0x93: {  	v2 =	vld [tilespmem:s3+$0x3EE0];
	_ =	sdelay $0x7  }
0x94: {  	[tilespmem:v2+s26+$0x0] =	vst.idx.add.f32.msk $0xffff, v1  }
0x95: {  	v2 =	vld [tilespmem:s3+$0x3EF0];
	_ =	sdelay $0x7  }
0x96: {  	[tilespmem:v2+s26+$0x0] =	vst.idx.add.f32.msk $0xffff, v1  }
0x97: {  	_ =	swait.ge [sflag:s28], $0x2000  }
0x98: {  	[sflag:s28] =	ssyncset.done $0x0  }
0x99: {  	s1 =	sadd.s32 $0x3E00, s3;
	[sflag:s28] =	ssyncadd.s32 $0xFFFFE000  }
0x9a: {  	[spmem:s2] =	stream.indirect.scatter.add.f32 [tilespmem:s23], [sflag:$0x3], $0x40, s1, s22, $0xb8;
	[tilespmem:$0x1A180] =	vst v63  }
0x9b: {  	p0 =	sge.u32 s8, s6;
	s16 =	simm.s32 $0x2;
	_ =	swait.ge [sflag:s19], $0x2000  }
0x9c: {  	s7 =	sshra.s32 @!p0 s7, $0x2;
	s8 =	simm.s32 @!p0 $0x80;
	[sflag:s19] =	ssyncset.done $0x0  }
0x9d: {  	s15 =	simm.s32 @!p0 $0x7C00;
	s7 =	sadd.s32 @!p0 $0x100, s7;
	[sflag:s19] =	ssyncadd.s32 $0xFFFFE000  }
0x9e: {  	[tilespmem:s15], [sflag:$0x1] =	stream.indirect.gather @!p0 [hbm4b:s4+s8], $0x40, s7, s8, $0xb8;
	[tilespmem:$0x1A180] =	vst v63  }
0x9f: {  	_ =	swait.ge [sflag:s16], $0x2000  }
0xa0: {  	[sflag:s16] =	ssyncset.done $0x0  }
0xa1: {  	s17 =	sadd.s32 $0x3E80, s3;
	s3 =	simm.s32 $0x80;
	[sflag:s16] =	ssyncadd.s32 $0xFFFFE000  }
0xa2: {  	[spmem:s2] =	stream.indirect.scatter.add.f32 [tilespmem:s24], [sflag:$0x3], $0x40, s17, s3, $0xb8;
	[tilespmem:$0x1A180] =	vst v63  }
0xa3: {  	_ =	swait.ge [sflag:s19], $0x2000  }
0xa4: {  	[sflag:s19] =	ssyncset.done $0x0  }
0xa5: {  	s10 =	rddreg [dreg:$0x8];
	[sflag:s19] =	ssyncadd.s32 $0xFFFFE000  }
0xa6: {  	[hbm4b:s10+s11] =	stream.linear.scatter [tilespmem:s26], [sflag:$0x3], $0x2780, $0x38;
	[tilespmem:$0x1A180] =	vst v63  }
0xa7: {  	_ =	swait.ge [sflag:s19], $0x2780  }
0xa8: {  	[sflag:s19] =	ssyncset.done $0x0  }
0xa9: {  	[sflag:s19] =	ssyncadd.s32 $0xFFFFD880  }
0xaa: {  	s10 =	stileid.u32;
	[bflag:$0x0] =	sbarrier.arrive $0xFFFF  }
0xab: {  	s16 =	sshll.u32 s10, $0x6;
	s14 =	rddreg [dreg:$0x5]  }
0xac: {  	s10 =	simm.s32 $0x10;
	s16 =	sor.u32 $0x1C03, s16;
	s25 =	rddreg [dreg:$0x9]  }
0xad: {  	s30 =	sadd.s32 s14, s25;
	s25 =	sshrl.u32 s9, $0x3;
	s14 =	simm.s32 $0x8  }
0xae: {  	[hbm:s30@s10], [sflag:s16] =	dma.strided [spmem:s25@s14], $0x13C0, s28, $0x8   }
0xaf: {  	_ =	swait.ge [sflag:s19], $0x13C0  }
0xb0: {  	[sflag:s19] =	ssyncset.done $0x0  }
0xb1: {  	[sflag:s19] =	ssyncadd.s32 $0xFFFFEC40  }
0xb2: {  	[bflag:$0x0] =	sbarrier.arrive $0xFFFF  }
0xb3: {  	[spmem:s9] =	stream.linear.scatter [tilespmem:s21], [sflag:$0x3], $0x2000, $0x38;
	[tilespmem:$0x1A180] =	vst v63  }
0xb4: {  	_ =	swait.ge [sflag:s19], $0x2000  }
0xb5: {  	[sflag:s19] =	ssyncset.done $0x0  }
0xb6: {  	[sflag:s19] =	ssyncadd.s32 $0xFFFFE000  }
0xb7: {  	[spmem:s13] =	stream.linear.scatter [tilespmem:s21], [sflag:$0x3], $0x2000, $0x38;
	[tilespmem:$0x1A180] =	vst v63  }
0xb8: {  	_ =	swait.ge [sflag:s19], $0x2000  }
0xb9: {  	[sflag:s19] =	ssyncset.done $0x0  }
0xba: {  	[sflag:s19] =	ssyncadd.s32 $0xFFFFE000  }
0xbb: {  	[spmem:s31] =	stream.linear.scatter [tilespmem:s21], [sflag:$0x3], $0x2000, $0x38;
	[tilespmem:$0x1A180] =	vst v63  }
0xbc: {  	_ =	swait.ge [sflag:s19], $0x2000  }
0xbd: {  	[sflag:s19] =	ssyncset.done $0x0  }
0xbe: {  	s14 =	smov.u32 s13;
	s13 =	rddreg [dreg:$0x6];
	[sflag:s19] =	ssyncadd.s32 $0xFFFFE000  }
0xbf: {  	[spmem:s13] =	stream.linear.scatter [tilespmem:s21], [sflag:$0x3], $0x2000, $0x38;
	[tilespmem:$0x1A180] =	vst v63  }
0xc0: {  	_ =	swait.ge [sflag:s19], $0x2000  }
0xc1: {  	[sflag:s19] =	ssyncset.done $0x0  }
0xc2: {  	s13 =	rddreg [dreg:$0x7];
	[sflag:s19] =	ssyncadd.s32 $0xFFFFE000  }
0xc3: {  	[spmem:s13] =	stream.linear.scatter [tilespmem:s21], [sflag:$0x3], $0x1E00, $0x38;
	[tilespmem:$0x1A180] =	vst v63  }
0xc4: {  	_ =	swait.ge [sflag:s19], $0x1E00  }
0xc5: {  	[sflag:s19] =	ssyncset.done $0x0  }
0xc6: {  	[sflag:s19] =	ssyncadd.s32 $0xFFFFE200  }
0xc7: {  	[bflag:$0x0] =	sbarrier.arrive $0xFFFF  }
0xc8: {  	[tilespmem:s23], [sflag:$0x1] =	stream.indirect.gather [hbm4b:s5+s3], $0x40, s11, s3, $0xb8;
	[tilespmem:$0x1A180] =	vst v63  }
0xc9: {  	_ = 	snop  }
0xca: {  	[tilespmem:s24], [sflag:$0x2] =	stream.indirect.gather [hbm4b:s5+s22], $0x40, s3, s22, $0xb8;
	[tilespmem:$0x1A180] =	vst v63  }
0xcb: {  	_ =	swait.ge [sflag:s28], $0x2000  }
0xcc: {  	[sflag:s28] =	ssyncset.done $0x0  }
0xcd: {  	p1 =	sle.u32 s6, $0x2;
	s30 =	simm.s32 $0x3E00;
	[sflag:s28] =	ssyncadd.s32 $0xFFFFE000  }
0xce: {  	[spmem:s2] =	stream.indirect.scatter.add.f32 [tilespmem:s23], [sflag:$0x3], $0x40, s30, s22, $0xb8;
	[tilespmem:$0x1A180] =	vst v63  }
0xcf: {  	s12 =	sadd.s32 $0xFFFFFFFF, s12;
	s8 =	smov.u32 s9;
	_ =	swait.ge [sflag:s19], $0x2000  }
0xd0: {  	s10 =	simm.s32 @!p1 $0x7C00;
	s9 =	smov.u32 s31;
	[sflag:s19] =	ssyncset.done $0x0  }
0xd1: {  	s31 =	simm.s32 @!p1 $0x80;
	s3 =	simm.s32 @!p1 $0x100;
	[sflag:s19] =	ssyncadd.s32 $0xFFFFE000  }
0xd2: {  	[tilespmem:s10], [sflag:$0x1] =	stream.indirect.gather @!p1 [hbm4b:s5+s31], $0x40, s3, s31, $0xb8;
	[tilespmem:$0x1A180] =	vst v63  }
0xd3: {  	p1 =	sne.s32 s12, $0x0  }
.Ltmp3:
0xd4: {  	_ =	swait.ge [sflag:s29], $0x2000;
	(pc) =	sbr.rel @!p1 .LBB2_9-.Ltmp3, $4  }
0xd5: {  	[sflag:s29] =	ssyncset.done $0x0  }
0xd6: {  	s13 =	simm.s32 $0x3E80;
	[sflag:s29] =	ssyncadd.s32 $0xFFFFE000  }
0xd7: {  	[spmem:s2] =	stream.indirect.scatter.add.f32 [tilespmem:s24], [sflag:$0x3], $0x40, s13, s22, $0xb8;
	[tilespmem:$0x1A180] =	vst v63  }
0xd8: {  	s31 =	simm.s32 $0x180;
	s3 =	simm.s32 $0x4;
	_ =	swait.ge [sflag:s19], $0x2000  }
.LBB2_8:
0xd9: {  	s12 =	sadd.s32 $0xFFFFFFFF, s12;
	[sflag:s19] =	ssyncset.done $0x0;
	s30 =	sadd.s32 $0x100, s30  }
0xda: {  	p1 =	sne.s32 s12, $0x0;
	[sflag:s19] =	ssyncadd.s32 $0xFFFFE000  }
0xdb: {  	[tilespmem:s24], [sflag:$0x2] =	stream.indirect.gather [hbm4b:s5+s22], $0x40, s31, s22, $0xb8;
	[tilespmem:$0x1A180] =	vst v63  }
0xdc: {  	_ =	swait.ge [sflag:s28], $0x2000  }
0xdd: {  	[sflag:s28] =	ssyncset.done $0x0  }
0xde: {  	[sflag:s28] =	ssyncadd.s32 $0xFFFFE000  }
0xdf: {  	[spmem:s2] =	stream.indirect.scatter.add.f32 [tilespmem:s23], [sflag:$0x3], $0x40, s30, s22, $0xb8;
	[tilespmem:$0x1A180] =	vst v63  }
0xe0: {  	p2 =	sge.u32 s3, s6;
	_ =	swait.ge [sflag:s19], $0x2000  }
0xe1: {  	s10 =	sadd.s32 @!p2 $0x80, s31;
	s11 =	simm.s32 @!p2 $0x80;
	[sflag:s19] =	ssyncset.done $0x0  }
0xe2: {  	s13 =	simm.s32 @!p2 $0x7C00;
	[sflag:s19] =	ssyncadd.s32 $0xFFFFE000  }
0xe3: {  	[tilespmem:s13], [sflag:$0x1] =	stream.indirect.gather @!p2 [hbm4b:s5+s11], $0x40, s10, s11, $0xb8;
	[tilespmem:$0x1A180] =	vst v63  }
.Ltmp4:
0xe4: {  	_ =	swait.ge [sflag:s29], $0x2000;
	(pc) =	sbr.rel @p1 .LBB2_8-.Ltmp4, $4  }
0xe5: {  	s10 =	sadd.s32 $0x80, s30;
	[sflag:s29] =	ssyncset.done $0x0  }
0xe6: {  	[sflag:s29] =	ssyncadd.s32 $0xFFFFE000  }
0xe7: {  	[spmem:s2] =	stream.indirect.scatter.add.f32 [tilespmem:s24], [sflag:$0x3], $0x40, s10, s22, $0xb8;
	[tilespmem:$0x1A180] =	vst v63  }
0xe8: {  	s3 =	sadd.s32 $0x2, s3;
	s31 =	sadd.s32 $0x100, s31;
	_ =	swait.ge [sflag:s19], $0x2000  }
.LBB2_9:
0xe9: {  	[sflag:s19] =	ssyncset.done $0x0  }
0xea: {  	[sflag:s19] =	ssyncadd.s32 $0xFFFFE000  }
0xeb: {  	[tilespmem:s24], [sflag:$0x2] =	stream.indirect.gather [hbm4b:s5+s22], $0x40, s20, s22, $0xb8;
	[tilespmem:$0x1A180] =	vst v63  }
0xec: {  	_ =	swait.ge [sflag:s28], $0x2000  }
0xed: {  	[sflag:s28] =	ssyncset.done $0x0  }
0xee: {  	[sflag:s28] =	ssyncadd.s32 $0xFFFFE000  }
0xef: {  	[spmem:s2] =	stream.indirect.scatter.add.f32 [tilespmem:s23], [sflag:$0x3], $0x40, s1, s22, $0xb8;
	[tilespmem:$0x1A180] =	vst v63  }
0xf0: {  	_ =	swait.ge [sflag:s19], $0x2000  }
0xf1: {  	[sflag:s19] =	ssyncset.done $0x0  }
0xf2: {  	s1 =	simm.s32 @!p0 $0x80;
	[sflag:s19] =	ssyncadd.s32 $0xFFFFE000  }
0xf3: {  	[tilespmem:s15], [sflag:$0x1] =	stream.indirect.gather @!p0 [hbm4b:s5+s1], $0x40, s7, s1, $0xb8;
	[tilespmem:$0x1A180] =	vst v63  }
0xf4: {  	_ =	swait.ge [sflag:s29], $0x2000  }
0xf5: {  	[sflag:s29] =	ssyncset.done $0x0  }
0xf6: {  	[sflag:s29] =	ssyncadd.s32 $0xFFFFE000  }
0xf7: {  	[spmem:s2] =	stream.indirect.scatter.add.f32 [tilespmem:s24], [sflag:$0x3], $0x40, s17, s22, $0xb8;
	[tilespmem:$0x1A180] =	vst v63  }
0xf8: {  	_ =	swait.ge [sflag:s19], $0x2000  }
0xf9: {  	[sflag:s19] =	ssyncset.done $0x0  }
0xfa: {  	[sflag:s19] =	ssyncadd.s32 $0xFFFFE000  }
0xfb: {  	[bflag:$0x0] =	sbarrier.arrive $0xFFFF  }
0xfc: {  	s3 =	simm.s32 $0x10;
	s20 =	simm.s32 $0x8;
	s17 =	rddreg [dreg:$0xb]  }
0xfd: {  	[hbm:s17@s3], [sflag:s16] =	dma.strided [spmem:s25@s20], $0x13C0, s28, $0x8   }
0xfe: {  	_ =	swait.ge [sflag:s19], $0x13C0  }
0xff: {  	s0 =	sadd.s32 $0x1, s0;
	s30 =	rddreg [dreg:$0xa]  }
0x100: {  	p0 =	sne.s32 s0, s30  }
.Ltmp5:
0x101: {  	_ = 	snop;
	(pc) =	sbr.rel @p0 .LBB2_1-.Ltmp5, $4  }
0x102: {  	[sflag:s19] =	ssyncset.done $0x0  }
0x103: {  	[sflag:s19] =	ssyncadd.s32 $0xFFFFEC40  }
0x104: {  	s11 =	simm.s32 $0x0;
	[bflag:$0x0] =	sbarrier.arrive $0xFFFF  }
0x105: {  	s13 =	smov.u32 s14;
	s31 =	smov.u32 s9;
	s9 =	smov.u32 s8  }
0x106: {  	_ =	sfence.sel $0x180000  }
0x107: {  	[bflag:$0x0] =	sbarrier.arrive $0xFFFF  }
0x108: {  	_ =	strace $0x90000047  }
0x109: {  	s0 =	stileid.u32;
	[bflag:$0x2] =	sbarrier.arrive $0xFFFF  }
0x10a: {  	p0 =	sne.s32 s0, $0x0;
	s0 =	rddreg [dreg:$0x2]  }
0x10b: {  	s0 =	sadd.s32 @!p0 $0x100000, s0  }
0x10c: {  	[sflag:s0] =	ssyncadd.tile.s32 @!p0 $0x1;
	_ =	shalt  }
.Lfunc_end2:
_tile_overlayer_lowered:
.L_overlay_start_2:
0x10d: {  	(tag) =	ssettag $0x2  }
0x10e: {  	s0 =	rddreg [dreg:$0x0];
	s2 =	stileid.u32  }
0x10f: {  	s1 =	rddreg [dreg:$0x1];
	p0 =	sne.s32 s2, $0x0  }
0x110: {  	s3 =	rddreg [dreg:$0x2];
	[bflag:$0x3] =	sbarrier.arrive $0xFFFF;
	s2 =	simm.s32 @!p0 $0x1C03  }
0x111: {  	[timem:s3], [sflag:s2] =	dma.local @!p0 [hbm:s0], s1  }
0x112: {  	s0 =	simm.s32 @!p0 $0x3  }
0x113: {  	_ =	swait.ge @!p0 [sflag:s0], s1  }
0x114: {  	s1 =	ssub.s32 @!p0 $0x0, s1;
	[sflag:s0] =	ssyncset.done @!p0 $0x0  }
0x115: {  	[sflag:s0] =	ssyncadd.s32 @!p0 s1  }
0x116: {  	[bflag:$0x3] =	sbarrier.arrive $0xFFFF  }
0x117: {  	_ =	shalt  }

// kernel: kernel.9.cloned.1.call-start
scs
__scs_entry_jumppad:
0x0: {  	(pc) =	sbr.rel $0x88, $3  }
0x1: {  	(tag) =	ssettag $0x0;
	lr =	simm.s32 $0x1  }
0x2: {  	[smem:$0x3F95] =	sst lr;
	_ =	strace $0xD0000000  }
0x3: {  	_ = 	snop  }
0x4: {  	_ = 	snop  }
0x5: {  	_ = 	snop  }
0x6: {  	_ = 	snop  }
0x7: {  	_ = 	snop  }
__scs_overlays_trampoline_lowered:
0x8: {  	[smem:$0x3FA4] =	sst s0  }
0x9: {  	[smem:$0x3FA5] =	sst s1  }
0xa: {  	[smem:$0x3FA6] =	sst s2  }
0xb: {  	[smem:$0x3FA7] =	sst s3  }
0xc: {  	[smem:$0x3FA8] =	sst s4  }
0xd: {  	[smem:$0x3FA9] =	sst s5  }
0xe: {  	[smem:$0x3FAA] =	sst s6  }
0xf: {  	[smem:$0x3FAB] =	sst s7  }
0x10: {  	[smem:$0x3FAC] =	sst s8  }
0x11: {  	[smem:$0x3FAD] =	sst s9;
	s0 =	simm.s32 @!p0 $0x0  }
0x12: {  	s1 =	sld [smem:$0x3F93];
	s0 =	simm.s32 @p0 $0x1  }
0x13: {  	[smem:$0x3FAE] =	sst s0;
	s0 =	simm.s32 @!p1 $0x0  }
0x14: {  	s2 =	sld [smem:$0x3F92];
	s0 =	simm.s32 @p1 $0x1  }
0x15: {  	[smem:$0x3FAF] =	sst s0;
	s0 =	simm.s32 @!p2 $0x0  }
0x16: {  	s3 =	sld [smem:$0x3FDB];
	s0 =	simm.s32 @p2 $0x1  }
0x17: {  	s4 =	simm.s32 $0x1BF5;
	[smem:$0x3FB1] =	sst s0  }
0x18: {  	s0 =	sld [smem:$0x3F94];
	_ =	swait.ge [sflag:s4], $0x0  }
0x19: {  	s7 =	sld [smem:$0x3F95]  }
0x1a: {  	s8 =	sadd.s32 $0xFFFFE003, lr  }
0x1b: {  	s9 =	sadd.s32 $0xFFFFFEF7, lr;
	s5 =	simm.s32 $0xFFFFFFFF;
	p2 =	slt.u32 s8, $0xFFFFF086  }
0x1c: {  	p1 =	slt.u32 s9, $0xF7A;
	s5 =	simm.s32 @!p2 $0x0  }
0x1d: {  	s5 =	simm.s32 @p1 $0x1;
	p0 =	seq.s32 s7, s2  }
0x1e: {  	s7 =	smul.u32 @!p0 $0xF7A, s2;
	p2 =	seq.s32 @!p0 s5, $0x0  }
0x1f: {  	s9 =	smul.u32 $0xF7A, s1;
	s8 =	simm.s32 @!p0 $0x1BF5;
	p2 =	por !p2, p0  }
0x20: {  	[sflag:s8] =	ssyncset.s32 @!p0 $0xFFFFF086;
	s6 =	sadd.s32 @!p0 s3, s7;
	s7 =	simm.s32 @!p0 $0x108  }
0x21: {  	s3 =	sadd.s32 s3, s9;
	s6 =	sadd.s32 @!p0 $0x88, s6;
	s7 =	simm.s32 @p2 $0x1082  }
0x22: {  	[simem:s7], [sflag:s8] =	dma.local @!p0 [hbm:s6], $0xF7A  }
0x23: {  	s9 =	sor.u32 $0xD0000000, s2;
	s6 =	simm.s32 $0x108;
	_ =	swait.ge @!p0 [sflag:s8], $0x0  }
0x24: {  	s3 =	sadd.s32 $0x88, s3;
	s6 =	simm.s32 @!p1 $0x1082;
	[sflag:s4] =	ssyncset.s32 $0xFFFFF086  }
0x25: {  	[simem:s6], [sflag:s4] =	dma.local [hbm:s3], $0xF7A  }
0x26: {  	[smem:$0x3F95] =	sst s1;
	(tag) =	ssettag s2;
	_ =	strace s9  }
0x27: {  	s1 =	sld [smem:$0x3FA5]  }
0x28: {  	s2 =	sld [smem:$0x3FA6]  }
0x29: {  	s4 =	sld [smem:$0x3FA8]  }
0x2a: {  	p0 =	seq.s32 s5, $0x0;
	s5 =	sld [smem:$0x3FA9]  }
0x2b: {  	s6 =	sld [smem:$0x3FAA]  }
0x2c: {  	s7 =	sld [smem:$0x3FAB]  }
0x2d: {  	s3 =	simm.s32 $0x108;
	s8 =	sld [smem:$0x3FAC]  }
0x2e: {  	s3 =	simm.s32 @!p0 $0x1082;
	s9 =	sld [smem:$0x3FAD]  }
0x2f: {  	lr =	sadd.s32 s0, s3;
	s0 =	sld [smem:$0x3FA4]  }
0x30: {  	s3 =	sld [smem:$0x3FA7]  }
0x31: {  	[smem:$0x3FB0] =	sst s10  }
0x32: {  	s10 =	sld [smem:$0x3FAE];
	_ =	sdelay $0x3  }
0x33: {  	p0 =	seq.s32 s10, $0x1;
	s10 =	sld [smem:$0x3FB0];
	_ =	sdelay $0x3  }
0x34: {  	[smem:$0x3FB0] =	sst s10  }
0x35: {  	s10 =	sld [smem:$0x3FAF];
	_ =	sdelay $0x3  }
0x36: {  	p1 =	seq.s32 s10, $0x1;
	s10 =	sld [smem:$0x3FB0];
	_ =	sdelay $0x3  }
0x37: {  	[smem:$0x3FB0] =	sst s10  }
0x38: {  	s10 =	sld [smem:$0x3FB1]  }
0x39: {  	_ = 	snop;
	(pc) =	sbr.ind lr, $3  }
0x3a: {  	_ = 	snop  }
0x3b: {  	_ = 	snop  }
0x3c: {  	p2 =	seq.s32 s10, $0x1;
	s10 =	sld [smem:$0x3FB0]  }
0x3d: {  	_ =	shalt  }
0x3e: {  	_ =	shalt  }
0x3f: {  	_ =	shalt  }
0x40: {  	_ =	shalt  }
0x41: {  	_ =	shalt  }
0x42: {  	_ =	shalt  }
0x43: {  	_ =	shalt  }
0x44: {  	_ =	shalt  }
0x45: {  	_ =	shalt  }
0x46: {  	_ =	shalt  }
0x47: {  	_ =	shalt  }
0x48: {  	_ =	shalt  }
0x49: {  	_ =	shalt  }
0x4a: {  	_ =	shalt  }
0x4b: {  	_ =	shalt  }
0x4c: {  	_ =	shalt  }
0x4d: {  	_ =	shalt  }
0x4e: {  	_ =	shalt  }
0x4f: {  	_ =	shalt  }
0x50: {  	_ =	shalt  }
0x51: {  	_ =	shalt  }
0x52: {  	_ =	shalt  }
0x53: {  	_ =	shalt  }
0x54: {  	_ =	shalt  }
0x55: {  	_ =	shalt  }
0x56: {  	_ =	shalt  }
0x57: {  	_ =	shalt  }
0x58: {  	_ =	shalt  }
0x59: {  	_ =	shalt  }
0x5a: {  	_ =	shalt  }
0x5b: {  	_ =	shalt  }
0x5c: {  	_ =	shalt  }
0x5d: {  	_ =	shalt  }
0x5e: {  	_ =	shalt  }
0x5f: {  	_ =	shalt  }
0x60: {  	_ =	shalt  }
0x61: {  	_ =	shalt  }
0x62: {  	_ =	shalt  }
0x63: {  	_ =	shalt  }
0x64: {  	_ =	shalt  }
0x65: {  	_ =	shalt  }
0x66: {  	_ =	shalt  }
0x67: {  	_ =	shalt  }
0x68: {  	_ =	shalt  }
0x69: {  	_ =	shalt  }
0x6a: {  	_ =	shalt  }
0x6b: {  	_ =	shalt  }
0x6c: {  	_ =	shalt  }
0x6d: {  	_ =	shalt  }
0x6e: {  	_ =	shalt  }
0x6f: {  	_ =	shalt  }
0x70: {  	_ =	shalt  }
0x71: {  	_ =	shalt  }
0x72: {  	_ =	shalt  }
0x73: {  	_ =	shalt  }
0x74: {  	_ =	shalt  }
0x75: {  	_ =	shalt  }
0x76: {  	_ =	shalt  }
0x77: {  	_ =	shalt  }
0x78: {  	_ =	shalt  }
0x79: {  	_ =	shalt  }
0x7a: {  	_ =	shalt  }
0x7b: {  	_ =	shalt  }
0x7c: {  	_ =	shalt  }
0x7d: {  	_ =	shalt  }
0x7e: {  	_ =	shalt  }
0x7f: {  	_ =	shalt  }
0x80: {  	_ =	shalt  }
0x81: {  	_ =	shalt  }
0x82: {  	_ =	shalt  }
0x83: {  	_ =	shalt  }
0x84: {  	_ =	shalt  }
0x85: {  	_ =	shalt  }
0x86: {  	_ =	shalt  }
0x87: {  	_ =	shalt  }
.Lfunc_end0:
.L_simem_size_0:
called_computation.1_lowered:
.L_overlay_start_0:
0x88: {  	s2 =	sld [smem:$0x3FD9]  }
0x89: {  	s3 =	sld [smem:$0x3FFE];
	_ =	sdelay $0x1  }
0x8a: {  	s1 =	srdreg.scid  }
0x8b: {  	s0 =	sand.u32 $0x1, s1  }
0x8c: {  	s16 =	sshll.u32 s0, $0xA;
	s2 =	sadd.s32 s3, s2  }
0x8d: {  	s2 =	sadd.s32 s2, s16  }
0x8e: {  	[smem:$0x3FBC] =	sst s2  }
0x8f: {  	_ = 	snop  }
0x90: {  	(tm) =	ssettm $0x1  }
0x91: {  	s17 =	sld [smem:$0x3FFB];
	_ =	sdelay $0x3  }
0x92: {  	_ =	strace s17  }
0x93: {  	s2 =	sld [smem:$0x3FFC];
	_ =	sdelay $0x3  }
0x94: {  	_ =	strace s2  }
0x95: {  	s2 =	sld [smem:$0x3FFD];
	_ =	sdelay $0x3  }
0x96: {  	_ =	strace s2  }
0x97: {  	_ =	strace $0x8FFFFFFF  }
0x98: {  	s18 =	sld [smem:$0x3FDB];
	_ =	sdelay $0x1  }
0x99: {  	s19 =	simm.s32 $_scs_section_size  }
0x9a: {  	s4 =	simm.s32 $_size__tile_overlayer_lowered;
	s5 =	simm.s32 $_tile_overlayer_lowered  }
0x9b: {  	s22 =	simm.s32 $0x1BFF;
	s21 =	sshll.u32 s5, $0x1;
	s2 =	sadd.s32 s19, s18  }
0x9c: {  	s6 =	simm.s32 $0x0;
	s20 =	sshll.u32 s4, $0x1;
	s4 =	sadd.s32 s21, s2  }
0x9d: {  	[timem:s6], [sflag:s22] =	dma.local [hbm:s4], s20  }
0x9e: {  	_ =	swait.ge [sflag:s22], s20  }
0x9f: {  	s3 =	ssub.s32 $0x0, s20;
	[sflag:s22] =	ssyncset.done $0x0  }
0xa0: {  	[sflag:s22] =	ssyncadd.s32 s3;
	_ =	sdelay $0x1  }
0xa1: {  	s23 =	simm.s32 $0x1B8B  }
0xa2: {  	_ =	swait.ge [sflag:s23], $0x1  }
0xa3: {  	[sflag:s23] =	ssyncset.done $0x0  }
0xa4: {  	s25 =	simm.s32 $0x1B8E;
	s24 =	sld [smem:$0x3FFE];
	[sflag:s23] =	ssyncadd.s32 $0xFFFFFFFF  }
0xa5: {  	s26 =	simm.s32 $execute0_lowered;
	[smem:$0x3FD2] =	sst s25  }
0xa6: {  	s4 =	sshll.u32 s26, $0x1;
	_ =	strace $0x80000049;
	[dreg:$0x1] =	wrdreg $0xFFFFFFFF  }
0xa7: {  	s28 =	simm.s32 $_size_execute0_lowered;
	s2 =	sadd.s32 s2, s4;
	[dreg:$0x0] =	wrdreg $0x0  }
0xa8: {  	s4 =	sshll.u32 s28, $0x1;
	[dreg:$0x2] =	wrdreg s2  }
0xa9: {  	[dreg:$0x3] =	wrdreg s4  }
0xaa: {  	[dreg:$0x4] =	wrdreg $0xC0  }
0xab: {  	_ =	task [dreg:s6], $0x5FFFF  }
0xac: {  	[dreg:$0x1] =	wrdreg $0xFFFFFFFF  }
0xad: {  	[dreg:$0x0] =	wrdreg $0x60  }
0xae: {  	[dreg:$0x2] =	wrdreg s24  }
0xaf: {  	[dreg:$0x3] =	wrdreg $0xD8000  }
0xb0: {  	[dreg:$0x4] =	wrdreg $0x9  }
0xb1: {  	_ =	task.clear_ibuf [dreg:s6], $0x5FFFF;
	_ =	strace $0x90000049  }
0xb2: {  	s29 =	simm.s32 $0x9;
	_ =	strace $0x8000004B  }
0xb3: {  	_ =	swait.ge [sflag:s29], $0x1  }
0xb4: {  	[sflag:s29] =	ssyncadd.s32 $0xFFFFFFFF  }
0xb5: {  	_ =	strace $0x9000004B  }
0xb6: {  	_ =	sfence  }
0xb7: {  	s30 =	sld [smem:$0x0];
	_ =	sdelay $0x2  }
0xb8: {  	s31 =	sshll.u32 s1, $0xD;
	s1 =	sshrl.u32 s1, $0x2  }
0xb9: {  	s3 =	sand.u32 $0x4000, s31;
	s1 =	sadd.s32 s1, s30  }
0xba: {  	s0 =	sor.u32 s3, s0;
	s1 =	sshll.u32 s1, $0x11  }
0xbb: {  	s0 =	sor.u32 s1, s0  }
0xbc: {  	s0 =	sadd.s32 $0x8F2B, s0  }
0xbd: {  	[sflag:s0] =	ssyncadd.remote.s32 $0x1  }
0xbe: {  	_ =	sfence.sel $0xFFFF  }
0xbf: {  	[dreg:$0x0] =	wrdreg $0xFFFFFFFF;
	(pc) =	sbr.abs _section_cstart, $3  }
0xc0: {  	[dreg:$0x1] =	wrdreg $0xFFFFFFFF  }
0xc1: {  	_ =	task.clear_ibuf [dreg:s6], $0x2FFFF;
	_ =	strace $0x9FFFFFFF  }
0xc2: {  	(tm) =	ssettm $0x7FFFFFFF  }
0xc3: {  	_ =	shalt  }
tec
execute0_lowered:
.L_overlay_start_1:
0x0: {  	(tag) =	ssettag $0x1  }
0x1: {  	s0 =	rddreg [dreg:$0x0]  }
0x2: {  	s2 =	rddreg [dreg:$0x1];
	s9 =	stileid.u32;
	s11 =	simm.s32 $0x0  }
0x3: {  	s1 =	srdreg.scid;
	s24 =	simm.s32 $0x80;
	s25 =	simm.s32 $0x7800  }
0x4: {  	s26 =	simm.s32 $0x9800;
	s28 =	simm.s32 $0x1;
	s3 =	smul.u32 $0x26, s9  }
0x5: {  	s30 =	simm.s32 $0x2;
	[smem:$0x7FF] =	sst s11;
	s5 =	smul.u32 $0x78, s9  }
0x6: {  	s1 =	sand.u32 $0x1, s1;
	s4 =	sadd.s32 $0x15A00, s0;
	s7 =	smul.u32 $0x27800, s9  }
0x7: {  	s19 =	smul.u32 $0x2780, s9;
	_ =	strace $0x8000004A;
	p0 =	seq.s32 s1, $0x0  }
0x8: {  	s6 =	smul.u32 $0x27800, s1;
	s1 =	ssub.s32 $0x2, s1;
	s3 =	sadd.s32 $0x780, s3  }
0x9: {  	s8 =	sshrl.u32 s1, $0x1;
	s7 =	sshrl.u32 s7, $0x2;
	[dreg:$0x6] =	wrdreg s19  }
0xa: {  	s31 =	sor.u32 $0x8, s19;
	s3 =	smov.u32 @p0 s5;
	s5 =	sadd.s32 $0x2000, s0  }
0xb: {  	s1 =	ssub.s32 s1, s8;
	s12 =	sadd.s32 s7, s2;
	s3 =	sshll.u32 s3, $0x4  }
0xc: {  	s14 =	sadd.s32 $0x2000, s12;
	s29 =	sadd.s32 $0x4000, s12;
	s17 =	sadd.s32 $0x6000, s12  }
0xd: {  	s20 =	sadd.s32 $0x8000, s12;
	s1 =	smax.u32 s1, $0x1;
	[dreg:$0x5] =	wrdreg s17  }
0xe: {  	s3 =	sadd.s32 s3, s0;
	s0 =	sadd.s32 s6, s0;
	[dreg:$0x7] =	wrdreg s20  }
0xf: {  	s6 =	simm.s32 $0x78;
	[dreg:$0x9] =	wrdreg s1;
	s15 =	sadd.s32 $0x33800, s3  }
0x10: {  	s20 =	simm.s32 $0x3;
	s3 =	sadd.s32 $0x29400, s3;
	[dreg:$0x3] =	wrdreg s15  }
0x11: {  	s6 =	simm.s32 @!p0 $0x26;
	s23 =	sadd.s32 $0x3DC00, s0;
	[dreg:$0x4] =	wrdreg s3  }
0x12: {  	s22 =	sshrl.u32 s6, $0x1;
	[dreg:$0x8] =	wrdreg s23;
	s0 =	sadd.s32 s23, s31  }
0x13: {  	v0 =	vimm.f32 $0.0e+00;
	s19 =	sadd.s32 $0xFFFFFFFF, s22;
	[dreg:$0xa] =	wrdreg s0;
	s22 =	simm.s32 $0x0  }
.LBB2_1:
0x14: {  	s0 =	rddreg [dreg:$0x3]  }
0x15: {  	[tilespmem:s11], [sflag:$0x3] =	stream.linear.gather [hbm4b:s0+s11], $0x3C00, $0x38;
	[tilespmem:$0x17600] =	vst v63  }
0x16: {  	_ =	swait.ge [sflag:s20], $0x3C00  }
0x17: {  	[sflag:s20] =	ssyncset.done $0x0  }
0x18: {  	s1 =	simm.s32 $0x3C00;
	s31 =	rddreg [dreg:$0x4];
	[sflag:s20] =	ssyncadd.s32 $0xFFFFC400  }
0x19: {  	[tilespmem:s1], [sflag:$0x3] =	stream.linear.gather [hbm4b:s31+s11], $0x3C00, $0x38;
	[tilespmem:$0x17600] =	vst v63  }
0x1a: {  	_ =	swait.ge [sflag:s20], $0x3C00  }
0x1b: {  	[sflag:s20] =	ssyncset.done $0x0  }
0x1c: {  	s0 =	simm.s32 $0x0;
	s1 =	simm.s32 $0x100;
	[sflag:s20] =	ssyncadd.s32 $0xFFFFC400  }
.LBB2_2:
0x1d: {  	p0 =	sne.s32 s1, $0x7F00;
	[tilespmem:s0+$0xB830] =	vst v0;
	s3 =	smov.u32 s1;
	s1 =	sadd.s32 $0x100, s1  }
.Ltmp0:
0x1e: {  	[tilespmem:s0+$0xB820] =	vst v0;
	(pc) =	sbr.rel @p0 .LBB2_2-.Ltmp0, $3  }
0x1f: {  	[tilespmem:s0+$0xB800] =	vst v0  }
0x20: {  	[tilespmem:s0+$0xB810] =	vst v0;
	_ =	sdelay $0x1  }
0x21: {  	s0 =	sshra.s32 s3, $0x2  }
0x22: {  	[tilespmem:s0+$0xB830] =	vst v0  }
0x23: {  	[tilespmem:s0+$0xB820] =	vst v0  }
0x24: {  	[tilespmem:s0+$0xB800] =	vst v0  }
0x25: {  	[tilespmem:s0+$0xB810] =	vst v0;
	s1 =	simm.s32 $0xB800  }
0x26: {  	[spmem:s12] =	stream.linear.scatter [tilespmem:s1], [sflag:$0x3], $0x2000, $0x38;
	[tilespmem:$0x17600] =	vst v63  }
0x27: {  	_ =	swait.ge [sflag:s20], $0x2000  }
0x28: {  	[sflag:s20] =	ssyncset.done $0x0  }
0x29: {  	[sflag:s20] =	ssyncadd.s32 $0xFFFFE000  }
0x2a: {  	[spmem:s14] =	stream.linear.scatter [tilespmem:s1], [sflag:$0x3], $0x2000, $0x38;
	[tilespmem:$0x17600] =	vst v63  }
0x2b: {  	_ =	swait.ge [sflag:s20], $0x2000  }
0x2c: {  	[sflag:s20] =	ssyncset.done $0x0  }
0x2d: {  	[sflag:s20] =	ssyncadd.s32 $0xFFFFE000  }
0x2e: {  	[spmem:s29] =	stream.linear.scatter [tilespmem:s1], [sflag:$0x3], $0x2000, $0x38;
	[tilespmem:$0x17600] =	vst v63  }
0x2f: {  	_ =	swait.ge [sflag:s20], $0x2000  }
0x30: {  	[sflag:s20] =	ssyncset.done $0x0  }
0x31: {  	s17 =	rddreg [dreg:$0x5];
	[sflag:s20] =	ssyncadd.s32 $0xFFFFE000  }
0x32: {  	[spmem:s17] =	stream.linear.scatter [tilespmem:s1], [sflag:$0x3], $0x2000, $0x38;
	[tilespmem:$0x17600] =	vst v63  }
0x33: {  	_ =	swait.ge [sflag:s20], $0x2000  }
0x34: {  	[sflag:s20] =	ssyncset.done $0x0  }
0x35: {  	p1 =	sne.s32 s19, $0x1;
	s23 =	rddreg [dreg:$0x7];
	[sflag:s20] =	ssyncadd.s32 $0xFFFFE000  }
0x36: {  	[spmem:s23] =	stream.linear.scatter [tilespmem:s1], [sflag:$0x3], $0x1E00, $0x38;
	[tilespmem:$0x17600] =	vst v63  }
.Ltmp1:
0x37: {  	_ =	swait.ge [sflag:s20], $0x1E00;
	(pc) =	sbr.rel @!p1 .LBB2_4-.Ltmp1, $4  }
0x38: {  	s31 =	simm.s32 $0x0;
	[sflag:s20] =	ssyncset.done $0x0  }
0x39: {  	s13 =	simm.s32 $0x100;
	s8 =	simm.s32 $0x2;
	[sflag:s20] =	ssyncadd.s32 $0xFFFFE200  }
0x3a: {  	s0 =	simm.s32 $0x3C80;
	p0 =	por $0x0, $0x0;
	[bflag:$0x0] =	sbarrier.arrive $0xFFFF  }
0x3b: {  	[tilespmem:s25], [sflag:$0x1] =	stream.indirect.gather [hbm4b:s4+s24], $0x40, s31, s24, $0xb8;
	[tilespmem:$0x17600] =	vst v63  }
0x3c: {  	s1 =	simm.s32 $0x80  }
0x3d: {  	[tilespmem:s26], [sflag:$0x2] =	stream.indirect.gather [hbm4b:s4+s24], $0x40, s1, s24, $0xb8;
	[tilespmem:$0x17600] =	vst v63  }
0x3e: {  	_ =	swait.ge [sflag:s28], $0x2000  }
0x3f: {  	[sflag:s28] =	ssyncset.done $0x0  }
0x40: {  	s31 =	simm.s32 $0x3C00;
	[sflag:s28] =	ssyncadd.s32 $0xFFFFE000  }
0x41: {  	[spmem:s2] =	stream.indirect.scatter.add.f32 [tilespmem:s25], [sflag:$0x3], $0x40, s31, s24, $0xb8;
	[tilespmem:$0x17600] =	vst v63  }
0x42: {  	_ =	swait.ge [sflag:s20], $0x2000  }
0x43: {  	p0 =	sle.u32 s6, $0x2;
	[sflag:s20] =	ssyncset.done $0x0  }
0x44: {  	s1 =	simm.s32 @!p0 $0x80;
	s3 =	simm.s32 @!p0 $0x7800;
	[sflag:s20] =	ssyncadd.s32 $0xFFFFE000  }
0x45: {  	[tilespmem:s3], [sflag:$0x1] =	stream.indirect.gather @!p0 [hbm4b:s4+s1], $0x40, s13, s1, $0xb8;
	[tilespmem:$0x17600] =	vst v63  }
0x46: {  	p1 =	sne.s32 s19, $0x2;
	_ =	swait.ge [sflag:s30], $0x2000  }
.Ltmp2:
0x47: {  	[sflag:s30] =	ssyncset.done $0x0;
	(pc) =	sbr.rel @!p1 .LBB2_8-.Ltmp2, $4  }
0x48: {  	s15 =	simm.s32 $0x4;
	s1 =	simm.s32 $0x2;
	[sflag:s30] =	ssyncadd.s32 $0xFFFFE000  }
0x49: {  	[spmem:s2] =	stream.indirect.scatter.add.f32 [tilespmem:s26], [sflag:$0x3], $0x40, s0, s24, $0xb8;
	[tilespmem:$0x17600] =	vst v63  }
0x4a: {  	s3 =	simm.s32 $0x2;
	s13 =	simm.s32 $0x200;
	_ =	swait.ge [sflag:s20], $0x2000  }
0x4b: {  	p0 =	por $0x1, $0x1;
	s0 =	simm.s32 $0x3D80;
	[sflag:s20] =	ssyncset.done $0x0  }
.LBB2_6:
0x4c: {  	s1 =	sadd.s32 $0x1, s1;
	s9 =	sadd.s32 $0xFFFFFF80, s13;
	[sflag:s20] =	ssyncadd.s32 $0xFFFFE000  }
0x4d: {  	[tilespmem:s26], [sflag:$0x2] =	stream.indirect.gather [hbm4b:s4+s24], $0x40, s9, s24, $0xb8;
	[tilespmem:$0x17600] =	vst v63  }
0x4e: {  	p1 =	sne.s32 s19, s1;
	_ =	swait.ge [sflag:s28], $0x2000  }
0x4f: {  	[sflag:s28] =	ssyncset.done $0x0  }
0x50: {  	s9 =	sadd.s32 $0xFFFFFF80, s0;
	[sflag:s28] =	ssyncadd.s32 $0xFFFFE000  }
0x51: {  	[spmem:s2] =	stream.indirect.scatter.add.f32 [tilespmem:s25], [sflag:$0x3], $0x40, s9, s24, $0xb8;
	[tilespmem:$0x17600] =	vst v63  }
0x52: {  	_ =	swait.ge [sflag:s20], $0x2000  }
0x53: {  	p2 =	sge.u32 s15, s6;
	[sflag:s20] =	ssyncset.done $0x0  }
0x54: {  	s10 =	simm.s32 @!p2 $0x7800;
	s9 =	simm.s32 @!p2 $0x80;
	[sflag:s20] =	ssyncadd.s32 $0xFFFFE000  }
0x55: {  	[tilespmem:s10], [sflag:$0x1] =	stream.indirect.gather @!p2 [hbm4b:s4+s9], $0x40, s13, s9, $0xb8;
	[tilespmem:$0x17600] =	vst v63  }
0x56: {  	_ =	swait.ge [sflag:s30], $0x2000  }
.Ltmp3:
0x57: {  	s16 =	sadd.s32 $0x100, s0;
	[sflag:s30] =	ssyncset.done $0x0;
	(pc) =	sbr.rel @p1 .LBB2_6-.Ltmp3, $4  }
0x58: {  	s18 =	sadd.s32 $0x1, s3;
	s21 =	sadd.s32 $0x100, s13;
	[sflag:s30] =	ssyncadd.s32 $0xFFFFE000  }
0x59: {  	[spmem:s2] =	stream.indirect.scatter.add.f32 [tilespmem:s26], [sflag:$0x3], $0x40, s0, s24, $0xb8;
	[tilespmem:$0x17600] =	vst v63  }
0x5a: {  	s15 =	sadd.s32 $0x2, s15;
	s3 =	smov.u32 s18;
	_ =	swait.ge [sflag:s20], $0x2000  }
0x5b: {  	s13 =	smov.u32 s21;
	s0 =	smov.u32 s16;
	[sflag:s20] =	ssyncset.done $0x0  }
0x5c: {  	s13 =	smov.u32 s21;
	s0 =	smov.u32 s16  }
.LBB2_8:
0x5d: {  	s1 =	sadd.s32 $0xFFFFFF80, s13;
	[sflag:s20] =	ssyncadd.s32 @p0 $0xFFFFE000  }
0x5e: {  	[tilespmem:s26], [sflag:$0x2] =	stream.indirect.gather [hbm4b:s4+s24], $0x40, s1, s24, $0xb8;
	[tilespmem:$0x17600] =	vst v63  }
0x5f: {  	_ =	swait.ge [sflag:s28], $0x2000  }
0x60: {  	[sflag:s28] =	ssyncset.done $0x0  }
0x61: {  	s9 =	sadd.s32 $0xFFFFFF80, s0;
	[sflag:s28] =	ssyncadd.s32 $0xFFFFE000  }
0x62: {  	[spmem:s2] =	stream.indirect.scatter.add.f32 [tilespmem:s25], [sflag:$0x3], $0x40, s9, s24, $0xb8;
	[tilespmem:$0x17600] =	vst v63  }
0x63: {  	_ =	swait.ge [sflag:s20], $0x2000  }
0x64: {  	p0 =	sge.u32 s15, s6;
	[sflag:s20] =	ssyncset.done $0x0  }
0x65: {  	s1 =	simm.s32 @!p0 $0x80;
	s3 =	simm.s32 @!p0 $0x7800;
	[sflag:s20] =	ssyncadd.s32 $0xFFFFE000  }
0x66: {  	[tilespmem:s3], [sflag:$0x1] =	stream.indirect.gather @!p0 [hbm4b:s4+s1], $0x40, s13, s1, $0xb8;
	[tilespmem:$0x17600] =	vst v63  }
0x67: {  	_ =	swait.ge [sflag:s30], $0x2000  }
0x68: {  	[sflag:s30] =	ssyncset.done $0x0  }
0x69: {  	[sflag:s30] =	ssyncadd.s32 $0xFFFFE000  }
0x6a: {  	[spmem:s2] =	stream.indirect.scatter.add.f32 [tilespmem:s26], [sflag:$0x3], $0x40, s0, s24, $0xb8;
	[tilespmem:$0x17600] =	vst v63  }
0x6b: {  	_ =	swait.ge [sflag:s20], $0x2000  }
0x6c: {  	[sflag:s20] =	ssyncset.done $0x0  }
0x6d: {  	s1 =	sadd.s32 $0x80, s21;
	[sflag:s20] =	ssyncadd.s32 $0xFFFFE000  }
0x6e: {  	[tilespmem:s26], [sflag:$0x2] =	stream.indirect.gather [hbm4b:s4+s24], $0x40, s1, s24, $0xb8;
	[tilespmem:$0x17600] =	vst v63  }
0x6f: {  	_ =	swait.ge [sflag:s28], $0x2000  }
0x70: {  	[sflag:s28] =	ssyncset.done $0x0  }
0x71: {  	s9 =	sadd.s32 $0x80, s16;
	[sflag:s28] =	ssyncadd.s32 $0xFFFFE000  }
0x72: {  	[spmem:s2] =	stream.indirect.scatter.add.f32 [tilespmem:s25], [sflag:$0x3], $0x40, s9, s24, $0xb8;
	[tilespmem:$0x17600] =	vst v63  }
0x73: {  	s10 =	sadd.s32 $0x2, s15;
	_ =	swait.ge [sflag:s20], $0x2000  }
0x74: {  	s17 =	sadd.s32 $0x100, s13;
	p0 =	sge.u32 s10, s6;
	[sflag:s20] =	ssyncset.done $0x0  }
0x75: {  	s3 =	simm.s32 @!p0 $0x80;
	s7 =	simm.s32 @!p0 $0x7800;
	[sflag:s20] =	ssyncadd.s32 $0xFFFFE000  }
0x76: {  	[tilespmem:s7], [sflag:$0x1] =	stream.indirect.gather @!p0 [hbm4b:s4+s3], $0x40, s17, s3, $0xb8;
	[tilespmem:$0x17600] =	vst v63  }
0x77: {  	_ =	swait.ge [sflag:s8], $0x2000  }
0x78: {  	[sflag:s8] =	ssyncset.done $0x0  }
0x79: {  	s0 =	sadd.s32 $0x100, s0;
	s3 =	simm.s32 $0x80;
	[sflag:s8] =	ssyncadd.s32 $0xFFFFE000  }
0x7a: {  	[spmem:s2] =	stream.indirect.scatter.add.f32 [tilespmem:s26], [sflag:$0x3], $0x40, s0, s3, $0xb8;
	[tilespmem:$0x17600] =	vst v63  }
0x7b: {  	_ =	swait.ge [sflag:s20], $0x2000  }
0x7c: {  	[sflag:s20] =	ssyncset.done $0x0  }
0x7d: {  	[sflag:s20] =	ssyncadd.s32 $0xFFFFE000  }
0x7e: {  	s13 =	stileid.u32;
	[bflag:$0x0] =	sbarrier.arrive $0xFFFF  }
0x7f: {  	s15 =	sshll.u32 s13, $0x6;
	s23 =	rddreg [dreg:$0x6]  }
0x80: {  	s13 =	simm.s32 $0x10;
	s8 =	sor.u32 $0x1C03, s15;
	s10 =	rddreg [dreg:$0x8]  }
0x81: {  	s15 =	sshrl.u32 s12, $0x3;
	s10 =	sadd.s32 s23, s10;
	s23 =	simm.s32 $0x8  }
0x82: {  	[hbm:s10@s13], [sflag:s8] =	dma.strided [spmem:s15@s23], $0x13C0, s28, $0x8   }
0x83: {  	_ =	swait.ge [sflag:s20], $0x13C0  }
0x84: {  	[sflag:s20] =	ssyncset.done $0x0  }
0x85: {  	[sflag:s20] =	ssyncadd.s32 $0xFFFFEC40  }
0x86: {  	s10 =	simm.s32 $0xB800;
	[bflag:$0x0] =	sbarrier.arrive $0xFFFF  }
0x87: {  	[spmem:s12] =	stream.linear.scatter [tilespmem:s10], [sflag:$0x3], $0x2000, $0x38;
	[tilespmem:$0x17600] =	vst v63  }
0x88: {  	_ =	swait.ge [sflag:s20], $0x2000  }
0x89: {  	[sflag:s20] =	ssyncset.done $0x0  }
0x8a: {  	[sflag:s20] =	ssyncadd.s32 $0xFFFFE000  }
0x8b: {  	[spmem:s14] =	stream.linear.scatter [tilespmem:s10], [sflag:$0x3], $0x2000, $0x38;
	[tilespmem:$0x17600] =	vst v63  }
0x8c: {  	_ =	swait.ge [sflag:s20], $0x2000  }
0x8d: {  	[sflag:s20] =	ssyncset.done $0x0  }
0x8e: {  	[sflag:s20] =	ssyncadd.s32 $0xFFFFE000  }
0x8f: {  	[spmem:s29] =	stream.linear.scatter [tilespmem:s10], [sflag:$0x3], $0x2000, $0x38;
	[tilespmem:$0x17600] =	vst v63  }
0x90: {  	_ =	swait.ge [sflag:s20], $0x2000  }
0x91: {  	[sflag:s20] =	ssyncset.done $0x0  }
0x92: {  	s31 =	smov.u32 s14;
	s14 =	rddreg [dreg:$0x5];
	[sflag:s20] =	ssyncadd.s32 $0xFFFFE000  }
0x93: {  	[spmem:s14] =	stream.linear.scatter [tilespmem:s10], [sflag:$0x3], $0x2000, $0x38;
	[tilespmem:$0x17600] =	vst v63  }
0x94: {  	_ =	swait.ge [sflag:s20], $0x2000  }
0x95: {  	[sflag:s20] =	ssyncset.done $0x0  }
0x96: {  	s13 =	smov.u32 s12;
	s12 =	rddreg [dreg:$0x7];
	[sflag:s20] =	ssyncadd.s32 $0xFFFFE000  }
0x97: {  	[spmem:s12] =	stream.linear.scatter [tilespmem:s10], [sflag:$0x3], $0x1E00, $0x38;
	[tilespmem:$0x17600] =	vst v63  }
0x98: {  	_ =	swait.ge [sflag:s20], $0x1E00  }
0x99: {  	[sflag:s20] =	ssyncset.done $0x0  }
0x9a: {  	[sflag:s20] =	ssyncadd.s32 $0xFFFFE200  }
0x9b: {  	[bflag:$0x0] =	sbarrier.arrive $0xFFFF  }
0x9c: {  	[tilespmem:s25], [sflag:$0x1] =	stream.indirect.gather [hbm4b:s5+s3], $0x40, s11, s3, $0xb8;
	[tilespmem:$0x17600] =	vst v63  }
0x9d: {  	_ = 	snop  }
0x9e: {  	[tilespmem:s26], [sflag:$0x2] =	stream.indirect.gather [hbm4b:s5+s24], $0x40, s3, s24, $0xb8;
	[tilespmem:$0x17600] =	vst v63  }
0x9f: {  	_ =	swait.ge [sflag:s28], $0x2000  }
0xa0: {  	[sflag:s28] =	ssyncset.done $0x0  }
0xa1: {  	s23 =	smov.u32 s29;
	s29 =	simm.s32 $0x3C00;
	[sflag:s28] =	ssyncadd.s32 $0xFFFFE000  }
0xa2: {  	[spmem:s2] =	stream.indirect.scatter.add.f32 [tilespmem:s25], [sflag:$0x3], $0x40, s29, s24, $0xb8;
	[tilespmem:$0x17600] =	vst v63  }
0xa3: {  	p1 =	sle.u32 s6, $0x2;
	_ =	swait.ge [sflag:s20], $0x2000  }
0xa4: {  	s10 =	simm.s32 @!p1 $0x80;
	[sflag:s20] =	ssyncset.done $0x0  }
0xa5: {  	s11 =	simm.s32 @!p1 $0x7800;
	s3 =	simm.s32 @!p1 $0x100;
	[sflag:s20] =	ssyncadd.s32 $0xFFFFE000  }
0xa6: {  	[tilespmem:s11], [sflag:$0x1] =	stream.indirect.gather @!p1 [hbm4b:s5+s10], $0x40, s3, s10, $0xb8;
	[tilespmem:$0x17600] =	vst v63  }
0xa7: {  	s3 =	sadd.s32 $0xFFFFFFFF, s18  }
0xa8: {  	p1 =	sne.s32 s3, $0x0  }
.Ltmp4:
0xa9: {  	_ =	swait.ge [sflag:s30], $0x2000;
	(pc) =	sbr.rel @!p1 .LBB2_10-.Ltmp4, $4  }
0xaa: {  	[sflag:s30] =	ssyncset.done $0x0  }
0xab: {  	s14 =	simm.s32 $0x3C80;
	[sflag:s30] =	ssyncadd.s32 $0xFFFFE000  }
0xac: {  	[spmem:s2] =	stream.indirect.scatter.add.f32 [tilespmem:s26], [sflag:$0x3], $0x40, s14, s24, $0xb8;
	[tilespmem:$0x17600] =	vst v63  }
0xad: {  	s10 =	simm.s32 $0x180;
	s11 =	simm.s32 $0x4;
	_ =	swait.ge [sflag:s20], $0x2000  }
.LBB2_9:
0xae: {  	s3 =	sadd.s32 $0xFFFFFFFF, s3;
	[sflag:s20] =	ssyncset.done $0x0;
	s29 =	sadd.s32 $0x100, s29  }
0xaf: {  	p1 =	sne.s32 s3, $0x0;
	[sflag:s20] =	ssyncadd.s32 $0xFFFFE000  }
0xb0: {  	[tilespmem:s26], [sflag:$0x2] =	stream.indirect.gather [hbm4b:s5+s24], $0x40, s10, s24, $0xb8;
	[tilespmem:$0x17600] =	vst v63  }
0xb1: {  	_ =	swait.ge [sflag:s28], $0x2000  }
0xb2: {  	[sflag:s28] =	ssyncset.done $0x0  }
0xb3: {  	[sflag:s28] =	ssyncadd.s32 $0xFFFFE000  }
0xb4: {  	[spmem:s2] =	stream.indirect.scatter.add.f32 [tilespmem:s25], [sflag:$0x3], $0x40, s29, s24, $0xb8;
	[tilespmem:$0x17600] =	vst v63  }
0xb5: {  	p2 =	sge.u32 s11, s6;
	_ =	swait.ge [sflag:s20], $0x2000  }
0xb6: {  	s12 =	sadd.s32 @!p2 $0x80, s10;
	s14 =	simm.s32 @!p2 $0x80;
	[sflag:s20] =	ssyncset.done $0x0  }
0xb7: {  	s7 =	simm.s32 @!p2 $0x7800;
	[sflag:s20] =	ssyncadd.s32 $0xFFFFE000  }
0xb8: {  	[tilespmem:s7], [sflag:$0x1] =	stream.indirect.gather @!p2 [hbm4b:s5+s14], $0x40, s12, s14, $0xb8;
	[tilespmem:$0x17600] =	vst v63  }
.Ltmp5:
0xb9: {  	_ =	swait.ge [sflag:s30], $0x2000;
	(pc) =	sbr.rel @p1 .LBB2_9-.Ltmp5, $4  }
0xba: {  	s7 =	sadd.s32 $0x80, s29;
	[sflag:s30] =	ssyncset.done $0x0  }
0xbb: {  	[sflag:s30] =	ssyncadd.s32 $0xFFFFE000  }
0xbc: {  	[spmem:s2] =	stream.indirect.scatter.add.f32 [tilespmem:s26], [sflag:$0x3], $0x40, s7, s24, $0xb8;
	[tilespmem:$0x17600] =	vst v63  }
0xbd: {  	s11 =	sadd.s32 $0x2, s11;
	s10 =	sadd.s32 $0x100, s10;
	_ =	swait.ge [sflag:s20], $0x2000  }
.LBB2_10:
0xbe: {  	[sflag:s20] =	ssyncset.done $0x0  }
0xbf: {  	[sflag:s20] =	ssyncadd.s32 $0xFFFFE000  }
0xc0: {  	[tilespmem:s26], [sflag:$0x2] =	stream.indirect.gather [hbm4b:s5+s24], $0x40, s1, s24, $0xb8;
	[tilespmem:$0x17600] =	vst v63  }
0xc1: {  	_ =	swait.ge [sflag:s28], $0x2000  }
0xc2: {  	[sflag:s28] =	ssyncset.done $0x0  }
0xc3: {  	[sflag:s28] =	ssyncadd.s32 $0xFFFFE000  }
0xc4: {  	[spmem:s2] =	stream.indirect.scatter.add.f32 [tilespmem:s25], [sflag:$0x3], $0x40, s9, s24, $0xb8;
	[tilespmem:$0x17600] =	vst v63  }
0xc5: {  	_ =	swait.ge [sflag:s20], $0x2000  }
0xc6: {  	[sflag:s20] =	ssyncset.done $0x0  }
0xc7: {  	s3 =	simm.s32 @!p0 $0x7800;
	s1 =	simm.s32 @!p0 $0x80;
	[sflag:s20] =	ssyncadd.s32 $0xFFFFE000  }
0xc8: {  	[tilespmem:s3], [sflag:$0x1] =	stream.indirect.gather @!p0 [hbm4b:s5+s1], $0x40, s17, s1, $0xb8;
	[tilespmem:$0x17600] =	vst v63  }
0xc9: {  	_ =	swait.ge [sflag:s30], $0x2000  }
0xca: {  	[sflag:s30] =	ssyncset.done $0x0  }
0xcb: {  	[sflag:s30] =	ssyncadd.s32 $0xFFFFE000  }
0xcc: {  	[spmem:s2] =	stream.indirect.scatter.add.f32 [tilespmem:s26], [sflag:$0x3], $0x40, s0, s24, $0xb8;
	[tilespmem:$0x17600] =	vst v63  }
0xcd: {  	_ =	swait.ge [sflag:s20], $0x2000  }
0xce: {  	[sflag:s20] =	ssyncset.done $0x0  }
0xcf: {  	[sflag:s20] =	ssyncadd.s32 $0xFFFFE000  }
0xd0: {  	[bflag:$0x0] =	sbarrier.arrive $0xFFFF  }
0xd1: {  	s12 =	simm.s32 $0x10;
	s14 =	simm.s32 $0x8;
	s11 =	rddreg [dreg:$0xa]  }
0xd2: {  	[hbm:s11@s12], [sflag:s8] =	dma.strided [spmem:s15@s14], $0x13C0, s28, $0x8   }
0xd3: {  	_ =	swait.ge [sflag:s20], $0x13C0  }
0xd4: {  	s22 =	sadd.s32 $0x1, s22;
	s17 =	rddreg [dreg:$0x9]  }
0xd5: {  	p0 =	sne.s32 s22, s17  }
.Ltmp6:
0xd6: {  	_ = 	snop;
	(pc) =	sbr.rel @p0 .LBB2_1-.Ltmp6, $4  }
.Ltmp7:
0xd7: {  	[sflag:s20] =	ssyncset.done $0x0;
	(pc) =	sbr.rel @!p0 .LBB2_11-.Ltmp7, $4  }
0xd8: {  	[sflag:s20] =	ssyncadd.s32 $0xFFFFEC40  }
0xd9: {  	s29 =	smov.u32 s23;
	[bflag:$0x0] =	sbarrier.arrive $0xFFFF  }
0xda: {  	s11 =	simm.s32 $0x0;
	s12 =	smov.u32 s13;
	s14 =	smov.u32 s31  }
0xdb: {  	_ = 	snop  }
.LBB2_4:
.Ltmp8:
0xdc: {  	(pc) =	sbr.rel .LBB2_8-.Ltmp8, $2  }
0xdd: {  	_ =	sdelay $0x2  }
0xde: {  	s15 =	simm.s32 $0x2  }
.LBB2_11:
0xdf: {  	_ =	sfence.sel $0x180000  }
0xe0: {  	[bflag:$0x0] =	sbarrier.arrive $0xFFFF  }
0xe1: {  	_ =	strace $0x9000004A  }
0xe2: {  	s0 =	stileid.u32;
	[bflag:$0x2] =	sbarrier.arrive $0xFFFF  }
0xe3: {  	p0 =	sne.s32 s0, $0x0;
	s0 =	rddreg [dreg:$0x2]  }
0xe4: {  	s0 =	sadd.s32 @!p0 $0x100000, s0  }
0xe5: {  	[sflag:s0] =	ssyncadd.tile.s32 @!p0 $0x1;
	_ =	shalt  }
.Lfunc_end2:
_tile_overlayer_lowered:
.L_overlay_start_2:
0xe6: {  	(tag) =	ssettag $0x2  }
0xe7: {  	s0 =	rddreg [dreg:$0x0];
	s2 =	stileid.u32  }
0xe8: {  	s1 =	rddreg [dreg:$0x1];
	p0 =	sne.s32 s2, $0x0  }
0xe9: {  	s3 =	rddreg [dreg:$0x2];
	[bflag:$0x3] =	sbarrier.arrive $0xFFFF;
	s2 =	simm.s32 @!p0 $0x1C03  }
0xea: {  	[timem:s3], [sflag:s2] =	dma.local @!p0 [hbm:s0], s1  }
0xeb: {  	s0 =	simm.s32 @!p0 $0x3  }
0xec: {  	_ =	swait.ge @!p0 [sflag:s0], s1  }
0xed: {  	s1 =	ssub.s32 @!p0 $0x0, s1;
	[sflag:s0] =	ssyncset.done @!p0 $0x0  }
0xee: {  	[sflag:s0] =	ssyncadd.s32 @!p0 s1  }
0xef: {  	[bflag:$0x3] =	sbarrier.arrive $0xFFFF  }
0xf0: {  	_ =	shalt  }

</sc_bundles>
